<compile_context>
chip_gen: v7x
topology: tpu7x:2x2x1
jax: 0.10.2.dev20260603
libtpu: 0.0.44.dev20260713+nightly
codegen_flags: <defaults>
</compile_context>

<pallas_src>
import functools

import jax
import jax.numpy as jnp
from jax import lax
from jax.experimental import pallas as pl
from jax.experimental.pallas import tpu as pltpu
from jax.experimental.pallas import tpu_sc as plsc

N = 16384
S = 4096
D = 64
K = 20
NB = 8
GAMMA = 0.5
ROW = 256

T1 = 256
T3 = 256
T4 = 2048

NH = 2
NQ = N // NH
NUM_SC = 2
NUM_SUBCORES = 16
NW = NUM_SC * NUM_SUBCORES
B_IDX = NB * NQ
B_PER_W = B_IDX // NW
CHUNK = 256


def _topk_body(d_ref, idx_ref, s_ref):
    s_ref[...] = d_ref[...]
    col = lax.broadcasted_iota(jnp.int32, (T1, S), 1)
    for j in range(NB):
        s = s_ref[...]
        am = jnp.argmin(s, axis=1).astype(jnp.int32)[:, None]
        idx_ref[:, j:j + 1] = am
        s_ref[...] = jnp.where(col == am, jnp.inf, s)


def _topk_idx(dists, half):
    off = half * (NQ // T1)
    return pl.pallas_call(
        _topk_body,
        grid=(NQ // T1,),
        in_specs=[pl.BlockSpec((T1, S), lambda i, o=off: (i + o, 0))],
        out_specs=pl.BlockSpec((T1, NB), lambda i: (i, 0)),
        out_shape=jax.ShapeDtypeStruct((NQ, NB), jnp.int32),
        scratch_shapes=[pltpu.VMEM((T1, S), jnp.float32)],
    )(dists)


def _sc_gather(table, idx_flat):
    mesh = plsc.VectorSubcoreMesh(core_axis_name="c", subcore_axis_name="s")

    @functools.partial(
        pl.kernel,
        mesh=mesh,
        out_type=jax.ShapeDtypeStruct((B_IDX, ROW), jnp.float32),
        scratch_types=[
            pltpu.VMEM((CHUNK,), jnp.int32),
            pltpu.VMEM((CHUNK, ROW), jnp.float32),
            pltpu.SemaphoreType.DMA,
        ],
    )
    def gather_kernel(table_hbm, idx_hbm, out_hbm, idx_v, rows_v, sem):
        wid = lax.axis_index("s") * NUM_SC + lax.axis_index("c")
        base = wid * B_PER_W

        @pl.loop(0, B_PER_W, step=CHUNK)
        def _(c):
            off = base + c
            pltpu.sync_copy(idx_hbm.at[pl.ds(off, CHUNK)], idx_v)
            pltpu.async_copy(table_hbm.at[idx_v], rows_v, sem).wait()
            pltpu.sync_copy(rows_v, out_hbm.at[pl.ds(off, CHUNK)])

    return gather_kernel(table, idx_flat)


def _halve_sum(parts):
    parts = list(parts)
    while len(parts) > 1:
        h = len(parts) // 2
        parts = [parts[i] + parts[h + i] for i in range(h)]
    return parts[0]


def _interp_body(g_ref, x1_ref, interp_ref, wsum_ref):
    x1 = x1_ref[...]
    wk_cols = []
    for n in range(NB):
        g = g_ref[n]
        ux = g[:, 0:1] - x1[:, 0:1]
        uy = g[:, 1:2] - x1[:, 1:2]
        uz = g[:, 2:3] - x1[:, 2:3]
        dist = jnp.sqrt(ux * ux + uy * uy + uz * uz)
        den = dist + 1e-08
        ux, uy, uz = ux / den, uy / den, uz / den
        d0 = g[:, 23:43]
        d1 = g[:, 43:63]
        d2 = g[:, 63:83]
        dn = jnp.sqrt(d0 * d0 + d1 * d1 + d2 * d2) + 1e-08
        simm = (d0 / dn) * ux + (d1 / dn) * uy + (d2 / dn) * uz
        mask = jnp.abs(simm) > GAMMA
        t = jnp.where(mask, g[:, 3:23], 0.0)
        wk_n = t[:, 0:1]
        for k in range(1, K):
            wk_n = wk_n + t[:, k:k + 1]
        wk_cols.append(wk_n)
    wsum = _halve_sum(wk_cols) + 1e-08
    dr_cols = [wk_n / wsum + 1e-06 + 1e-10 for wk_n in wk_cols]
    norm = _halve_sum(dr_cols) + 1e-08
    acc = jnp.zeros((T3, D), jnp.float32)
    for n in range(NB):
        acc = acc + g_ref[n][:, 83:83 + D] * (dr_cols[n] / norm)
    interp_ref[...] = acc
    wsum_ref[...] = wsum


def _interpolate(g3, x1_2d, half):
    off = half * (NQ // T3)
    return pl.pallas_call(
        _interp_body,
        grid=(NQ // T3,),
        in_specs=[
            pl.BlockSpec((NB, T3, ROW), lambda i: (0, i, 0)),
            pl.BlockSpec((T3, 3), lambda i, o=off: (i + o, 0)),
        ],
        out_specs=[
            pl.BlockSpec((T3, D), lambda i: (i, 0)),
            pl.BlockSpec((T3, 1), lambda i: (i, 0)),
        ],
        out_shape=[
            jax.ShapeDtypeStruct((NQ, D), jnp.float32),
            jax.ShapeDtypeStruct((NQ, 1), jnp.float32),
        ],
    )(g3, x1_2d)


def _combine_body(interp_ref, wsum_ref, p1_ref, cs_ref, out_ref):
    out_ref[...] = (interp_ref[...] * wsum_ref[...]
                    + cs_ref[0, 0] * p1_ref[...])


def _combine(interp, wsum, p1_2d, cs):
    return pl.pallas_call(
        _combine_body,
        grid=(N // T4,),
        in_specs=[
            pl.BlockSpec((T4, D), lambda i: (i, 0)),
            pl.BlockSpec((T4, 1), lambda i: (i, 0)),
            pl.BlockSpec((T4, D), lambda i: (i, 0)),
            pl.BlockSpec(memory_space=pltpu.SMEM),
        ],
        out_specs=pl.BlockSpec((T4, D), lambda i: (i, 0)),
        out_shape=jax.ShapeDtypeStruct((N, D), jnp.float32),
    )(interp, wsum, p1_2d, cs)


def kernel(xyz1, xyz2, points1, points2, percentage, direction, features):
    del features
    x1_2d = xyz1[0]
    x2_2d = xyz2[0]

    dist = -2.0 * jnp.matmul(xyz1, jnp.swapaxes(xyz2, 1, 2))
    dist = dist + jnp.sum(xyz1 ** 2, -1)[:, :, None]
    dist = dist + jnp.sum(xyz2 ** 2, -1)[:, None, :]
    dists = dist[0]

    dir_cm = jnp.transpose(direction[0], (0, 2, 1)).reshape(S, 3 * K)
    table = jnp.concatenate(
        [x2_2d, percentage[0], dir_cm, points2[0],
         jnp.zeros((S, ROW - 147), jnp.float32)], axis=1)

    interp_h, wsum_h = [], []
    for h in range(NH):
        idx = _topk_idx(dists, h)
        idx_flat = jnp.transpose(idx).reshape(B_IDX)
        g = _sc_gather(table, idx_flat)
        g3 = g.reshape(NB, NQ, ROW)
        ih, wh = _interpolate(g3, x1_2d, h)
        interp_h.append(ih)
        wsum_h.append(wh)
    interp = jnp.concatenate(interp_h, axis=0)
    wsum = jnp.concatenate(wsum_h, axis=0)
    scale = jnp.sum(wsum.reshape(1, N)) / N
    coef = 0.3 if N == 4 * S else 0.01
    cs = (1e-08 + coef * scale).reshape(1, 1)
    val = _combine(interp, wsum, points1[0], cs).reshape(1, N, D)
    return val / (jnp.sum(val, axis=-1, keepdims=True) + 1e-09)

# --- scband reference (transcript-rebuilt; emitter-appended) ---
"""Pipeline reference for scband-dec-np-49331994362184 (READ-ONLY COPY).

The authoritative reference and input builder live on the scoring server;
editing this copy changes nothing except your own understanding.
"""

import jax, jax.numpy as jnp
import numpy as np

N = 16384
S = 4096
D = 64
K = 20
DE_NEIGHBORS = 8
GAMMA = 0.5
DELTA = 4


def square_distance(src, dst):
    dist = -2.0 * jnp.matmul(src, jnp.swapaxes(dst, 1, 2))
    dist = dist + jnp.sum(src ** 2, -1)[:, :, None]
    dist = dist + jnp.sum(dst ** 2, -1)[:, None, :]
    return dist


def normalize(features, axis=-1):
    if features.shape[axis] > 100:
        n = jnp.linalg.norm(features, axis=axis, keepdims=True)
        return features / jnp.maximum(n, 1e-12)
    else:
        return features / (jnp.sum(features, axis=axis, keepdims=True) + 1e-09)


def setup_inputs(seed: int = 0) -> dict:
    key = jax.random.key(seed)
    ks = jax.random.split(key, 7)
    return {
        "xyz1": jax.random.normal(ks[0], (1, N, 3), dtype=jnp.float32),
        "xyz2": jax.random.normal(ks[1], (1, S, 3), dtype=jnp.float32),
        "points1": jax.random.normal(ks[2], (1, N, D), dtype=jnp.float32),
        "points2": jax.random.normal(ks[3], (1, S, D), dtype=jnp.float32),
        "percentage": jax.random.uniform(ks[4], (1, S, K), dtype=jnp.float32),
        "direction": jax.random.normal(ks[5], (1, S, K, 3), dtype=jnp.float32),
        "features": jax.random.normal(ks[6], (1, S, K, D), dtype=jnp.float32),
    }


def reference(xyz1, xyz2, points1, points2, percentage, direction, features):
    # DecNP with num_stages=1: after list reversal, one propagate call:
    # propagate(xyz1=fine, xyz2=coarse, points1=fine feats, points2=coarse feats, bag)
    de_neighbors = DE_NEIGHBORS
    directions = direction / (jnp.sqrt(direction[..., 0] ** 2 + direction[..., 1] ** 2 + direction[..., 2] ** 2)[..., None] + 1e-08)
    B, N_, C = xyz1.shape
    _, S_, _ = xyz2.shape
    dists = square_distance(xyz1, xyz2)  # [B, N, S]
    order = jnp.argsort(dists, axis=-1)
    dists_sorted = jnp.take_along_axis(dists, order, axis=-1)
    dists_k = dists_sorted[:, :, :de_neighbors]
    idx = order[:, :, :de_neighbors]  # [B, N, k]

    de_k_directions = xyz2[0][idx]  # [B, N, k, 3]
    de_k_directions = de_k_directions - xyz1[:, :, None, :]
    de_k_distace = jnp.sqrt(de_k_directions[..., 0] ** 2 + de_k_directions[..., 1] ** 2 + de_k_directions[..., 2] ** 2)
    de_k_directions = de_k_directions / (de_k_distace[..., None] + 1e-08)

    k_weight = percentage[0][idx]      # [B, N, k, K]
    k_directions = directions[0][idx]  # [B, N, k, K, 3]
    de_k_dir_exp = de_k_directions[:, :, :, None, :]  # [B, N, k, 1, 3]
    de_k_simm = jnp.sum(k_directions * de_k_dir_exp, axis=-1)  # [B, N, k, K]
    de_k_mask = jnp.abs(de_k_simm) > GAMMA
    de_k_weight = jnp.sum(de_k_mask.astype(k_weight.dtype) * k_weight, axis=-1)  # [B, N, k]
    de_k_weight_sum = jnp.sum(de_k_weight, axis=-1) + 1e-08  # [B, N]
    de_k_weight_norm = de_k_weight / de_k_weight_sum[..., None]
    de_k_weight_norm = 1.0 * de_k_weight_norm + 0.0 * de_k_weight_sum[..., None] + 1e-06

    dist_recip = de_k_weight_norm + 1e-10
    norm = jnp.sum(dist_recip, axis=2, keepdims=True)
    weight = dist_recip / (norm + 1e-08)
    weight = weight.reshape(B, N_, de_neighbors, 1)

    interpolated_points = jnp.sum(points2[0][idx] * weight, axis=2)  # [B, N, D]

    coef = 0.3 if N_ == DELTA * S_ else 0.01
    # torch uses .item() here, which detaches the scalar from the graph
    scale = jax.lax.stop_gradient(jnp.sum(de_k_weight_sum) / de_k_weight_sum.shape[-1])
    new_points = normalize(interpolated_points * de_k_weight_sum[..., None] + (1e-08 + coef * scale) * points1, axis=-1)
    return new_points


if False:  # reference __main__ guard neutralized (emitter)
    out = reference(**setup_inputs())
    print(out.shape, out.dtype)

if __name__ == "__main__":
    import jax
    _d = setup_inputs()
    print(jax.jit(kernel)(*tuple(_d.values())))

</pallas_src>

<mosaic_0001>
#map = affine_map<(d0, d1) -> (0, 0)>
#map1 = affine_map<(d0, d1) -> (0)>
module attributes {stable_mosaic.version = 14 : i64} {
  func.func @gather_kernel(%arg0: i32, %arg1: i32, %arg2: memref<4096x256xf32, #tpu.memory_space<hbm>>, %arg3: memref<65536xi32, #tpu.memory_space<hbm>>, %arg4: memref<65536x256xf32, #tpu.memory_space<hbm>>, %arg5: memref<256xi32, #tpu.memory_space<vmem>>, %arg6: memref<256x256xf32, #tpu.memory_space<vmem>>, %arg7: memref<!tpu.dma_semaphore, #tpu.memory_space<semaphore_mem>>) attributes {dimension_semantics = [#tpu.dimension_semantics<core_parallel>, #tpu.dimension_semantics<subcore_parallel>], iteration_bounds = array<i64: 2, 16>, scalar_prefetch = 0 : i64, scratch_operands = 3 : i64, tpu.core_type = #tpu.core_type<sc_vector_subcore>, window_params = [{transform_indices = #map}, {transform_indices = #map1}, {transform_indices = #map}]} {
    %mul3A = arith.constant 2 : i32
    %mul3A_0 = arith.muli %arg1, %mul3A : i32
    %add3A = arith.addi %mul3A_0, %arg0 : i32
    %mul3A_1 = arith.constant 2048 : i32
    %mul3A_2 = arith.muli %add3A, %mul3A_1 : i32
    %scan3A = arith.constant 0 : i32
    %scan3A_3 = arith.constant 8 : i32
    %scan3A_4 = arith.addi %scan3A, %scan3A_3 : i32
    %scan3A_5 = arith.constant 1 : i32
    scf.for %scan3A_7 = %scan3A to %scan3A_4 step %scan3A_5  : i32 {
      %mul3A_8 = arith.constant 256 : i32
      %mul3A_9 = arith.muli %scan3A_7, %mul3A_8 : i32
      %add3A_10 = arith.constant 0 : i32
      %add3A_11 = arith.addi %add3A_10, %mul3A_9 : i32
      %add3A_12 = arith.addi %mul3A_2, %add3A_11 : i32
      "tpu.region"() ({
        %run_scoped3A = tpu.sem_alloc : memref<!tpu.dma_semaphore, #tpu.memory_space<semaphore_mem>>
        %dma_start3A_17 = tpu.memref_slice %arg3[%add3A_12] : memref<65536xi32, #tpu.memory_space<hbm>> -> memref<256xi32, #tpu.memory_space<hbm>>
        %dma_start3A_18 = tpu.memref_slice %arg3[%add3A_12] : memref<65536xi32, #tpu.memory_space<hbm>> -> memref<256xi32, #tpu.memory_space<hbm>>
        tpu.enqueue_dma source(%dma_start3A_18 : memref<256xi32, #tpu.memory_space<hbm>>) target(%arg5 : memref<256xi32, #tpu.memory_space<vmem>>) target_semaphore(%run_scoped3A : memref<!tpu.dma_semaphore, #tpu.memory_space<semaphore_mem>>)
        %dma_wait3A_19 = tpu.memref_slice %arg3[%add3A_12] : memref<65536xi32, #tpu.memory_space<hbm>> -> memref<256xi32, #tpu.memory_space<hbm>>
        %dma_wait3A_20 = tpu.memref_slice %arg3[%add3A_12] : memref<65536xi32, #tpu.memory_space<hbm>> -> memref<256xi32, #tpu.memory_space<hbm>>
        tpu.wait_dma2 semaphore(%run_scoped3A : memref<!tpu.dma_semaphore, #tpu.memory_space<semaphore_mem>>) src(%dma_wait3A_20 : memref<256xi32, #tpu.memory_space<hbm>>) dst(%arg5 : memref<256xi32, #tpu.memory_space<vmem>>)
        tpu.yield
      }) : () -> ()
      %dma_start3A = arith.constant 0 : i32
      %dma_start3A_13 = arith.constant 0 : i32
      %dma_start3A_14 = tpu.memref_slice %arg2[%dma_start3A, %dma_start3A_13] : memref<4096x256xf32, #tpu.memory_space<hbm>> -> memref<4096x256xf32, #tpu.memory_space<hbm>>
      tpu.enqueue_indirect_dma source(%dma_start3A_14 : memref<4096x256xf32, #tpu.memory_space<hbm>>) target(%arg6 : memref<256x256xf32, #tpu.memory_space<vmem>>) offsets(%arg5 : memref<256xi32, #tpu.memory_space<vmem>>) semaphore(%arg7 : memref<!tpu.dma_semaphore, #tpu.memory_space<semaphore_mem>>)
      %dma_wait3A = arith.constant 0 : i32
      %dma_wait3A_15 = arith.constant 0 : i32
      %dma_wait3A_16 = tpu.memref_slice %arg2[%dma_wait3A, %dma_wait3A_15] : memref<4096x256xf32, #tpu.memory_space<hbm>> -> memref<4096x256xf32, #tpu.memory_space<hbm>>
      tpu.wait_indirect_dma semaphore(%arg7 : memref<!tpu.dma_semaphore, #tpu.memory_space<semaphore_mem>>) src(%dma_wait3A_16 : memref<4096x256xf32, #tpu.memory_space<hbm>>) dst(%arg6 : memref<256x256xf32, #tpu.memory_space<vmem>>)
      "tpu.region"() ({
        %run_scoped3A = tpu.sem_alloc : memref<!tpu.dma_semaphore, #tpu.memory_space<semaphore_mem>>
        %dma_start3A_17 = arith.constant 0 : i32
        %dma_start3A_18 = tpu.memref_slice %arg4[%add3A_12, %dma_start3A_17] : memref<65536x256xf32, #tpu.memory_space<hbm>> -> memref<256x256xf32, #tpu.memory_space<hbm>>
        %dma_start3A_19 = arith.constant 0 : i32
        %dma_start3A_20 = tpu.memref_slice %arg4[%add3A_12, %dma_start3A_19] : memref<65536x256xf32, #tpu.memory_space<hbm>> -> memref<256x256xf32, #tpu.memory_space<hbm>>
        tpu.enqueue_dma source(%arg6 : memref<256x256xf32, #tpu.memory_space<vmem>>) target(%dma_start3A_20 : memref<256x256xf32, #tpu.memory_space<hbm>>) target_semaphore(%run_scoped3A : memref<!tpu.dma_semaphore, #tpu.memory_space<semaphore_mem>>)
        %dma_wait3A_21 = arith.constant 0 : i32
        %dma_wait3A_22 = tpu.memref_slice %arg4[%add3A_12, %dma_wait3A_21] : memref<65536x256xf32, #tpu.memory_space<hbm>> -> memref<256x256xf32, #tpu.memory_space<hbm>>
        %dma_wait3A_23 = arith.constant 0 : i32
        %dma_wait3A_24 = tpu.memref_slice %arg4[%add3A_12, %dma_wait3A_23] : memref<65536x256xf32, #tpu.memory_space<hbm>> -> memref<256x256xf32, #tpu.memory_space<hbm>>
        tpu.wait_dma2 semaphore(%run_scoped3A : memref<!tpu.dma_semaphore, #tpu.memory_space<semaphore_mem>>) src(%arg6 : memref<256x256xf32, #tpu.memory_space<vmem>>) dst(%dma_wait3A_24 : memref<256x256xf32, #tpu.memory_space<hbm>>)
        tpu.yield
      }) : () -> ()
    }
    %scan3A_6 = arith.constant 8 : i32
    return
  }
}

#map = affine_map<(d0, d1) -> (0, 0)>
#map1 = affine_map<(d0, d1) -> (0)>
module attributes {stable_mosaic.version = 14 : i64} {
  func.func @gather_kernel(%arg0: i32, %arg1: i32, %arg2: memref<4096x256xf32, #tpu.memory_space<hbm>>, %arg3: memref<65536xi32, #tpu.memory_space<hbm>>, %arg4: memref<65536x256xf32, #tpu.memory_space<hbm>>, %arg5: memref<256xi32, #tpu.memory_space<vmem>>, %arg6: memref<256x256xf32, #tpu.memory_space<vmem>>, %arg7: memref<!tpu.dma_semaphore, #tpu.memory_space<semaphore_mem>>) attributes {dimension_semantics = [#tpu.dimension_semantics<core_parallel>, #tpu.dimension_semantics<subcore_parallel>], iteration_bounds = array<i64: 2, 16>, scalar_prefetch = 0 : i64, scratch_operands = 3 : i64, tpu.core_type = #tpu.core_type<sc_vector_subcore>, window_params = [{transform_indices = #map}, {transform_indices = #map1}, {transform_indices = #map}]} {
    %mul3A = arith.constant 2 : i32
    %mul3A_0 = arith.muli %arg1, %mul3A : i32
    %add3A = arith.addi %mul3A_0, %arg0 : i32
    %mul3A_1 = arith.constant 2048 : i32
    %mul3A_2 = arith.muli %add3A, %mul3A_1 : i32
    %scan3A = arith.constant 0 : i32
    %scan3A_3 = arith.constant 8 : i32
    %scan3A_4 = arith.addi %scan3A, %scan3A_3 : i32
    %scan3A_5 = arith.constant 1 : i32
    scf.for %scan3A_7 = %scan3A to %scan3A_4 step %scan3A_5  : i32 {
      %mul3A_8 = arith.constant 256 : i32
      %mul3A_9 = arith.muli %scan3A_7, %mul3A_8 : i32
      %add3A_10 = arith.constant 0 : i32
      %add3A_11 = arith.addi %add3A_10, %mul3A_9 : i32
      %add3A_12 = arith.addi %mul3A_2, %add3A_11 : i32
      "tpu.region"() ({
        %run_scoped3A = tpu.sem_alloc : memref<!tpu.dma_semaphore, #tpu.memory_space<semaphore_mem>>
        %dma_start3A_17 = tpu.memref_slice %arg3[%add3A_12] : memref<65536xi32, #tpu.memory_space<hbm>> -> memref<256xi32, #tpu.memory_space<hbm>>
        %dma_start3A_18 = tpu.memref_slice %arg3[%add3A_12] : memref<65536xi32, #tpu.memory_space<hbm>> -> memref<256xi32, #tpu.memory_space<hbm>>
        tpu.enqueue_dma source(%dma_start3A_18 : memref<256xi32, #tpu.memory_space<hbm>>) target(%arg5 : memref<256xi32, #tpu.memory_space<vmem>>) target_semaphore(%run_scoped3A : memref<!tpu.dma_semaphore, #tpu.memory_space<semaphore_mem>>)
        %dma_wait3A_19 = tpu.memref_slice %arg3[%add3A_12] : memref<65536xi32, #tpu.memory_space<hbm>> -> memref<256xi32, #tpu.memory_space<hbm>>
        %dma_wait3A_20 = tpu.memref_slice %arg3[%add3A_12] : memref<65536xi32, #tpu.memory_space<hbm>> -> memref<256xi32, #tpu.memory_space<hbm>>
        tpu.wait_dma2 semaphore(%run_scoped3A : memref<!tpu.dma_semaphore, #tpu.memory_space<semaphore_mem>>) src(%dma_wait3A_20 : memref<256xi32, #tpu.memory_space<hbm>>) dst(%arg5 : memref<256xi32, #tpu.memory_space<vmem>>)
        tpu.yield
      }) : () -> ()
      %dma_start3A = arith.constant 0 : i32
      %dma_start3A_13 = arith.constant 0 : i32
      %dma_start3A_14 = tpu.memref_slice %arg2[%dma_start3A, %dma_start3A_13] : memref<4096x256xf32, #tpu.memory_space<hbm>> -> memref<4096x256xf32, #tpu.memory_space<hbm>>
      tpu.enqueue_indirect_dma source(%dma_start3A_14 : memref<4096x256xf32, #tpu.memory_space<hbm>>) target(%arg6 : memref<256x256xf32, #tpu.memory_space<vmem>>) offsets(%arg5 : memref<256xi32, #tpu.memory_space<vmem>>) semaphore(%arg7 : memref<!tpu.dma_semaphore, #tpu.memory_space<semaphore_mem>>)
      %dma_wait3A = arith.constant 0 : i32
      %dma_wait3A_15 = arith.constant 0 : i32
      %dma_wait3A_16 = tpu.memref_slice %arg2[%dma_wait3A, %dma_wait3A_15] : memref<4096x256xf32, #tpu.memory_space<hbm>> -> memref<4096x256xf32, #tpu.memory_space<hbm>>
      tpu.wait_indirect_dma semaphore(%arg7 : memref<!tpu.dma_semaphore, #tpu.memory_space<semaphore_mem>>) src(%dma_wait3A_16 : memref<4096x256xf32, #tpu.memory_space<hbm>>) dst(%arg6 : memref<256x256xf32, #tpu.memory_space<vmem>>)
      "tpu.region"() ({
        %run_scoped3A = tpu.sem_alloc : memref<!tpu.dma_semaphore, #tpu.memory_space<semaphore_mem>>
        %dma_start3A_17 = arith.constant 0 : i32
        %dma_start3A_18 = tpu.memref_slice %arg4[%add3A_12, %dma_start3A_17] : memref<65536x256xf32, #tpu.memory_space<hbm>> -> memref<256x256xf32, #tpu.memory_space<hbm>>
        %dma_start3A_19 = arith.constant 0 : i32
        %dma_start3A_20 = tpu.memref_slice %arg4[%add3A_12, %dma_start3A_19] : memref<65536x256xf32, #tpu.memory_space<hbm>> -> memref<256x256xf32, #tpu.memory_space<hbm>>
        tpu.enqueue_dma source(%arg6 : memref<256x256xf32, #tpu.memory_space<vmem>>) target(%dma_start3A_20 : memref<256x256xf32, #tpu.memory_space<hbm>>) target_semaphore(%run_scoped3A : memref<!tpu.dma_semaphore, #tpu.memory_space<semaphore_mem>>)
        %dma_wait3A_21 = arith.constant 0 : i32
        %dma_wait3A_22 = tpu.memref_slice %arg4[%add3A_12, %dma_wait3A_21] : memref<65536x256xf32, #tpu.memory_space<hbm>> -> memref<256x256xf32, #tpu.memory_space<hbm>>
        %dma_wait3A_23 = arith.constant 0 : i32
        %dma_wait3A_24 = tpu.memref_slice %arg4[%add3A_12, %dma_wait3A_23] : memref<65536x256xf32, #tpu.memory_space<hbm>> -> memref<256x256xf32, #tpu.memory_space<hbm>>
        tpu.wait_dma2 semaphore(%run_scoped3A : memref<!tpu.dma_semaphore, #tpu.memory_space<semaphore_mem>>) src(%arg6 : memref<256x256xf32, #tpu.memory_space<vmem>>) dst(%dma_wait3A_24 : memref<256x256xf32, #tpu.memory_space<hbm>>)
        tpu.yield
      }) : () -> ()
    }
    %scan3A_6 = arith.constant 8 : i32
    return
  }
}

module attributes {stable_mosaic.version = 14 : i64} {
  func.func @_topk_body(%arg0: i32, %arg1: memref<256x4096xf32, #tpu.memory_space<vmem>>, %arg2: memref<256x8xi32, #tpu.memory_space<vmem>>, %arg3: memref<256x4096xf32, #tpu.memory_space<vmem>>) attributes {dimension_semantics = [#tpu.dimension_semantics<arbitrary>], iteration_bounds = array<i64: 32>, scalar_prefetch = 0 : i64, scratch_operands = 1 : i64, tpu.core_type = #tpu.core_type<tc>, window_params = [{transform_indices = @transform_0, window_bounds = array<i64: 256, 4096>}, {transform_indices = @transform_1, window_bounds = array<i64: 256, 8>}]} {
    %get3A = arith.constant 0 : index
    %get3A_0 = arith.constant 0 : index
    %get3A_1 = vector.load %arg1[%get3A, %get3A_0] : memref<256x4096xf32, #tpu.memory_space<vmem>>, vector<256x4096xf32>
    %swap3A = arith.constant 0 : index
    %swap3A_2 = arith.constant 0 : index
    %swap3A_3 = vector.load %arg3[%swap3A, %swap3A_2] : memref<256x4096xf32, #tpu.memory_space<vmem>>, vector<256x4096xf32>
    tpu.vector_store %arg3[%swap3A, %swap3A_2], %get3A_1 {strides = array<i32>} : memref<256x4096xf32, #tpu.memory_space<vmem>>, vector<256x4096xf32>,
    %iota3A = tpu.iota {dimensions = array<i32: 1>} : vector<256x4096xi32>
    %get3A_4 = arith.constant 0 : index
    %get3A_5 = arith.constant 0 : index
    %get3A_6 = vector.load %arg3[%get3A_4, %get3A_5] : memref<256x4096xf32, #tpu.memory_space<vmem>>, vector<256x4096xf32>
    %argmin3A = tpu.reduce_index %get3A_6 {axis = 1 : i32, kind = #tpu.reduction_kind<arg_min>} : vector<256x4096xf32> -> vector<256xi32>
    %broadcast_in_dim3A = vector.shape_cast %argmin3A : vector<256xi32> to vector<256x1xi32>
    %swap3A_7 = arith.constant 0 : index
    %swap3A_8 = arith.constant 0 : index
    %swap3A_9 = vector.load %arg2[%swap3A_7, %swap3A_8] : memref<256x8xi32, #tpu.memory_space<vmem>>, vector<256x1xi32>
    tpu.vector_store %arg2[%swap3A_7, %swap3A_8], %broadcast_in_dim3A {strides = array<i32>} : memref<256x8xi32, #tpu.memory_space<vmem>>, vector<256x1xi32>,
    %eq3A = vector.broadcast %broadcast_in_dim3A : vector<256x1xi32> to vector<256x4096xi32>
    %eq3A_10 = arith.cmpi eq, %iota3A, %eq3A : vector<256x4096xi32>
    %jit3A = arith.constant 0x7F800000 : f32
    %broadcast_in_dim3A_11 = vector.broadcast %jit3A : f32 to vector<256x4096xf32>
    %select_n3A = arith.select %eq3A_10, %broadcast_in_dim3A_11, %get3A_6 : vector<256x4096xi1>, vector<256x4096xf32>
    %swap3A_12 = arith.constant 0 : index
    %swap3A_13 = arith.constant 0 : index
    %swap3A_14 = vector.load %arg3[%swap3A_12, %swap3A_13] : memref<256x4096xf32, #tpu.memory_space<vmem>>, vector<256x4096xf32>
    tpu.vector_store %arg3[%swap3A_12, %swap3A_13], %select_n3A {strides = array<i32>} : memref<256x4096xf32, #tpu.memory_space<vmem>>, vector<256x4096xf32>,
    %get3A_15 = arith.constant 0 : index
    %get3A_16 = arith.constant 0 : index
    %get3A_17 = vector.load %arg3[%get3A_15, %get3A_16] : memref<256x4096xf32, #tpu.memory_space<vmem>>, vector<256x4096xf32>
    %argmin3A_18 = tpu.reduce_index %get3A_17 {axis = 1 : i32, kind = #tpu.reduction_kind<arg_min>} : vector<256x4096xf32> -> vector<256xi32>
    %broadcast_in_dim3A_19 = vector.shape_cast %argmin3A_18 : vector<256xi32> to vector<256x1xi32>
    %swap3A_20 = arith.constant 0 : index
    %swap3A_21 = arith.constant 1 : index
    %swap3A_22 = vector.load %arg2[%swap3A_20, %swap3A_21] : memref<256x8xi32, #tpu.memory_space<vmem>>, vector<256x1xi32>
    tpu.vector_store %arg2[%swap3A_20, %swap3A_21], %broadcast_in_dim3A_19 {strides = array<i32>} : memref<256x8xi32, #tpu.memory_space<vmem>>, vector<256x1xi32>,
    %eq3A_23 = vector.broadcast %broadcast_in_dim3A_19 : vector<256x1xi32> to vector<256x4096xi32>
    %eq3A_24 = arith.cmpi eq, %iota3A, %eq3A_23 : vector<256x4096xi32>
    %jit3A_25 = arith.constant 0x7F800000 : f32
    %broadcast_in_dim3A_26 = vector.broadcast %jit3A_25 : f32 to vector<256x4096xf32>
    %select_n3A_27 = arith.select %eq3A_24, %broadcast_in_dim3A_26, %get3A_17 : vector<256x4096xi1>, vector<256x4096xf32>
    %swap3A_28 = arith.constant 0 : index
    %swap3A_29 = arith.constant 0 : index
    %swap3A_30 = vector.load %arg3[%swap3A_28, %swap3A_29] : memref<256x4096xf32, #tpu.memory_space<vmem>>, vector<256x4096xf32>
    tpu.vector_store %arg3[%swap3A_28, %swap3A_29], %select_n3A_27 {strides = array<i32>} : memref<256x4096xf32, #tpu.memory_space<vmem>>, vector<256x4096xf32>,
    %get3A_31 = arith.constant 0 : index
    %get3A_32 = arith.constant 0 : index
    %get3A_33 = vector.load %arg3[%get3A_31, %get3A_32] : memref<256x4096xf32, #tpu.memory_space<vmem>>, vector<256x4096xf32>
    %argmin3A_34 = tpu.reduce_index %get3A_33 {axis = 1 : i32, kind = #tpu.reduction_kind<arg_min>} : vector<256x4096xf32> -> vector<256xi32>
    %broadcast_in_dim3A_35 = vector.shape_cast %argmin3A_34 : vector<256xi32> to vector<256x1xi32>
    %swap3A_36 = arith.constant 0 : index
    %swap3A_37 = arith.constant 2 : index
    %swap3A_38 = vector.load %arg2[%swap3A_36, %swap3A_37] : memref<256x8xi32, #tpu.memory_space<vmem>>, vector<256x1xi32>
    tpu.vector_store %arg2[%swap3A_36, %swap3A_37], %broadcast_in_dim3A_35 {strides = array<i32>} : memref<256x8xi32, #tpu.memory_space<vmem>>, vector<256x1xi32>,
    %eq3A_39 = vector.broadcast %broadcast_in_dim3A_35 : vector<256x1xi32> to vector<256x4096xi32>
    %eq3A_40 = arith.cmpi eq, %iota3A, %eq3A_39 : vector<256x4096xi32>
    %jit3A_41 = arith.constant 0x7F800000 : f32
    %broadcast_in_dim3A_42 = vector.broadcast %jit3A_41 : f32 to vector<256x4096xf32>
    %select_n3A_43 = arith.select %eq3A_40, %broadcast_in_dim3A_42, %get3A_33 : vector<256x4096xi1>, vector<256x4096xf32>
    %swap3A_44 = arith.constant 0 : index
    %swap3A_45 = arith.constant 0 : index
    %swap3A_46 = vector.load %arg3[%swap3A_44, %swap3A_45] : memref<256x4096xf32, #tpu.memory_space<vmem>>, vector<256x4096xf32>
    tpu.vector_store %arg3[%swap3A_44, %swap3A_45], %select_n3A_43 {strides = array<i32>} : memref<256x4096xf32, #tpu.memory_space<vmem>>, vector<256x4096xf32>,
    %get3A_47 = arith.constant 0 : index
    %get3A_48 = arith.constant 0 : index
    %get3A_49 = vector.load %arg3[%get3A_47, %get3A_48] : memref<256x4096xf32, #tpu.memory_space<vmem>>, vector<256x4096xf32>
    %argmin3A_50 = tpu.reduce_index %get3A_49 {axis = 1 : i32, kind = #tpu.reduction_kind<arg_min>} : vector<256x4096xf32> -> vector<256xi32>
    %broadcast_in_dim3A_51 = vector.shape_cast %argmin3A_50 : vector<256xi32> to vector<256x1xi32>
    %swap3A_52 = arith.constant 0 : index
    %swap3A_53 = arith.constant 3 : index
    %swap3A_54 = vector.load %arg2[%swap3A_52, %swap3A_53] : memref<256x8xi32, #tpu.memory_space<vmem>>, vector<256x1xi32>
    tpu.vector_store %arg2[%swap3A_52, %swap3A_53], %broadcast_in_dim3A_51 {strides = array<i32>} : memref<256x8xi32, #tpu.memory_space<vmem>>, vector<256x1xi32>,
    %eq3A_55 = vector.broadcast %broadcast_in_dim3A_51 : vector<256x1xi32> to vector<256x4096xi32>
    %eq3A_56 = arith.cmpi eq, %iota3A, %eq3A_55 : vector<256x4096xi32>
    %jit3A_57 = arith.constant 0x7F800000 : f32
    %broadcast_in_dim3A_58 = vector.broadcast %jit3A_57 : f32 to vector<256x4096xf32>
    %select_n3A_59 = arith.select %eq3A_56, %broadcast_in_dim3A_58, %get3A_49 : vector<256x4096xi1>, vector<256x4096xf32>
    %swap3A_60 = arith.constant 0 : index
    %swap3A_61 = arith.constant 0 : index
    %swap3A_62 = vector.load %arg3[%swap3A_60, %swap3A_61] : memref<256x4096xf32, #tpu.memory_space<vmem>>, vector<256x4096xf32>
    tpu.vector_store %arg3[%swap3A_60, %swap3A_61], %select_n3A_59 {strides = array<i32>} : memref<256x4096xf32, #tpu.memory_space<vmem>>, vector<256x4096xf32>,
    %get3A_63 = arith.constant 0 : index
    %get3A_64 = arith.constant 0 : index
    %get3A_65 = vector.load %arg3[%get3A_63, %get3A_64] : memref<256x4096xf32, #tpu.memory_space<vmem>>, vector<256x4096xf32>
    %argmin3A_66 = tpu.reduce_index %get3A_65 {axis = 1 : i32, kind = #tpu.reduction_kind<arg_min>} : vector<256x4096xf32> -> vector<256xi32>
    %broadcast_in_dim3A_67 = vector.shape_cast %argmin3A_66 : vector<256xi32> to vector<256x1xi32>
    %swap3A_68 = arith.constant 0 : index
    %swap3A_69 = arith.constant 4 : index
    %swap3A_70 = vector.load %arg2[%swap3A_68, %swap3A_69] : memref<256x8xi32, #tpu.memory_space<vmem>>, vector<256x1xi32>
    tpu.vector_store %arg2[%swap3A_68, %swap3A_69], %broadcast_in_dim3A_67 {strides = array<i32>} : memref<256x8xi32, #tpu.memory_space<vmem>>, vector<256x1xi32>,
    %eq3A_71 = vector.broadcast %broadcast_in_dim3A_67 : vector<256x1xi32> to vector<256x4096xi32>
    %eq3A_72 = arith.cmpi eq, %iota3A, %eq3A_71 : vector<256x4096xi32>
    %jit3A_73 = arith.constant 0x7F800000 : f32
    %broadcast_in_dim3A_74 = vector.broadcast %jit3A_73 : f32 to vector<256x4096xf32>
    %select_n3A_75 = arith.select %eq3A_72, %broadcast_in_dim3A_74, %get3A_65 : vector<256x4096xi1>, vector<256x4096xf32>
    %swap3A_76 = arith.constant 0 : index
    %swap3A_77 = arith.constant 0 : index
    %swap3A_78 = vector.load %arg3[%swap3A_76, %swap3A_77] : memref<256x4096xf32, #tpu.memory_space<vmem>>, vector<256x4096xf32>
    tpu.vector_store %arg3[%swap3A_76, %swap3A_77], %select_n3A_75 {strides = array<i32>} : memref<256x4096xf32, #tpu.memory_space<vmem>>, vector<256x4096xf32>,
    %get3A_79 = arith.constant 0 : index
    %get3A_80 = arith.constant 0 : index
    %get3A_81 = vector.load %arg3[%get3A_79, %get3A_80] : memref<256x4096xf32, #tpu.memory_space<vmem>>, vector<256x4096xf32>
    %argmin3A_82 = tpu.reduce_index %get3A_81 {axis = 1 : i32, kind = #tpu.reduction_kind<arg_min>} : vector<256x4096xf32> -> vector<256xi32>
    %broadcast_in_dim3A_83 = vector.shape_cast %argmin3A_82 : vector<256xi32> to vector<256x1xi32>
    %swap3A_84 = arith.constant 0 : index
    %swap3A_85 = arith.constant 5 : index
    %swap3A_86 = vector.load %arg2[%swap3A_84, %swap3A_85] : memref<256x8xi32, #tpu.memory_space<vmem>>, vector<256x1xi32>
    tpu.vector_store %arg2[%swap3A_84, %swap3A_85], %broadcast_in_dim3A_83 {strides = array<i32>} : memref<256x8xi32, #tpu.memory_space<vmem>>, vector<256x1xi32>,
    %eq3A_87 = vector.broadcast %broadcast_in_dim3A_83 : vector<256x1xi32> to vector<256x4096xi32>
    %eq3A_88 = arith.cmpi eq, %iota3A, %eq3A_87 : vector<256x4096xi32>
    %jit3A_89 = arith.constant 0x7F800000 : f32
    %broadcast_in_dim3A_90 = vector.broadcast %jit3A_89 : f32 to vector<256x4096xf32>
    %select_n3A_91 = arith.select %eq3A_88, %broadcast_in_dim3A_90, %get3A_81 : vector<256x4096xi1>, vector<256x4096xf32>
    %swap3A_92 = arith.constant 0 : index
    %swap3A_93 = arith.constant 0 : index
    %swap3A_94 = vector.load %arg3[%swap3A_92, %swap3A_93] : memref<256x4096xf32, #tpu.memory_space<vmem>>, vector<256x4096xf32>
    tpu.vector_store %arg3[%swap3A_92, %swap3A_93], %select_n3A_91 {strides = array<i32>} : memref<256x4096xf32, #tpu.memory_space<vmem>>, vector<256x4096xf32>,
    %get3A_95 = arith.constant 0 : index
    %get3A_96 = arith.constant 0 : index
    %get3A_97 = vector.load %arg3[%get3A_95, %get3A_96] : memref<256x4096xf32, #tpu.memory_space<vmem>>, vector<256x4096xf32>
    %argmin3A_98 = tpu.reduce_index %get3A_97 {axis = 1 : i32, kind = #tpu.reduction_kind<arg_min>} : vector<256x4096xf32> -> vector<256xi32>
    %broadcast_in_dim3A_99 = vector.shape_cast %argmin3A_98 : vector<256xi32> to vector<256x1xi32>
    %swap3A_100 = arith.constant 0 : index
    %swap3A_101 = arith.constant 6 : index
    %swap3A_102 = vector.load %arg2[%swap3A_100, %swap3A_101] : memref<256x8xi32, #tpu.memory_space<vmem>>, vector<256x1xi32>
    tpu.vector_store %arg2[%swap3A_100, %swap3A_101], %broadcast_in_dim3A_99 {strides = array<i32>} : memref<256x8xi32, #tpu.memory_space<vmem>>, vector<256x1xi32>,
    %eq3A_103 = vector.broadcast %broadcast_in_dim3A_99 : vector<256x1xi32> to vector<256x4096xi32>
    %eq3A_104 = arith.cmpi eq, %iota3A, %eq3A_103 : vector<256x4096xi32>
    %jit3A_105 = arith.constant 0x7F800000 : f32
    %broadcast_in_dim3A_106 = vector.broadcast %jit3A_105 : f32 to vector<256x4096xf32>
    %select_n3A_107 = arith.select %eq3A_104, %broadcast_in_dim3A_106, %get3A_97 : vector<256x4096xi1>, vector<256x4096xf32>
    %swap3A_108 = arith.constant 0 : index
    %swap3A_109 = arith.constant 0 : index
    %swap3A_110 = vector.load %arg3[%swap3A_108, %swap3A_109] : memref<256x4096xf32, #tpu.memory_space<vmem>>, vector<256x4096xf32>
    tpu.vector_store %arg3[%swap3A_108, %swap3A_109], %select_n3A_107 {strides = array<i32>} : memref<256x4096xf32, #tpu.memory_space<vmem>>, vector<256x4096xf32>,
    %get3A_111 = arith.constant 0 : index
    %get3A_112 = arith.constant 0 : index
    %get3A_113 = vector.load %arg3[%get3A_111, %get3A_112] : memref<256x4096xf32, #tpu.memory_space<vmem>>, vector<256x4096xf32>
    %argmin3A_114 = tpu.reduce_index %get3A_113 {axis = 1 : i32, kind = #tpu.reduction_kind<arg_min>} : vector<256x4096xf32> -> vector<256xi32>
    %broadcast_in_dim3A_115 = vector.shape_cast %argmin3A_114 : vector<256xi32> to vector<256x1xi32>
    %swap3A_116 = arith.constant 0 : index
    %swap3A_117 = arith.constant 7 : index
    %swap3A_118 = vector.load %arg2[%swap3A_116, %swap3A_117] : memref<256x8xi32, #tpu.memory_space<vmem>>, vector<256x1xi32>
    tpu.vector_store %arg2[%swap3A_116, %swap3A_117], %broadcast_in_dim3A_115 {strides = array<i32>} : memref<256x8xi32, #tpu.memory_space<vmem>>, vector<256x1xi32>,
    %eq3A_119 = vector.broadcast %broadcast_in_dim3A_115 : vector<256x1xi32> to vector<256x4096xi32>
    %eq3A_120 = arith.cmpi eq, %iota3A, %eq3A_119 : vector<256x4096xi32>
    %jit3A_121 = arith.constant 0x7F800000 : f32
    %broadcast_in_dim3A_122 = vector.broadcast %jit3A_121 : f32 to vector<256x4096xf32>
    %select_n3A_123 = arith.select %eq3A_120, %broadcast_in_dim3A_122, %get3A_113 : vector<256x4096xi1>, vector<256x4096xf32>
    %swap3A_124 = arith.constant 0 : index
    %swap3A_125 = arith.constant 0 : index
    %swap3A_126 = vector.load %arg3[%swap3A_124, %swap3A_125] : memref<256x4096xf32, #tpu.memory_space<vmem>>, vector<256x4096xf32>
    tpu.vector_store %arg3[%swap3A_124, %swap3A_125], %select_n3A_123 {strides = array<i32>} : memref<256x4096xf32, #tpu.memory_space<vmem>>, vector<256x4096xf32>,
    return
  }
  func.func @transform_0(%arg0: i32) -> (i32, i32) {
    %add3A = arith.constant 0 : i32
    %add3A_0 = arith.addi %arg0, %add3A : i32
    %c0_i32 = arith.constant 0 : i32
    %c0_i32_1 = arith.constant 0 : i32
    return %add3A_0, %c0_i32 : i32, i32
  }
  func.func @transform_1(%arg0: i32) -> (i32, i32) {
    %c0_i32 = arith.constant 0 : i32
    %c0_i32_0 = arith.constant 0 : i32
    return %arg0, %c0_i32 : i32, i32
  }
}

module attributes {stable_mosaic.version = 14 : i64} {
  func.func @_topk_body(%arg0: i32, %arg1: memref<256x4096xf32, #tpu.memory_space<vmem>>, %arg2: memref<256x8xi32, #tpu.memory_space<vmem>>, %arg3: memref<256x4096xf32, #tpu.memory_space<vmem>>) attributes {dimension_semantics = [#tpu.dimension_semantics<arbitrary>], iteration_bounds = array<i64: 32>, scalar_prefetch = 0 : i64, scratch_operands = 1 : i64, tpu.core_type = #tpu.core_type<tc>, window_params = [{transform_indices = @transform_0, window_bounds = array<i64: 256, 4096>}, {transform_indices = @transform_1, window_bounds = array<i64: 256, 8>}]} {
    %get3A = arith.constant 0 : index
    %get3A_0 = arith.constant 0 : index
    %get3A_1 = vector.load %arg1[%get3A, %get3A_0] : memref<256x4096xf32, #tpu.memory_space<vmem>>, vector<256x4096xf32>
    %swap3A = arith.constant 0 : index
    %swap3A_2 = arith.constant 0 : index
    %swap3A_3 = vector.load %arg3[%swap3A, %swap3A_2] : memref<256x4096xf32, #tpu.memory_space<vmem>>, vector<256x4096xf32>
    tpu.vector_store %arg3[%swap3A, %swap3A_2], %get3A_1 {strides = array<i32>} : memref<256x4096xf32, #tpu.memory_space<vmem>>, vector<256x4096xf32>,
    %iota3A = tpu.iota {dimensions = array<i32: 1>} : vector<256x4096xi32>
    %get3A_4 = arith.constant 0 : index
    %get3A_5 = arith.constant 0 : index
    %get3A_6 = vector.load %arg3[%get3A_4, %get3A_5] : memref<256x4096xf32, #tpu.memory_space<vmem>>, vector<256x4096xf32>
    %argmin3A = tpu.reduce_index %get3A_6 {axis = 1 : i32, kind = #tpu.reduction_kind<arg_min>} : vector<256x4096xf32> -> vector<256xi32>
    %broadcast_in_dim3A = vector.shape_cast %argmin3A : vector<256xi32> to vector<256x1xi32>
    %swap3A_7 = arith.constant 0 : index
    %swap3A_8 = arith.constant 0 : index
    %swap3A_9 = vector.load %arg2[%swap3A_7, %swap3A_8] : memref<256x8xi32, #tpu.memory_space<vmem>>, vector<256x1xi32>
    tpu.vector_store %arg2[%swap3A_7, %swap3A_8], %broadcast_in_dim3A {strides = array<i32>} : memref<256x8xi32, #tpu.memory_space<vmem>>, vector<256x1xi32>,
    %eq3A = vector.broadcast %broadcast_in_dim3A : vector<256x1xi32> to vector<256x4096xi32>
    %eq3A_10 = arith.cmpi eq, %iota3A, %eq3A : vector<256x4096xi32>
    %jit3A = arith.constant 0x7F800000 : f32
    %broadcast_in_dim3A_11 = vector.broadcast %jit3A : f32 to vector<256x4096xf32>
    %select_n3A = arith.select %eq3A_10, %broadcast_in_dim3A_11, %get3A_6 : vector<256x4096xi1>, vector<256x4096xf32>
    %swap3A_12 = arith.constant 0 : index
    %swap3A_13 = arith.constant 0 : index
    %swap3A_14 = vector.load %arg3[%swap3A_12, %swap3A_13] : memref<256x4096xf32, #tpu.memory_space<vmem>>, vector<256x4096xf32>
    tpu.vector_store %arg3[%swap3A_12, %swap3A_13], %select_n3A {strides = array<i32>} : memref<256x4096xf32, #tpu.memory_space<vmem>>, vector<256x4096xf32>,
    %get3A_15 = arith.constant 0 : index
    %get3A_16 = arith.constant 0 : index
    %get3A_17 = vector.load %arg3[%get3A_15, %get3A_16] : memref<256x4096xf32, #tpu.memory_space<vmem>>, vector<256x4096xf32>
    %argmin3A_18 = tpu.reduce_index %get3A_17 {axis = 1 : i32, kind = #tpu.reduction_kind<arg_min>} : vector<256x4096xf32> -> vector<256xi32>
    %broadcast_in_dim3A_19 = vector.shape_cast %argmin3A_18 : vector<256xi32> to vector<256x1xi32>
    %swap3A_20 = arith.constant 0 : index
    %swap3A_21 = arith.constant 1 : index
    %swap3A_22 = vector.load %arg2[%swap3A_20, %swap3A_21] : memref<256x8xi32, #tpu.memory_space<vmem>>, vector<256x1xi32>
    tpu.vector_store %arg2[%swap3A_20, %swap3A_21], %broadcast_in_dim3A_19 {strides = array<i32>} : memref<256x8xi32, #tpu.memory_space<vmem>>, vector<256x1xi32>,
    %eq3A_23 = vector.broadcast %broadcast_in_dim3A_19 : vector<256x1xi32> to vector<256x4096xi32>
    %eq3A_24 = arith.cmpi eq, %iota3A, %eq3A_23 : vector<256x4096xi32>
    %jit3A_25 = arith.constant 0x7F800000 : f32
    %broadcast_in_dim3A_26 = vector.broadcast %jit3A_25 : f32 to vector<256x4096xf32>
    %select_n3A_27 = arith.select %eq3A_24, %broadcast_in_dim3A_26, %get3A_17 : vector<256x4096xi1>, vector<256x4096xf32>
    %swap3A_28 = arith.constant 0 : index
    %swap3A_29 = arith.constant 0 : index
    %swap3A_30 = vector.load %arg3[%swap3A_28, %swap3A_29] : memref<256x4096xf32, #tpu.memory_space<vmem>>, vector<256x4096xf32>
    tpu.vector_store %arg3[%swap3A_28, %swap3A_29], %select_n3A_27 {strides = array<i32>} : memref<256x4096xf32, #tpu.memory_space<vmem>>, vector<256x4096xf32>,
    %get3A_31 = arith.constant 0 : index
    %get3A_32 = arith.constant 0 : index
    %get3A_33 = vector.load %arg3[%get3A_31, %get3A_32] : memref<256x4096xf32, #tpu.memory_space<vmem>>, vector<256x4096xf32>
    %argmin3A_34 = tpu.reduce_index %get3A_33 {axis = 1 : i32, kind = #tpu.reduction_kind<arg_min>} : vector<256x4096xf32> -> vector<256xi32>
    %broadcast_in_dim3A_35 = vector.shape_cast %argmin3A_34 : vector<256xi32> to vector<256x1xi32>
    %swap3A_36 = arith.constant 0 : index
    %swap3A_37 = arith.constant 2 : index
    %swap3A_38 = vector.load %arg2[%swap3A_36, %swap3A_37] : memref<256x8xi32, #tpu.memory_space<vmem>>, vector<256x1xi32>
    tpu.vector_store %arg2[%swap3A_36, %swap3A_37], %broadcast_in_dim3A_35 {strides = array<i32>} : memref<256x8xi32, #tpu.memory_space<vmem>>, vector<256x1xi32>,
    %eq3A_39 = vector.broadcast %broadcast_in_dim3A_35 : vector<256x1xi32> to vector<256x4096xi32>
    %eq3A_40 = arith.cmpi eq, %iota3A, %eq3A_39 : vector<256x4096xi32>
    %jit3A_41 = arith.constant 0x7F800000 : f32
    %broadcast_in_dim3A_42 = vector.broadcast %jit3A_41 : f32 to vector<256x4096xf32>
    %select_n3A_43 = arith.select %eq3A_40, %broadcast_in_dim3A_42, %get3A_33 : vector<256x4096xi1>, vector<256x4096xf32>
    %swap3A_44 = arith.constant 0 : index
    %swap3A_45 = arith.constant 0 : index
    %swap3A_46 = vector.load %arg3[%swap3A_44, %swap3A_45] : memref<256x4096xf32, #tpu.memory_space<vmem>>, vector<256x4096xf32>
    tpu.vector_store %arg3[%swap3A_44, %swap3A_45], %select_n3A_43 {strides = array<i32>} : memref<256x4096xf32, #tpu.memory_space<vmem>>, vector<256x4096xf32>,
    %get3A_47 = arith.constant 0 : index
    %get3A_48 = arith.constant 0 : index
    %get3A_49 = vector.load %arg3[%get3A_47, %get3A_48] : memref<256x4096xf32, #tpu.memory_space<vmem>>, vector<256x4096xf32>
    %argmin3A_50 = tpu.reduce_index %get3A_49 {axis = 1 : i32, kind = #tpu.reduction_kind<arg_min>} : vector<256x4096xf32> -> vector<256xi32>
    %broadcast_in_dim3A_51 = vector.shape_cast %argmin3A_50 : vector<256xi32> to vector<256x1xi32>
    %swap3A_52 = arith.constant 0 : index
    %swap3A_53 = arith.constant 3 : index
    %swap3A_54 = vector.load %arg2[%swap3A_52, %swap3A_53] : memref<256x8xi32, #tpu.memory_space<vmem>>, vector<256x1xi32>
    tpu.vector_store %arg2[%swap3A_52, %swap3A_53], %broadcast_in_dim3A_51 {strides = array<i32>} : memref<256x8xi32, #tpu.memory_space<vmem>>, vector<256x1xi32>,
    %eq3A_55 = vector.broadcast %broadcast_in_dim3A_51 : vector<256x1xi32> to vector<256x4096xi32>
    %eq3A_56 = arith.cmpi eq, %iota3A, %eq3A_55 : vector<256x4096xi32>
    %jit3A_57 = arith.constant 0x7F800000 : f32
    %broadcast_in_dim3A_58 = vector.broadcast %jit3A_57 : f32 to vector<256x4096xf32>
    %select_n3A_59 = arith.select %eq3A_56, %broadcast_in_dim3A_58, %get3A_49 : vector<256x4096xi1>, vector<256x4096xf32>
    %swap3A_60 = arith.constant 0 : index
    %swap3A_61 = arith.constant 0 : index
    %swap3A_62 = vector.load %arg3[%swap3A_60, %swap3A_61] : memref<256x4096xf32, #tpu.memory_space<vmem>>, vector<256x4096xf32>
    tpu.vector_store %arg3[%swap3A_60, %swap3A_61], %select_n3A_59 {strides = array<i32>} : memref<256x4096xf32, #tpu.memory_space<vmem>>, vector<256x4096xf32>,
    %get3A_63 = arith.constant 0 : index
    %get3A_64 = arith.constant 0 : index
    %get3A_65 = vector.load %arg3[%get3A_63, %get3A_64] : memref<256x4096xf32, #tpu.memory_space<vmem>>, vector<256x4096xf32>
    %argmin3A_66 = tpu.reduce_index %get3A_65 {axis = 1 : i32, kind = #tpu.reduction_kind<arg_min>} : vector<256x4096xf32> -> vector<256xi32>
    %broadcast_in_dim3A_67 = vector.shape_cast %argmin3A_66 : vector<256xi32> to vector<256x1xi32>
    %swap3A_68 = arith.constant 0 : index
    %swap3A_69 = arith.constant 4 : index
    %swap3A_70 = vector.load %arg2[%swap3A_68, %swap3A_69] : memref<256x8xi32, #tpu.memory_space<vmem>>, vector<256x1xi32>
    tpu.vector_store %arg2[%swap3A_68, %swap3A_69], %broadcast_in_dim3A_67 {strides = array<i32>} : memref<256x8xi32, #tpu.memory_space<vmem>>, vector<256x1xi32>,
    %eq3A_71 = vector.broadcast %broadcast_in_dim3A_67 : vector<256x1xi32> to vector<256x4096xi32>
    %eq3A_72 = arith.cmpi eq, %iota3A, %eq3A_71 : vector<256x4096xi32>
    %jit3A_73 = arith.constant 0x7F800000 : f32
    %broadcast_in_dim3A_74 = vector.broadcast %jit3A_73 : f32 to vector<256x4096xf32>
    %select_n3A_75 = arith.select %eq3A_72, %broadcast_in_dim3A_74, %get3A_65 : vector<256x4096xi1>, vector<256x4096xf32>
    %swap3A_76 = arith.constant 0 : index
    %swap3A_77 = arith.constant 0 : index
    %swap3A_78 = vector.load %arg3[%swap3A_76, %swap3A_77] : memref<256x4096xf32, #tpu.memory_space<vmem>>, vector<256x4096xf32>
    tpu.vector_store %arg3[%swap3A_76, %swap3A_77], %select_n3A_75 {strides = array<i32>} : memref<256x4096xf32, #tpu.memory_space<vmem>>, vector<256x4096xf32>,
    %get3A_79 = arith.constant 0 : index
    %get3A_80 = arith.constant 0 : index
    %get3A_81 = vector.load %arg3[%get3A_79, %get3A_80] : memref<256x4096xf32, #tpu.memory_space<vmem>>, vector<256x4096xf32>
    %argmin3A_82 = tpu.reduce_index %get3A_81 {axis = 1 : i32, kind = #tpu.reduction_kind<arg_min>} : vector<256x4096xf32> -> vector<256xi32>
    %broadcast_in_dim3A_83 = vector.shape_cast %argmin3A_82 : vector<256xi32> to vector<256x1xi32>
    %swap3A_84 = arith.constant 0 : index
    %swap3A_85 = arith.constant 5 : index
    %swap3A_86 = vector.load %arg2[%swap3A_84, %swap3A_85] : memref<256x8xi32, #tpu.memory_space<vmem>>, vector<256x1xi32>
    tpu.vector_store %arg2[%swap3A_84, %swap3A_85], %broadcast_in_dim3A_83 {strides = array<i32>} : memref<256x8xi32, #tpu.memory_space<vmem>>, vector<256x1xi32>,
    %eq3A_87 = vector.broadcast %broadcast_in_dim3A_83 : vector<256x1xi32> to vector<256x4096xi32>
    %eq3A_88 = arith.cmpi eq, %iota3A, %eq3A_87 : vector<256x4096xi32>
    %jit3A_89 = arith.constant 0x7F800000 : f32
    %broadcast_in_dim3A_90 = vector.broadcast %jit3A_89 : f32 to vector<256x4096xf32>
    %select_n3A_91 = arith.select %eq3A_88, %broadcast_in_dim3A_90, %get3A_81 : vector<256x4096xi1>, vector<256x4096xf32>
    %swap3A_92 = arith.constant 0 : index
    %swap3A_93 = arith.constant 0 : index
    %swap3A_94 = vector.load %arg3[%swap3A_92, %swap3A_93] : memref<256x4096xf32, #tpu.memory_space<vmem>>, vector<256x4096xf32>
    tpu.vector_store %arg3[%swap3A_92, %swap3A_93], %select_n3A_91 {strides = array<i32>} : memref<256x4096xf32, #tpu.memory_space<vmem>>, vector<256x4096xf32>,
    %get3A_95 = arith.constant 0 : index
    %get3A_96 = arith.constant 0 : index
    %get3A_97 = vector.load %arg3[%get3A_95, %get3A_96] : memref<256x4096xf32, #tpu.memory_space<vmem>>, vector<256x4096xf32>
    %argmin3A_98 = tpu.reduce_index %get3A_97 {axis = 1 : i32, kind = #tpu.reduction_kind<arg_min>} : vector<256x4096xf32> -> vector<256xi32>
    %broadcast_in_dim3A_99 = vector.shape_cast %argmin3A_98 : vector<256xi32> to vector<256x1xi32>
    %swap3A_100 = arith.constant 0 : index
    %swap3A_101 = arith.constant 6 : index
    %swap3A_102 = vector.load %arg2[%swap3A_100, %swap3A_101] : memref<256x8xi32, #tpu.memory_space<vmem>>, vector<256x1xi32>
    tpu.vector_store %arg2[%swap3A_100, %swap3A_101], %broadcast_in_dim3A_99 {strides = array<i32>} : memref<256x8xi32, #tpu.memory_space<vmem>>, vector<256x1xi32>,
    %eq3A_103 = vector.broadcast %broadcast_in_dim3A_99 : vector<256x1xi32> to vector<256x4096xi32>
    %eq3A_104 = arith.cmpi eq, %iota3A, %eq3A_103 : vector<256x4096xi32>
    %jit3A_105 = arith.constant 0x7F800000 : f32
    %broadcast_in_dim3A_106 = vector.broadcast %jit3A_105 : f32 to vector<256x4096xf32>
    %select_n3A_107 = arith.select %eq3A_104, %broadcast_in_dim3A_106, %get3A_97 : vector<256x4096xi1>, vector<256x4096xf32>
    %swap3A_108 = arith.constant 0 : index
    %swap3A_109 = arith.constant 0 : index
    %swap3A_110 = vector.load %arg3[%swap3A_108, %swap3A_109] : memref<256x4096xf32, #tpu.memory_space<vmem>>, vector<256x4096xf32>
    tpu.vector_store %arg3[%swap3A_108, %swap3A_109], %select_n3A_107 {strides = array<i32>} : memref<256x4096xf32, #tpu.memory_space<vmem>>, vector<256x4096xf32>,
    %get3A_111 = arith.constant 0 : index
    %get3A_112 = arith.constant 0 : index
    %get3A_113 = vector.load %arg3[%get3A_111, %get3A_112] : memref<256x4096xf32, #tpu.memory_space<vmem>>, vector<256x4096xf32>
    %argmin3A_114 = tpu.reduce_index %get3A_113 {axis = 1 : i32, kind = #tpu.reduction_kind<arg_min>} : vector<256x4096xf32> -> vector<256xi32>
    %broadcast_in_dim3A_115 = vector.shape_cast %argmin3A_114 : vector<256xi32> to vector<256x1xi32>
    %swap3A_116 = arith.constant 0 : index
    %swap3A_117 = arith.constant 7 : index
    %swap3A_118 = vector.load %arg2[%swap3A_116, %swap3A_117] : memref<256x8xi32, #tpu.memory_space<vmem>>, vector<256x1xi32>
    tpu.vector_store %arg2[%swap3A_116, %swap3A_117], %broadcast_in_dim3A_115 {strides = array<i32>} : memref<256x8xi32, #tpu.memory_space<vmem>>, vector<256x1xi32>,
    %eq3A_119 = vector.broadcast %broadcast_in_dim3A_115 : vector<256x1xi32> to vector<256x4096xi32>
    %eq3A_120 = arith.cmpi eq, %iota3A, %eq3A_119 : vector<256x4096xi32>
    %jit3A_121 = arith.constant 0x7F800000 : f32
    %broadcast_in_dim3A_122 = vector.broadcast %jit3A_121 : f32 to vector<256x4096xf32>
    %select_n3A_123 = arith.select %eq3A_120, %broadcast_in_dim3A_122, %get3A_113 : vector<256x4096xi1>, vector<256x4096xf32>
    %swap3A_124 = arith.constant 0 : index
    %swap3A_125 = arith.constant 0 : index
    %swap3A_126 = vector.load %arg3[%swap3A_124, %swap3A_125] : memref<256x4096xf32, #tpu.memory_space<vmem>>, vector<256x4096xf32>
    tpu.vector_store %arg3[%swap3A_124, %swap3A_125], %select_n3A_123 {strides = array<i32>} : memref<256x4096xf32, #tpu.memory_space<vmem>>, vector<256x4096xf32>,
    return
  }
  func.func @transform_0(%arg0: i32) -> (i32, i32) {
    %add3A = arith.constant 32 : i32
    %add3A_0 = arith.addi %arg0, %add3A : i32
    %c0_i32 = arith.constant 0 : i32
    %c0_i32_1 = arith.constant 0 : i32
    return %add3A_0, %c0_i32 : i32, i32
  }
  func.func @transform_1(%arg0: i32) -> (i32, i32) {
    %c0_i32 = arith.constant 0 : i32
    %c0_i32_0 = arith.constant 0 : i32
    return %arg0, %c0_i32 : i32, i32
  }
}

module attributes {stable_mosaic.version = 14 : i64} {
  func.func @_interp_body(%arg0: i32, %arg1: memref<8x256x256xf32, #tpu.memory_space<vmem>>, %arg2: memref<256x3xf32, #tpu.memory_space<vmem>>, %arg3: memref<256x64xf32, #tpu.memory_space<vmem>>, %arg4: memref<256x1xf32, #tpu.memory_space<vmem>>) attributes {dimension_semantics = [#tpu.dimension_semantics<arbitrary>], iteration_bounds = array<i64: 32>, scalar_prefetch = 0 : i64, scratch_operands = 0 : i64, tpu.core_type = #tpu.core_type<tc>, window_params = [{transform_indices = @transform_0, window_bounds = array<i64: 8, 256, 256>}, {transform_indices = @transform_1, window_bounds = array<i64: 256, 3>}, {transform_indices = @transform_2, window_bounds = array<i64: 256, 64>}, {transform_indices = @transform_3, window_bounds = array<i64: 256, 1>}]} {
    %get3A = arith.constant 0 : index
    %get3A_0 = arith.constant 0 : index
    %get3A_1 = vector.load %arg2[%get3A, %get3A_0] : memref<256x3xf32, #tpu.memory_space<vmem>>, vector<256x3xf32>
    %get3A_2 = arith.constant 0 : index
    %get3A_3 = arith.constant 0 : index
    %get3A_4 = arith.constant 0 : index
    %get3A_5 = vector.load %arg1[%get3A_2, %get3A_3, %get3A_4] : memref<8x256x256xf32, #tpu.memory_space<vmem>>, vector<1x256x256xf32>
    %get3A_6 = vector.shape_cast %get3A_5 : vector<1x256x256xf32> to vector<256x256xf32>
    %slice3A = vector.extract_strided_slice %get3A_6 {offsets = [0, 0], sizes = [256, 1], strides = [1, 1]} : vector<256x256xf32> to vector<256x1xf32>
    %slice3A_7 = vector.extract_strided_slice %get3A_1 {offsets = [0, 0], sizes = [256, 1], strides = [1, 1]} : vector<256x3xf32> to vector<256x1xf32>
    %sub3A = arith.subf %slice3A, %slice3A_7 : vector<256x1xf32>
    %slice3A_8 = vector.extract_strided_slice %get3A_6 {offsets = [0, 1], sizes = [256, 1], strides = [1, 1]} : vector<256x256xf32> to vector<256x1xf32>
    %slice3A_9 = vector.extract_strided_slice %get3A_1 {offsets = [0, 1], sizes = [256, 1], strides = [1, 1]} : vector<256x3xf32> to vector<256x1xf32>
    %sub3A_10 = arith.subf %slice3A_8, %slice3A_9 : vector<256x1xf32>
    %slice3A_11 = vector.extract_strided_slice %get3A_6 {offsets = [0, 2], sizes = [256, 1], strides = [1, 1]} : vector<256x256xf32> to vector<256x1xf32>
    %slice3A_12 = vector.extract_strided_slice %get3A_1 {offsets = [0, 2], sizes = [256, 1], strides = [1, 1]} : vector<256x3xf32> to vector<256x1xf32>
    %sub3A_13 = arith.subf %slice3A_11, %slice3A_12 : vector<256x1xf32>
    %mul3A = arith.mulf %sub3A, %sub3A : vector<256x1xf32>
    %mul3A_14 = arith.mulf %sub3A_10, %sub3A_10 : vector<256x1xf32>
    %add3A = arith.addf %mul3A, %mul3A_14 : vector<256x1xf32>
    %mul3A_15 = arith.mulf %sub3A_13, %sub3A_13 : vector<256x1xf32>
    %add3A_16 = arith.addf %add3A, %mul3A_15 : vector<256x1xf32>
    %sqrt3A = math.sqrt %add3A_16 : vector<256x1xf32>
    %add3A_17 = arith.constant 9.99999993E-9 : f32
    %add3A_18 = vector.broadcast %add3A_17 : f32 to vector<256x1xf32>
    %add3A_19 = arith.addf %sqrt3A, %add3A_18 : vector<256x1xf32>
    %div3A = arith.divf %sub3A, %add3A_19 : vector<256x1xf32>
    %div3A_20 = arith.divf %sub3A_10, %add3A_19 : vector<256x1xf32>
    %div3A_21 = arith.divf %sub3A_13, %add3A_19 : vector<256x1xf32>
    %slice3A_22 = vector.extract_strided_slice %get3A_6 {offsets = [0, 23], sizes = [256, 20], strides = [1, 1]} : vector<256x256xf32> to vector<256x20xf32>
    %slice3A_23 = vector.extract_strided_slice %get3A_6 {offsets = [0, 43], sizes = [256, 20], strides = [1, 1]} : vector<256x256xf32> to vector<256x20xf32>
    %slice3A_24 = vector.extract_strided_slice %get3A_6 {offsets = [0, 63], sizes = [256, 20], strides = [1, 1]} : vector<256x256xf32> to vector<256x20xf32>
    %mul3A_25 = arith.mulf %slice3A_22, %slice3A_22 : vector<256x20xf32>
    %mul3A_26 = arith.mulf %slice3A_23, %slice3A_23 : vector<256x20xf32>
    %add3A_27 = arith.addf %mul3A_25, %mul3A_26 : vector<256x20xf32>
    %mul3A_28 = arith.mulf %slice3A_24, %slice3A_24 : vector<256x20xf32>
    %add3A_29 = arith.addf %add3A_27, %mul3A_28 : vector<256x20xf32>
    %sqrt3A_30 = math.sqrt %add3A_29 : vector<256x20xf32>
    %add3A_31 = arith.constant 9.99999993E-9 : f32
    %add3A_32 = vector.broadcast %add3A_31 : f32 to vector<256x20xf32>
    %add3A_33 = arith.addf %sqrt3A_30, %add3A_32 : vector<256x20xf32>
    %div3A_34 = arith.divf %slice3A_22, %add3A_33 : vector<256x20xf32>
    %mul3A_35 = vector.broadcast %div3A : vector<256x1xf32> to vector<256x20xf32>
    %mul3A_36 = arith.mulf %div3A_34, %mul3A_35 : vector<256x20xf32>
    %div3A_37 = arith.divf %slice3A_23, %add3A_33 : vector<256x20xf32>
    %mul3A_38 = vector.broadcast %div3A_20 : vector<256x1xf32> to vector<256x20xf32>
    %mul3A_39 = arith.mulf %div3A_37, %mul3A_38 : vector<256x20xf32>
    %add3A_40 = arith.addf %mul3A_36, %mul3A_39 : vector<256x20xf32>
    %div3A_41 = arith.divf %slice3A_24, %add3A_33 : vector<256x20xf32>
    %mul3A_42 = vector.broadcast %div3A_21 : vector<256x1xf32> to vector<256x20xf32>
    %mul3A_43 = arith.mulf %div3A_41, %mul3A_42 : vector<256x20xf32>
    %add3A_44 = arith.addf %add3A_40, %mul3A_43 : vector<256x20xf32>
    %abs3A = math.absf %add3A_44 : vector<256x20xf32>
    %gt3A = arith.constant 5.000000e-01 : f32
    %gt3A_45 = vector.broadcast %gt3A : f32 to vector<256x20xf32>
    %gt3A_46 = arith.cmpf ogt, %abs3A, %gt3A_45 : vector<256x20xf32>
    %slice3A_47 = vector.extract_strided_slice %get3A_6 {offsets = [0, 3], sizes = [256, 20], strides = [1, 1]} : vector<256x256xf32> to vector<256x20xf32>
    %jit3A = arith.constant 0.000000e+00 : f32
    %broadcast_in_dim3A = vector.broadcast %jit3A : f32 to vector<256x20xf32>
    %select_n3A = arith.select %gt3A_46, %slice3A_47, %broadcast_in_dim3A : vector<256x20xi1>, vector<256x20xf32>
    %slice3A_48 = vector.extract_strided_slice %select_n3A {offsets = [0, 0], sizes = [256, 1], strides = [1, 1]} : vector<256x20xf32> to vector<256x1xf32>
    %slice3A_49 = vector.extract_strided_slice %select_n3A {offsets = [0, 1], sizes = [256, 1], strides = [1, 1]} : vector<256x20xf32> to vector<256x1xf32>
    %add3A_50 = arith.addf %slice3A_48, %slice3A_49 : vector<256x1xf32>
    %slice3A_51 = vector.extract_strided_slice %select_n3A {offsets = [0, 2], sizes = [256, 1], strides = [1, 1]} : vector<256x20xf32> to vector<256x1xf32>
    %add3A_52 = arith.addf %add3A_50, %slice3A_51 : vector<256x1xf32>
    %slice3A_53 = vector.extract_strided_slice %select_n3A {offsets = [0, 3], sizes = [256, 1], strides = [1, 1]} : vector<256x20xf32> to vector<256x1xf32>
    %add3A_54 = arith.addf %add3A_52, %slice3A_53 : vector<256x1xf32>
    %slice3A_55 = vector.extract_strided_slice %select_n3A {offsets = [0, 4], sizes = [256, 1], strides = [1, 1]} : vector<256x20xf32> to vector<256x1xf32>
    %add3A_56 = arith.addf %add3A_54, %slice3A_55 : vector<256x1xf32>
    %slice3A_57 = vector.extract_strided_slice %select_n3A {offsets = [0, 5], sizes = [256, 1], strides = [1, 1]} : vector<256x20xf32> to vector<256x1xf32>
    %add3A_58 = arith.addf %add3A_56, %slice3A_57 : vector<256x1xf32>
    %slice3A_59 = vector.extract_strided_slice %select_n3A {offsets = [0, 6], sizes = [256, 1], strides = [1, 1]} : vector<256x20xf32> to vector<256x1xf32>
    %add3A_60 = arith.addf %add3A_58, %slice3A_59 : vector<256x1xf32>
    %slice3A_61 = vector.extract_strided_slice %select_n3A {offsets = [0, 7], sizes = [256, 1], strides = [1, 1]} : vector<256x20xf32> to vector<256x1xf32>
    %add3A_62 = arith.addf %add3A_60, %slice3A_61 : vector<256x1xf32>
    %slice3A_63 = vector.extract_strided_slice %select_n3A {offsets = [0, 8], sizes = [256, 1], strides = [1, 1]} : vector<256x20xf32> to vector<256x1xf32>
    %add3A_64 = arith.addf %add3A_62, %slice3A_63 : vector<256x1xf32>
    %slice3A_65 = vector.extract_strided_slice %select_n3A {offsets = [0, 9], sizes = [256, 1], strides = [1, 1]} : vector<256x20xf32> to vector<256x1xf32>
    %add3A_66 = arith.addf %add3A_64, %slice3A_65 : vector<256x1xf32>
    %slice3A_67 = vector.extract_strided_slice %select_n3A {offsets = [0, 10], sizes = [256, 1], strides = [1, 1]} : vector<256x20xf32> to vector<256x1xf32>
    %add3A_68 = arith.addf %add3A_66, %slice3A_67 : vector<256x1xf32>
    %slice3A_69 = vector.extract_strided_slice %select_n3A {offsets = [0, 11], sizes = [256, 1], strides = [1, 1]} : vector<256x20xf32> to vector<256x1xf32>
    %add3A_70 = arith.addf %add3A_68, %slice3A_69 : vector<256x1xf32>
    %slice3A_71 = vector.extract_strided_slice %select_n3A {offsets = [0, 12], sizes = [256, 1], strides = [1, 1]} : vector<256x20xf32> to vector<256x1xf32>
    %add3A_72 = arith.addf %add3A_70, %slice3A_71 : vector<256x1xf32>
    %slice3A_73 = vector.extract_strided_slice %select_n3A {offsets = [0, 13], sizes = [256, 1], strides = [1, 1]} : vector<256x20xf32> to vector<256x1xf32>
    %add3A_74 = arith.addf %add3A_72, %slice3A_73 : vector<256x1xf32>
    %slice3A_75 = vector.extract_strided_slice %select_n3A {offsets = [0, 14], sizes = [256, 1], strides = [1, 1]} : vector<256x20xf32> to vector<256x1xf32>
    %add3A_76 = arith.addf %add3A_74, %slice3A_75 : vector<256x1xf32>
    %slice3A_77 = vector.extract_strided_slice %select_n3A {offsets = [0, 15], sizes = [256, 1], strides = [1, 1]} : vector<256x20xf32> to vector<256x1xf32>
    %add3A_78 = arith.addf %add3A_76, %slice3A_77 : vector<256x1xf32>
    %slice3A_79 = vector.extract_strided_slice %select_n3A {offsets = [0, 16], sizes = [256, 1], strides = [1, 1]} : vector<256x20xf32> to vector<256x1xf32>
    %add3A_80 = arith.addf %add3A_78, %slice3A_79 : vector<256x1xf32>
    %slice3A_81 = vector.extract_strided_slice %select_n3A {offsets = [0, 17], sizes = [256, 1], strides = [1, 1]} : vector<256x20xf32> to vector<256x1xf32>
    %add3A_82 = arith.addf %add3A_80, %slice3A_81 : vector<256x1xf32>
    %slice3A_83 = vector.extract_strided_slice %select_n3A {offsets = [0, 18], sizes = [256, 1], strides = [1, 1]} : vector<256x20xf32> to vector<256x1xf32>
    %add3A_84 = arith.addf %add3A_82, %slice3A_83 : vector<256x1xf32>
    %slice3A_85 = vector.extract_strided_slice %select_n3A {offsets = [0, 19], sizes = [256, 1], strides = [1, 1]} : vector<256x20xf32> to vector<256x1xf32>
    %add3A_86 = arith.addf %add3A_84, %slice3A_85 : vector<256x1xf32>
    %get3A_87 = arith.constant 1 : index
    %get3A_88 = arith.constant 0 : index
    %get3A_89 = arith.constant 0 : index
    %get3A_90 = vector.load %arg1[%get3A_87, %get3A_88, %get3A_89] : memref<8x256x256xf32, #tpu.memory_space<vmem>>, vector<1x256x256xf32>
    %get3A_91 = vector.shape_cast %get3A_90 : vector<1x256x256xf32> to vector<256x256xf32>
    %slice3A_92 = vector.extract_strided_slice %get3A_91 {offsets = [0, 0], sizes = [256, 1], strides = [1, 1]} : vector<256x256xf32> to vector<256x1xf32>
    %slice3A_93 = vector.extract_strided_slice %get3A_1 {offsets = [0, 0], sizes = [256, 1], strides = [1, 1]} : vector<256x3xf32> to vector<256x1xf32>
    %sub3A_94 = arith.subf %slice3A_92, %slice3A_93 : vector<256x1xf32>
    %slice3A_95 = vector.extract_strided_slice %get3A_91 {offsets = [0, 1], sizes = [256, 1], strides = [1, 1]} : vector<256x256xf32> to vector<256x1xf32>
    %slice3A_96 = vector.extract_strided_slice %get3A_1 {offsets = [0, 1], sizes = [256, 1], strides = [1, 1]} : vector<256x3xf32> to vector<256x1xf32>
    %sub3A_97 = arith.subf %slice3A_95, %slice3A_96 : vector<256x1xf32>
    %slice3A_98 = vector.extract_strided_slice %get3A_91 {offsets = [0, 2], sizes = [256, 1], strides = [1, 1]} : vector<256x256xf32> to vector<256x1xf32>
    %slice3A_99 = vector.extract_strided_slice %get3A_1 {offsets = [0, 2], sizes = [256, 1], strides = [1, 1]} : vector<256x3xf32> to vector<256x1xf32>
    %sub3A_100 = arith.subf %slice3A_98, %slice3A_99 : vector<256x1xf32>
    %mul3A_101 = arith.mulf %sub3A_94, %sub3A_94 : vector<256x1xf32>
    %mul3A_102 = arith.mulf %sub3A_97, %sub3A_97 : vector<256x1xf32>
    %add3A_103 = arith.addf %mul3A_101, %mul3A_102 : vector<256x1xf32>
    %mul3A_104 = arith.mulf %sub3A_100, %sub3A_100 : vector<256x1xf32>
    %add3A_105 = arith.addf %add3A_103, %mul3A_104 : vector<256x1xf32>
    %sqrt3A_106 = math.sqrt %add3A_105 : vector<256x1xf32>
    %add3A_107 = arith.constant 9.99999993E-9 : f32
    %add3A_108 = vector.broadcast %add3A_107 : f32 to vector<256x1xf32>
    %add3A_109 = arith.addf %sqrt3A_106, %add3A_108 : vector<256x1xf32>
    %div3A_110 = arith.divf %sub3A_94, %add3A_109 : vector<256x1xf32>
    %div3A_111 = arith.divf %sub3A_97, %add3A_109 : vector<256x1xf32>
    %div3A_112 = arith.divf %sub3A_100, %add3A_109 : vector<256x1xf32>
    %slice3A_113 = vector.extract_strided_slice %get3A_91 {offsets = [0, 23], sizes = [256, 20], strides = [1, 1]} : vector<256x256xf32> to vector<256x20xf32>
    %slice3A_114 = vector.extract_strided_slice %get3A_91 {offsets = [0, 43], sizes = [256, 20], strides = [1, 1]} : vector<256x256xf32> to vector<256x20xf32>
    %slice3A_115 = vector.extract_strided_slice %get3A_91 {offsets = [0, 63], sizes = [256, 20], strides = [1, 1]} : vector<256x256xf32> to vector<256x20xf32>
    %mul3A_116 = arith.mulf %slice3A_113, %slice3A_113 : vector<256x20xf32>
    %mul3A_117 = arith.mulf %slice3A_114, %slice3A_114 : vector<256x20xf32>
    %add3A_118 = arith.addf %mul3A_116, %mul3A_117 : vector<256x20xf32>
    %mul3A_119 = arith.mulf %slice3A_115, %slice3A_115 : vector<256x20xf32>
    %add3A_120 = arith.addf %add3A_118, %mul3A_119 : vector<256x20xf32>
    %sqrt3A_121 = math.sqrt %add3A_120 : vector<256x20xf32>
    %add3A_122 = arith.constant 9.99999993E-9 : f32
    %add3A_123 = vector.broadcast %add3A_122 : f32 to vector<256x20xf32>
    %add3A_124 = arith.addf %sqrt3A_121, %add3A_123 : vector<256x20xf32>
    %div3A_125 = arith.divf %slice3A_113, %add3A_124 : vector<256x20xf32>
    %mul3A_126 = vector.broadcast %div3A_110 : vector<256x1xf32> to vector<256x20xf32>
    %mul3A_127 = arith.mulf %div3A_125, %mul3A_126 : vector<256x20xf32>
    %div3A_128 = arith.divf %slice3A_114, %add3A_124 : vector<256x20xf32>
    %mul3A_129 = vector.broadcast %div3A_111 : vector<256x1xf32> to vector<256x20xf32>
    %mul3A_130 = arith.mulf %div3A_128, %mul3A_129 : vector<256x20xf32>
    %add3A_131 = arith.addf %mul3A_127, %mul3A_130 : vector<256x20xf32>
    %div3A_132 = arith.divf %slice3A_115, %add3A_124 : vector<256x20xf32>
    %mul3A_133 = vector.broadcast %div3A_112 : vector<256x1xf32> to vector<256x20xf32>
    %mul3A_134 = arith.mulf %div3A_132, %mul3A_133 : vector<256x20xf32>
    %add3A_135 = arith.addf %add3A_131, %mul3A_134 : vector<256x20xf32>
    %abs3A_136 = math.absf %add3A_135 : vector<256x20xf32>
    %gt3A_137 = arith.constant 5.000000e-01 : f32
    %gt3A_138 = vector.broadcast %gt3A_137 : f32 to vector<256x20xf32>
    %gt3A_139 = arith.cmpf ogt, %abs3A_136, %gt3A_138 : vector<256x20xf32>
    %slice3A_140 = vector.extract_strided_slice %get3A_91 {offsets = [0, 3], sizes = [256, 20], strides = [1, 1]} : vector<256x256xf32> to vector<256x20xf32>
    %jit3A_141 = arith.constant 0.000000e+00 : f32
    %broadcast_in_dim3A_142 = vector.broadcast %jit3A_141 : f32 to vector<256x20xf32>
    %select_n3A_143 = arith.select %gt3A_139, %slice3A_140, %broadcast_in_dim3A_142 : vector<256x20xi1>, vector<256x20xf32>
    %slice3A_144 = vector.extract_strided_slice %select_n3A_143 {offsets = [0, 0], sizes = [256, 1], strides = [1, 1]} : vector<256x20xf32> to vector<256x1xf32>
    %slice3A_145 = vector.extract_strided_slice %select_n3A_143 {offsets = [0, 1], sizes = [256, 1], strides = [1, 1]} : vector<256x20xf32> to vector<256x1xf32>
    %add3A_146 = arith.addf %slice3A_144, %slice3A_145 : vector<256x1xf32>
    %slice3A_147 = vector.extract_strided_slice %select_n3A_143 {offsets = [0, 2], sizes = [256, 1], strides = [1, 1]} : vector<256x20xf32> to vector<256x1xf32>
    %add3A_148 = arith.addf %add3A_146, %slice3A_147 : vector<256x1xf32>
    %slice3A_149 = vector.extract_strided_slice %select_n3A_143 {offsets = [0, 3], sizes = [256, 1], strides = [1, 1]} : vector<256x20xf32> to vector<256x1xf32>
    %add3A_150 = arith.addf %add3A_148, %slice3A_149 : vector<256x1xf32>
    %slice3A_151 = vector.extract_strided_slice %select_n3A_143 {offsets = [0, 4], sizes = [256, 1], strides = [1, 1]} : vector<256x20xf32> to vector<256x1xf32>
    %add3A_152 = arith.addf %add3A_150, %slice3A_151 : vector<256x1xf32>
    %slice3A_153 = vector.extract_strided_slice %select_n3A_143 {offsets = [0, 5], sizes = [256, 1], strides = [1, 1]} : vector<256x20xf32> to vector<256x1xf32>
    %add3A_154 = arith.addf %add3A_152, %slice3A_153 : vector<256x1xf32>
    %slice3A_155 = vector.extract_strided_slice %select_n3A_143 {offsets = [0, 6], sizes = [256, 1], strides = [1, 1]} : vector<256x20xf32> to vector<256x1xf32>
    %add3A_156 = arith.addf %add3A_154, %slice3A_155 : vector<256x1xf32>
    %slice3A_157 = vector.extract_strided_slice %select_n3A_143 {offsets = [0, 7], sizes = [256, 1], strides = [1, 1]} : vector<256x20xf32> to vector<256x1xf32>
    %add3A_158 = arith.addf %add3A_156, %slice3A_157 : vector<256x1xf32>
    %slice3A_159 = vector.extract_strided_slice %select_n3A_143 {offsets = [0, 8], sizes = [256, 1], strides = [1, 1]} : vector<256x20xf32> to vector<256x1xf32>
    %add3A_160 = arith.addf %add3A_158, %slice3A_159 : vector<256x1xf32>
    %slice3A_161 = vector.extract_strided_slice %select_n3A_143 {offsets = [0, 9], sizes = [256, 1], strides = [1, 1]} : vector<256x20xf32> to vector<256x1xf32>
    %add3A_162 = arith.addf %add3A_160, %slice3A_161 : vector<256x1xf32>
    %slice3A_163 = vector.extract_strided_slice %select_n3A_143 {offsets = [0, 10], sizes = [256, 1], strides = [1, 1]} : vector<256x20xf32> to vector<256x1xf32>
    %add3A_164 = arith.addf %add3A_162, %slice3A_163 : vector<256x1xf32>
    %slice3A_165 = vector.extract_strided_slice %select_n3A_143 {offsets = [0, 11], sizes = [256, 1], strides = [1, 1]} : vector<256x20xf32> to vector<256x1xf32>
    %add3A_166 = arith.addf %add3A_164, %slice3A_165 : vector<256x1xf32>
    %slice3A_167 = vector.extract_strided_slice %select_n3A_143 {offsets = [0, 12], sizes = [256, 1], strides = [1, 1]} : vector<256x20xf32> to vector<256x1xf32>
    %add3A_168 = arith.addf %add3A_166, %slice3A_167 : vector<256x1xf32>
    %slice3A_169 = vector.extract_strided_slice %select_n3A_143 {offsets = [0, 13], sizes = [256, 1], strides = [1, 1]} : vector<256x20xf32> to vector<256x1xf32>
    %add3A_170 = arith.addf %add3A_168, %slice3A_169 : vector<256x1xf32>
    %slice3A_171 = vector.extract_strided_slice %select_n3A_143 {offsets = [0, 14], sizes = [256, 1], strides = [1, 1]} : vector<256x20xf32> to vector<256x1xf32>
    %add3A_172 = arith.addf %add3A_170, %slice3A_171 : vector<256x1xf32>
    %slice3A_173 = vector.extract_strided_slice %select_n3A_143 {offsets = [0, 15], sizes = [256, 1], strides = [1, 1]} : vector<256x20xf32> to vector<256x1xf32>
    %add3A_174 = arith.addf %add3A_172, %slice3A_173 : vector<256x1xf32>
    %slice3A_175 = vector.extract_strided_slice %select_n3A_143 {offsets = [0, 16], sizes = [256, 1], strides = [1, 1]} : vector<256x20xf32> to vector<256x1xf32>
    %add3A_176 = arith.addf %add3A_174, %slice3A_175 : vector<256x1xf32>
    %slice3A_177 = vector.extract_strided_slice %select_n3A_143 {offsets = [0, 17], sizes = [256, 1], strides = [1, 1]} : vector<256x20xf32> to vector<256x1xf32>
    %add3A_178 = arith.addf %add3A_176, %slice3A_177 : vector<256x1xf32>
    %slice3A_179 = vector.extract_strided_slice %select_n3A_143 {offsets = [0, 18], sizes = [256, 1], strides = [1, 1]} : vector<256x20xf32> to vector<256x1xf32>
    %add3A_180 = arith.addf %add3A_178, %slice3A_179 : vector<256x1xf32>
    %slice3A_181 = vector.extract_strided_slice %select_n3A_143 {offsets = [0, 19], sizes = [256, 1], strides = [1, 1]} : vector<256x20xf32> to vector<256x1xf32>
    %add3A_182 = arith.addf %add3A_180, %slice3A_181 : vector<256x1xf32>
    %get3A_183 = arith.constant 2 : index
    %get3A_184 = arith.constant 0 : index
    %get3A_185 = arith.constant 0 : index
    %get3A_186 = vector.load %arg1[%get3A_183, %get3A_184, %get3A_185] : memref<8x256x256xf32, #tpu.memory_space<vmem>>, vector<1x256x256xf32>
    %get3A_187 = vector.shape_cast %get3A_186 : vector<1x256x256xf32> to vector<256x256xf32>
    %slice3A_188 = vector.extract_strided_slice %get3A_187 {offsets = [0, 0], sizes = [256, 1], strides = [1, 1]} : vector<256x256xf32> to vector<256x1xf32>
    %slice3A_189 = vector.extract_strided_slice %get3A_1 {offsets = [0, 0], sizes = [256, 1], strides = [1, 1]} : vector<256x3xf32> to vector<256x1xf32>
    %sub3A_190 = arith.subf %slice3A_188, %slice3A_189 : vector<256x1xf32>
    %slice3A_191 = vector.extract_strided_slice %get3A_187 {offsets = [0, 1], sizes = [256, 1], strides = [1, 1]} : vector<256x256xf32> to vector<256x1xf32>
    %slice3A_192 = vector.extract_strided_slice %get3A_1 {offsets = [0, 1], sizes = [256, 1], strides = [1, 1]} : vector<256x3xf32> to vector<256x1xf32>
    %sub3A_193 = arith.subf %slice3A_191, %slice3A_192 : vector<256x1xf32>
    %slice3A_194 = vector.extract_strided_slice %get3A_187 {offsets = [0, 2], sizes = [256, 1], strides = [1, 1]} : vector<256x256xf32> to vector<256x1xf32>
    %slice3A_195 = vector.extract_strided_slice %get3A_1 {offsets = [0, 2], sizes = [256, 1], strides = [1, 1]} : vector<256x3xf32> to vector<256x1xf32>
    %sub3A_196 = arith.subf %slice3A_194, %slice3A_195 : vector<256x1xf32>
    %mul3A_197 = arith.mulf %sub3A_190, %sub3A_190 : vector<256x1xf32>
    %mul3A_198 = arith.mulf %sub3A_193, %sub3A_193 : vector<256x1xf32>
    %add3A_199 = arith.addf %mul3A_197, %mul3A_198 : vector<256x1xf32>
    %mul3A_200 = arith.mulf %sub3A_196, %sub3A_196 : vector<256x1xf32>
    %add3A_201 = arith.addf %add3A_199, %mul3A_200 : vector<256x1xf32>
    %sqrt3A_202 = math.sqrt %add3A_201 : vector<256x1xf32>
    %add3A_203 = arith.constant 9.99999993E-9 : f32
    %add3A_204 = vector.broadcast %add3A_203 : f32 to vector<256x1xf32>
    %add3A_205 = arith.addf %sqrt3A_202, %add3A_204 : vector<256x1xf32>
    %div3A_206 = arith.divf %sub3A_190, %add3A_205 : vector<256x1xf32>
    %div3A_207 = arith.divf %sub3A_193, %add3A_205 : vector<256x1xf32>
    %div3A_208 = arith.divf %sub3A_196, %add3A_205 : vector<256x1xf32>
    %slice3A_209 = vector.extract_strided_slice %get3A_187 {offsets = [0, 23], sizes = [256, 20], strides = [1, 1]} : vector<256x256xf32> to vector<256x20xf32>
    %slice3A_210 = vector.extract_strided_slice %get3A_187 {offsets = [0, 43], sizes = [256, 20], strides = [1, 1]} : vector<256x256xf32> to vector<256x20xf32>
    %slice3A_211 = vector.extract_strided_slice %get3A_187 {offsets = [0, 63], sizes = [256, 20], strides = [1, 1]} : vector<256x256xf32> to vector<256x20xf32>
    %mul3A_212 = arith.mulf %slice3A_209, %slice3A_209 : vector<256x20xf32>
    %mul3A_213 = arith.mulf %slice3A_210, %slice3A_210 : vector<256x20xf32>
    %add3A_214 = arith.addf %mul3A_212, %mul3A_213 : vector<256x20xf32>
    %mul3A_215 = arith.mulf %slice3A_211, %slice3A_211 : vector<256x20xf32>
    %add3A_216 = arith.addf %add3A_214, %mul3A_215 : vector<256x20xf32>
    %sqrt3A_217 = math.sqrt %add3A_216 : vector<256x20xf32>
    %add3A_218 = arith.constant 9.99999993E-9 : f32
    %add3A_219 = vector.broadcast %add3A_218 : f32 to vector<256x20xf32>
    %add3A_220 = arith.addf %sqrt3A_217, %add3A_219 : vector<256x20xf32>
    %div3A_221 = arith.divf %slice3A_209, %add3A_220 : vector<256x20xf32>
    %mul3A_222 = vector.broadcast %div3A_206 : vector<256x1xf32> to vector<256x20xf32>
    %mul3A_223 = arith.mulf %div3A_221, %mul3A_222 : vector<256x20xf32>
    %div3A_224 = arith.divf %slice3A_210, %add3A_220 : vector<256x20xf32>
    %mul3A_225 = vector.broadcast %div3A_207 : vector<256x1xf32> to vector<256x20xf32>
    %mul3A_226 = arith.mulf %div3A_224, %mul3A_225 : vector<256x20xf32>
    %add3A_227 = arith.addf %mul3A_223, %mul3A_226 : vector<256x20xf32>
    %div3A_228 = arith.divf %slice3A_211, %add3A_220 : vector<256x20xf32>
    %mul3A_229 = vector.broadcast %div3A_208 : vector<256x1xf32> to vector<256x20xf32>
    %mul3A_230 = arith.mulf %div3A_228, %mul3A_229 : vector<256x20xf32>
    %add3A_231 = arith.addf %add3A_227, %mul3A_230 : vector<256x20xf32>
    %abs3A_232 = math.absf %add3A_231 : vector<256x20xf32>
    %gt3A_233 = arith.constant 5.000000e-01 : f32
    %gt3A_234 = vector.broadcast %gt3A_233 : f32 to vector<256x20xf32>
    %gt3A_235 = arith.cmpf ogt, %abs3A_232, %gt3A_234 : vector<256x20xf32>
    %slice3A_236 = vector.extract_strided_slice %get3A_187 {offsets = [0, 3], sizes = [256, 20], strides = [1, 1]} : vector<256x256xf32> to vector<256x20xf32>
    %jit3A_237 = arith.constant 0.000000e+00 : f32
    %broadcast_in_dim3A_238 = vector.broadcast %jit3A_237 : f32 to vector<256x20xf32>
    %select_n3A_239 = arith.select %gt3A_235, %slice3A_236, %broadcast_in_dim3A_238 : vector<256x20xi1>, vector<256x20xf32>
    %slice3A_240 = vector.extract_strided_slice %select_n3A_239 {offsets = [0, 0], sizes = [256, 1], strides = [1, 1]} : vector<256x20xf32> to vector<256x1xf32>
    %slice3A_241 = vector.extract_strided_slice %select_n3A_239 {offsets = [0, 1], sizes = [256, 1], strides = [1, 1]} : vector<256x20xf32> to vector<256x1xf32>
    %add3A_242 = arith.addf %slice3A_240, %slice3A_241 : vector<256x1xf32>
    %slice3A_243 = vector.extract_strided_slice %select_n3A_239 {offsets = [0, 2], sizes = [256, 1], strides = [1, 1]} : vector<256x20xf32> to vector<256x1xf32>
    %add3A_244 = arith.addf %add3A_242, %slice3A_243 : vector<256x1xf32>
    %slice3A_245 = vector.extract_strided_slice %select_n3A_239 {offsets = [0, 3], sizes = [256, 1], strides = [1, 1]} : vector<256x20xf32> to vector<256x1xf32>
    %add3A_246 = arith.addf %add3A_244, %slice3A_245 : vector<256x1xf32>
    %slice3A_247 = vector.extract_strided_slice %select_n3A_239 {offsets = [0, 4], sizes = [256, 1], strides = [1, 1]} : vector<256x20xf32> to vector<256x1xf32>
    %add3A_248 = arith.addf %add3A_246, %slice3A_247 : vector<256x1xf32>
    %slice3A_249 = vector.extract_strided_slice %select_n3A_239 {offsets = [0, 5], sizes = [256, 1], strides = [1, 1]} : vector<256x20xf32> to vector<256x1xf32>
    %add3A_250 = arith.addf %add3A_248, %slice3A_249 : vector<256x1xf32>
    %slice3A_251 = vector.extract_strided_slice %select_n3A_239 {offsets = [0, 6], sizes = [256, 1], strides = [1, 1]} : vector<256x20xf32> to vector<256x1xf32>
    %add3A_252 = arith.addf %add3A_250, %slice3A_251 : vector<256x1xf32>
    %slice3A_253 = vector.extract_strided_slice %select_n3A_239 {offsets = [0, 7], sizes = [256, 1], strides = [1, 1]} : vector<256x20xf32> to vector<256x1xf32>
    %add3A_254 = arith.addf %add3A_252, %slice3A_253 : vector<256x1xf32>
    %slice3A_255 = vector.extract_strided_slice %select_n3A_239 {offsets = [0, 8], sizes = [256, 1], strides = [1, 1]} : vector<256x20xf32> to vector<256x1xf32>
    %add3A_256 = arith.addf %add3A_254, %slice3A_255 : vector<256x1xf32>
    %slice3A_257 = vector.extract_strided_slice %select_n3A_239 {offsets = [0, 9], sizes = [256, 1], strides = [1, 1]} : vector<256x20xf32> to vector<256x1xf32>
    %add3A_258 = arith.addf %add3A_256, %slice3A_257 : vector<256x1xf32>
    %slice3A_259 = vector.extract_strided_slice %select_n3A_239 {offsets = [0, 10], sizes = [256, 1], strides = [1, 1]} : vector<256x20xf32> to vector<256x1xf32>
    %add3A_260 = arith.addf %add3A_258, %slice3A_259 : vector<256x1xf32>
    %slice3A_261 = vector.extract_strided_slice %select_n3A_239 {offsets = [0, 11], sizes = [256, 1], strides = [1, 1]} : vector<256x20xf32> to vector<256x1xf32>
    %add3A_262 = arith.addf %add3A_260, %slice3A_261 : vector<256x1xf32>
    %slice3A_263 = vector.extract_strided_slice %select_n3A_239 {offsets = [0, 12], sizes = [256, 1], strides = [1, 1]} : vector<256x20xf32> to vector<256x1xf32>
    %add3A_264 = arith.addf %add3A_262, %slice3A_263 : vector<256x1xf32>
    %slice3A_265 = vector.extract_strided_slice %select_n3A_239 {offsets = [0, 13], sizes = [256, 1], strides = [1, 1]} : vector<256x20xf32> to vector<256x1xf32>
    %add3A_266 = arith.addf %add3A_264, %slice3A_265 : vector<256x1xf32>
    %slice3A_267 = vector.extract_strided_slice %select_n3A_239 {offsets = [0, 14], sizes = [256, 1], strides = [1, 1]} : vector<256x20xf32> to vector<256x1xf32>
    %add3A_268 = arith.addf %add3A_266, %slice3A_267 : vector<256x1xf32>
    %slice3A_269 = vector.extract_strided_slice %select_n3A_239 {offsets = [0, 15], sizes = [256, 1], strides = [1, 1]} : vector<256x20xf32> to vector<256x1xf32>
    %add3A_270 = arith.addf %add3A_268, %slice3A_269 : vector<256x1xf32>
    %slice3A_271 = vector.extract_strided_slice %select_n3A_239 {offsets = [0, 16], sizes = [256, 1], strides = [1, 1]} : vector<256x20xf32> to vector<256x1xf32>
    %add3A_272 = arith.addf %add3A_270, %slice3A_271 : vector<256x1xf32>
    %slice3A_273 = vector.extract_strided_slice %select_n3A_239 {offsets = [0, 17], sizes = [256, 1], strides = [1, 1]} : vector<256x20xf32> to vector<256x1xf32>
    %add3A_274 = arith.addf %add3A_272, %slice3A_273 : vector<256x1xf32>
    %slice3A_275 = vector.extract_strided_slice %select_n3A_239 {offsets = [0, 18], sizes = [256, 1], strides = [1, 1]} : vector<256x20xf32> to vector<256x1xf32>
    %add3A_276 = arith.addf %add3A_274, %slice3A_275 : vector<256x1xf32>
    %slice3A_277 = vector.extract_strided_slice %select_n3A_239 {offsets = [0, 19], sizes = [256, 1], strides = [1, 1]} : vector<256x20xf32> to vector<256x1xf32>
    %add3A_278 = arith.addf %add3A_276, %slice3A_277 : vector<256x1xf32>
    %get3A_279 = arith.constant 3 : index
    %get3A_280 = arith.constant 0 : index
    %get3A_281 = arith.constant 0 : index
    %get3A_282 = vector.load %arg1[%get3A_279, %get3A_280, %get3A_281] : memref<8x256x256xf32, #tpu.memory_space<vmem>>, vector<1x256x256xf32>
    %get3A_283 = vector.shape_cast %get3A_282 : vector<1x256x256xf32> to vector<256x256xf32>
    %slice3A_284 = vector.extract_strided_slice %get3A_283 {offsets = [0, 0], sizes = [256, 1], strides = [1, 1]} : vector<256x256xf32> to vector<256x1xf32>
    %slice3A_285 = vector.extract_strided_slice %get3A_1 {offsets = [0, 0], sizes = [256, 1], strides = [1, 1]} : vector<256x3xf32> to vector<256x1xf32>
    %sub3A_286 = arith.subf %slice3A_284, %slice3A_285 : vector<256x1xf32>
    %slice3A_287 = vector.extract_strided_slice %get3A_283 {offsets = [0, 1], sizes = [256, 1], strides = [1, 1]} : vector<256x256xf32> to vector<256x1xf32>
    %slice3A_288 = vector.extract_strided_slice %get3A_1 {offsets = [0, 1], sizes = [256, 1], strides = [1, 1]} : vector<256x3xf32> to vector<256x1xf32>
    %sub3A_289 = arith.subf %slice3A_287, %slice3A_288 : vector<256x1xf32>
    %slice3A_290 = vector.extract_strided_slice %get3A_283 {offsets = [0, 2], sizes = [256, 1], strides = [1, 1]} : vector<256x256xf32> to vector<256x1xf32>
    %slice3A_291 = vector.extract_strided_slice %get3A_1 {offsets = [0, 2], sizes = [256, 1], strides = [1, 1]} : vector<256x3xf32> to vector<256x1xf32>
    %sub3A_292 = arith.subf %slice3A_290, %slice3A_291 : vector<256x1xf32>
    %mul3A_293 = arith.mulf %sub3A_286, %sub3A_286 : vector<256x1xf32>
    %mul3A_294 = arith.mulf %sub3A_289, %sub3A_289 : vector<256x1xf32>
    %add3A_295 = arith.addf %mul3A_293, %mul3A_294 : vector<256x1xf32>
    %mul3A_296 = arith.mulf %sub3A_292, %sub3A_292 : vector<256x1xf32>
    %add3A_297 = arith.addf %add3A_295, %mul3A_296 : vector<256x1xf32>
    %sqrt3A_298 = math.sqrt %add3A_297 : vector<256x1xf32>
    %add3A_299 = arith.constant 9.99999993E-9 : f32
    %add3A_300 = vector.broadcast %add3A_299 : f32 to vector<256x1xf32>
    %add3A_301 = arith.addf %sqrt3A_298, %add3A_300 : vector<256x1xf32>
    %div3A_302 = arith.divf %sub3A_286, %add3A_301 : vector<256x1xf32>
    %div3A_303 = arith.divf %sub3A_289, %add3A_301 : vector<256x1xf32>
    %div3A_304 = arith.divf %sub3A_292, %add3A_301 : vector<256x1xf32>
    %slice3A_305 = vector.extract_strided_slice %get3A_283 {offsets = [0, 23], sizes = [256, 20], strides = [1, 1]} : vector<256x256xf32> to vector<256x20xf32>
    %slice3A_306 = vector.extract_strided_slice %get3A_283 {offsets = [0, 43], sizes = [256, 20], strides = [1, 1]} : vector<256x256xf32> to vector<256x20xf32>
    %slice3A_307 = vector.extract_strided_slice %get3A_283 {offsets = [0, 63], sizes = [256, 20], strides = [1, 1]} : vector<256x256xf32> to vector<256x20xf32>
    %mul3A_308 = arith.mulf %slice3A_305, %slice3A_305 : vector<256x20xf32>
    %mul3A_309 = arith.mulf %slice3A_306, %slice3A_306 : vector<256x20xf32>
    %add3A_310 = arith.addf %mul3A_308, %mul3A_309 : vector<256x20xf32>
    %mul3A_311 = arith.mulf %slice3A_307, %slice3A_307 : vector<256x20xf32>
    %add3A_312 = arith.addf %add3A_310, %mul3A_311 : vector<256x20xf32>
    %sqrt3A_313 = math.sqrt %add3A_312 : vector<256x20xf32>
    %add3A_314 = arith.constant 9.99999993E-9 : f32
    %add3A_315 = vector.broadcast %add3A_314 : f32 to vector<256x20xf32>
    %add3A_316 = arith.addf %sqrt3A_313, %add3A_315 : vector<256x20xf32>
    %div3A_317 = arith.divf %slice3A_305, %add3A_316 : vector<256x20xf32>
    %mul3A_318 = vector.broadcast %div3A_302 : vector<256x1xf32> to vector<256x20xf32>
    %mul3A_319 = arith.mulf %div3A_317, %mul3A_318 : vector<256x20xf32>
    %div3A_320 = arith.divf %slice3A_306, %add3A_316 : vector<256x20xf32>
    %mul3A_321 = vector.broadcast %div3A_303 : vector<256x1xf32> to vector<256x20xf32>
    %mul3A_322 = arith.mulf %div3A_320, %mul3A_321 : vector<256x20xf32>
    %add3A_323 = arith.addf %mul3A_319, %mul3A_322 : vector<256x20xf32>
    %div3A_324 = arith.divf %slice3A_307, %add3A_316 : vector<256x20xf32>
    %mul3A_325 = vector.broadcast %div3A_304 : vector<256x1xf32> to vector<256x20xf32>
    %mul3A_326 = arith.mulf %div3A_324, %mul3A_325 : vector<256x20xf32>
    %add3A_327 = arith.addf %add3A_323, %mul3A_326 : vector<256x20xf32>
    %abs3A_328 = math.absf %add3A_327 : vector<256x20xf32>
    %gt3A_329 = arith.constant 5.000000e-01 : f32
    %gt3A_330 = vector.broadcast %gt3A_329 : f32 to vector<256x20xf32>
    %gt3A_331 = arith.cmpf ogt, %abs3A_328, %gt3A_330 : vector<256x20xf32>
    %slice3A_332 = vector.extract_strided_slice %get3A_283 {offsets = [0, 3], sizes = [256, 20], strides = [1, 1]} : vector<256x256xf32> to vector<256x20xf32>
    %jit3A_333 = arith.constant 0.000000e+00 : f32
    %broadcast_in_dim3A_334 = vector.broadcast %jit3A_333 : f32 to vector<256x20xf32>
    %select_n3A_335 = arith.select %gt3A_331, %slice3A_332, %broadcast_in_dim3A_334 : vector<256x20xi1>, vector<256x20xf32>
    %slice3A_336 = vector.extract_strided_slice %select_n3A_335 {offsets = [0, 0], sizes = [256, 1], strides = [1, 1]} : vector<256x20xf32> to vector<256x1xf32>
    %slice3A_337 = vector.extract_strided_slice %select_n3A_335 {offsets = [0, 1], sizes = [256, 1], strides = [1, 1]} : vector<256x20xf32> to vector<256x1xf32>
    %add3A_338 = arith.addf %slice3A_336, %slice3A_337 : vector<256x1xf32>
    %slice3A_339 = vector.extract_strided_slice %select_n3A_335 {offsets = [0, 2], sizes = [256, 1], strides = [1, 1]} : vector<256x20xf32> to vector<256x1xf32>
    %add3A_340 = arith.addf %add3A_338, %slice3A_339 : vector<256x1xf32>
    %slice3A_341 = vector.extract_strided_slice %select_n3A_335 {offsets = [0, 3], sizes = [256, 1], strides = [1, 1]} : vector<256x20xf32> to vector<256x1xf32>
    %add3A_342 = arith.addf %add3A_340, %slice3A_341 : vector<256x1xf32>
    %slice3A_343 = vector.extract_strided_slice %select_n3A_335 {offsets = [0, 4], sizes = [256, 1], strides = [1, 1]} : vector<256x20xf32> to vector<256x1xf32>
    %add3A_344 = arith.addf %add3A_342, %slice3A_343 : vector<256x1xf32>
    %slice3A_345 = vector.extract_strided_slice %select_n3A_335 {offsets = [0, 5], sizes = [256, 1], strides = [1, 1]} : vector<256x20xf32> to vector<256x1xf32>
    %add3A_346 = arith.addf %add3A_344, %slice3A_345 : vector<256x1xf32>
    %slice3A_347 = vector.extract_strided_slice %select_n3A_335 {offsets = [0, 6], sizes = [256, 1], strides = [1, 1]} : vector<256x20xf32> to vector<256x1xf32>
    %add3A_348 = arith.addf %add3A_346, %slice3A_347 : vector<256x1xf32>
    %slice3A_349 = vector.extract_strided_slice %select_n3A_335 {offsets = [0, 7], sizes = [256, 1], strides = [1, 1]} : vector<256x20xf32> to vector<256x1xf32>
    %add3A_350 = arith.addf %add3A_348, %slice3A_349 : vector<256x1xf32>
    %slice3A_351 = vector.extract_strided_slice %select_n3A_335 {offsets = [0, 8], sizes = [256, 1], strides = [1, 1]} : vector<256x20xf32> to vector<256x1xf32>
    %add3A_352 = arith.addf %add3A_350, %slice3A_351 : vector<256x1xf32>
    %slice3A_353 = vector.extract_strided_slice %select_n3A_335 {offsets = [0, 9], sizes = [256, 1], strides = [1, 1]} : vector<256x20xf32> to vector<256x1xf32>
    %add3A_354 = arith.addf %add3A_352, %slice3A_353 : vector<256x1xf32>
    %slice3A_355 = vector.extract_strided_slice %select_n3A_335 {offsets = [0, 10], sizes = [256, 1], strides = [1, 1]} : vector<256x20xf32> to vector<256x1xf32>
    %add3A_356 = arith.addf %add3A_354, %slice3A_355 : vector<256x1xf32>
    %slice3A_357 = vector.extract_strided_slice %select_n3A_335 {offsets = [0, 11], sizes = [256, 1], strides = [1, 1]} : vector<256x20xf32> to vector<256x1xf32>
    %add3A_358 = arith.addf %add3A_356, %slice3A_357 : vector<256x1xf32>
    %slice3A_359 = vector.extract_strided_slice %select_n3A_335 {offsets = [0, 12], sizes = [256, 1], strides = [1, 1]} : vector<256x20xf32> to vector<256x1xf32>
    %add3A_360 = arith.addf %add3A_358, %slice3A_359 : vector<256x1xf32>
    %slice3A_361 = vector.extract_strided_slice %select_n3A_335 {offsets = [0, 13], sizes = [256, 1], strides = [1, 1]} : vector<256x20xf32> to vector<256x1xf32>
    %add3A_362 = arith.addf %add3A_360, %slice3A_361 : vector<256x1xf32>
    %slice3A_363 = vector.extract_strided_slice %select_n3A_335 {offsets = [0, 14], sizes = [256, 1], strides = [1, 1]} : vector<256x20xf32> to vector<256x1xf32>
    %add3A_364 = arith.addf %add3A_362, %slice3A_363 : vector<256x1xf32>
    %slice3A_365 = vector.extract_strided_slice %select_n3A_335 {offsets = [0, 15], sizes = [256, 1], strides = [1, 1]} : vector<256x20xf32> to vector<256x1xf32>
    %add3A_366 = arith.addf %add3A_364, %slice3A_365 : vector<256x1xf32>
    %slice3A_367 = vector.extract_strided_slice %select_n3A_335 {offsets = [0, 16], sizes = [256, 1], strides = [1, 1]} : vector<256x20xf32> to vector<256x1xf32>
    %add3A_368 = arith.addf %add3A_366, %slice3A_367 : vector<256x1xf32>
    %slice3A_369 = vector.extract_strided_slice %select_n3A_335 {offsets = [0, 17], sizes = [256, 1], strides = [1, 1]} : vector<256x20xf32> to vector<256x1xf32>
    %add3A_370 = arith.addf %add3A_368, %slice3A_369 : vector<256x1xf32>
    %slice3A_371 = vector.extract_strided_slice %select_n3A_335 {offsets = [0, 18], sizes = [256, 1], strides = [1, 1]} : vector<256x20xf32> to vector<256x1xf32>
    %add3A_372 = arith.addf %add3A_370, %slice3A_371 : vector<256x1xf32>
    %slice3A_373 = vector.extract_strided_slice %select_n3A_335 {offsets = [0, 19], sizes = [256, 1], strides = [1, 1]} : vector<256x20xf32> to vector<256x1xf32>
    %add3A_374 = arith.addf %add3A_372, %slice3A_373 : vector<256x1xf32>
    %get3A_375 = arith.constant 4 : index
    %get3A_376 = arith.constant 0 : index
    %get3A_377 = arith.constant 0 : index
    %get3A_378 = vector.load %arg1[%get3A_375, %get3A_376, %get3A_377] : memref<8x256x256xf32, #tpu.memory_space<vmem>>, vector<1x256x256xf32>
    %get3A_379 = vector.shape_cast %get3A_378 : vector<1x256x256xf32> to vector<256x256xf32>
    %slice3A_380 = vector.extract_strided_slice %get3A_379 {offsets = [0, 0], sizes = [256, 1], strides = [1, 1]} : vector<256x256xf32> to vector<256x1xf32>
    %slice3A_381 = vector.extract_strided_slice %get3A_1 {offsets = [0, 0], sizes = [256, 1], strides = [1, 1]} : vector<256x3xf32> to vector<256x1xf32>
    %sub3A_382 = arith.subf %slice3A_380, %slice3A_381 : vector<256x1xf32>
    %slice3A_383 = vector.extract_strided_slice %get3A_379 {offsets = [0, 1], sizes = [256, 1], strides = [1, 1]} : vector<256x256xf32> to vector<256x1xf32>
    %slice3A_384 = vector.extract_strided_slice %get3A_1 {offsets = [0, 1], sizes = [256, 1], strides = [1, 1]} : vector<256x3xf32> to vector<256x1xf32>
    %sub3A_385 = arith.subf %slice3A_383, %slice3A_384 : vector<256x1xf32>
    %slice3A_386 = vector.extract_strided_slice %get3A_379 {offsets = [0, 2], sizes = [256, 1], strides = [1, 1]} : vector<256x256xf32> to vector<256x1xf32>
    %slice3A_387 = vector.extract_strided_slice %get3A_1 {offsets = [0, 2], sizes = [256, 1], strides = [1, 1]} : vector<256x3xf32> to vector<256x1xf32>
    %sub3A_388 = arith.subf %slice3A_386, %slice3A_387 : vector<256x1xf32>
    %mul3A_389 = arith.mulf %sub3A_382, %sub3A_382 : vector<256x1xf32>
    %mul3A_390 = arith.mulf %sub3A_385, %sub3A_385 : vector<256x1xf32>
    %add3A_391 = arith.addf %mul3A_389, %mul3A_390 : vector<256x1xf32>
    %mul3A_392 = arith.mulf %sub3A_388, %sub3A_388 : vector<256x1xf32>
    %add3A_393 = arith.addf %add3A_391, %mul3A_392 : vector<256x1xf32>
    %sqrt3A_394 = math.sqrt %add3A_393 : vector<256x1xf32>
    %add3A_395 = arith.constant 9.99999993E-9 : f32
    %add3A_396 = vector.broadcast %add3A_395 : f32 to vector<256x1xf32>
    %add3A_397 = arith.addf %sqrt3A_394, %add3A_396 : vector<256x1xf32>
    %div3A_398 = arith.divf %sub3A_382, %add3A_397 : vector<256x1xf32>
    %div3A_399 = arith.divf %sub3A_385, %add3A_397 : vector<256x1xf32>
    %div3A_400 = arith.divf %sub3A_388, %add3A_397 : vector<256x1xf32>
    %slice3A_401 = vector.extract_strided_slice %get3A_379 {offsets = [0, 23], sizes = [256, 20], strides = [1, 1]} : vector<256x256xf32> to vector<256x20xf32>
    %slice3A_402 = vector.extract_strided_slice %get3A_379 {offsets = [0, 43], sizes = [256, 20], strides = [1, 1]} : vector<256x256xf32> to vector<256x20xf32>
    %slice3A_403 = vector.extract_strided_slice %get3A_379 {offsets = [0, 63], sizes = [256, 20], strides = [1, 1]} : vector<256x256xf32> to vector<256x20xf32>
    %mul3A_404 = arith.mulf %slice3A_401, %slice3A_401 : vector<256x20xf32>
    %mul3A_405 = arith.mulf %slice3A_402, %slice3A_402 : vector<256x20xf32>
    %add3A_406 = arith.addf %mul3A_404, %mul3A_405 : vector<256x20xf32>
    %mul3A_407 = arith.mulf %slice3A_403, %slice3A_403 : vector<256x20xf32>
    %add3A_408 = arith.addf %add3A_406, %mul3A_407 : vector<256x20xf32>
    %sqrt3A_409 = math.sqrt %add3A_408 : vector<256x20xf32>
    %add3A_410 = arith.constant 9.99999993E-9 : f32
    %add3A_411 = vector.broadcast %add3A_410 : f32 to vector<256x20xf32>
    %add3A_412 = arith.addf %sqrt3A_409, %add3A_411 : vector<256x20xf32>
    %div3A_413 = arith.divf %slice3A_401, %add3A_412 : vector<256x20xf32>
    %mul3A_414 = vector.broadcast %div3A_398 : vector<256x1xf32> to vector<256x20xf32>
    %mul3A_415 = arith.mulf %div3A_413, %mul3A_414 : vector<256x20xf32>
    %div3A_416 = arith.divf %slice3A_402, %add3A_412 : vector<256x20xf32>
    %mul3A_417 = vector.broadcast %div3A_399 : vector<256x1xf32> to vector<256x20xf32>
    %mul3A_418 = arith.mulf %div3A_416, %mul3A_417 : vector<256x20xf32>
    %add3A_419 = arith.addf %mul3A_415, %mul3A_418 : vector<256x20xf32>
    %div3A_420 = arith.divf %slice3A_403, %add3A_412 : vector<256x20xf32>
    %mul3A_421 = vector.broadcast %div3A_400 : vector<256x1xf32> to vector<256x20xf32>
    %mul3A_422 = arith.mulf %div3A_420, %mul3A_421 : vector<256x20xf32>
    %add3A_423 = arith.addf %add3A_419, %mul3A_422 : vector<256x20xf32>
    %abs3A_424 = math.absf %add3A_423 : vector<256x20xf32>
    %gt3A_425 = arith.constant 5.000000e-01 : f32
    %gt3A_426 = vector.broadcast %gt3A_425 : f32 to vector<256x20xf32>
    %gt3A_427 = arith.cmpf ogt, %abs3A_424, %gt3A_426 : vector<256x20xf32>
    %slice3A_428 = vector.extract_strided_slice %get3A_379 {offsets = [0, 3], sizes = [256, 20], strides = [1, 1]} : vector<256x256xf32> to vector<256x20xf32>
    %jit3A_429 = arith.constant 0.000000e+00 : f32
    %broadcast_in_dim3A_430 = vector.broadcast %jit3A_429 : f32 to vector<256x20xf32>
    %select_n3A_431 = arith.select %gt3A_427, %slice3A_428, %broadcast_in_dim3A_430 : vector<256x20xi1>, vector<256x20xf32>
    %slice3A_432 = vector.extract_strided_slice %select_n3A_431 {offsets = [0, 0], sizes = [256, 1], strides = [1, 1]} : vector<256x20xf32> to vector<256x1xf32>
    %slice3A_433 = vector.extract_strided_slice %select_n3A_431 {offsets = [0, 1], sizes = [256, 1], strides = [1, 1]} : vector<256x20xf32> to vector<256x1xf32>
    %add3A_434 = arith.addf %slice3A_432, %slice3A_433 : vector<256x1xf32>
    %slice3A_435 = vector.extract_strided_slice %select_n3A_431 {offsets = [0, 2], sizes = [256, 1], strides = [1, 1]} : vector<256x20xf32> to vector<256x1xf32>
    %add3A_436 = arith.addf %add3A_434, %slice3A_435 : vector<256x1xf32>
    %slice3A_437 = vector.extract_strided_slice %select_n3A_431 {offsets = [0, 3], sizes = [256, 1], strides = [1, 1]} : vector<256x20xf32> to vector<256x1xf32>
    %add3A_438 = arith.addf %add3A_436, %slice3A_437 : vector<256x1xf32>
    %slice3A_439 = vector.extract_strided_slice %select_n3A_431 {offsets = [0, 4], sizes = [256, 1], strides = [1, 1]} : vector<256x20xf32> to vector<256x1xf32>
    %add3A_440 = arith.addf %add3A_438, %slice3A_439 : vector<256x1xf32>
    %slice3A_441 = vector.extract_strided_slice %select_n3A_431 {offsets = [0, 5], sizes = [256, 1], strides = [1, 1]} : vector<256x20xf32> to vector<256x1xf32>
    %add3A_442 = arith.addf %add3A_440, %slice3A_441 : vector<256x1xf32>
    %slice3A_443 = vector.extract_strided_slice %select_n3A_431 {offsets = [0, 6], sizes = [256, 1], strides = [1, 1]} : vector<256x20xf32> to vector<256x1xf32>
    %add3A_444 = arith.addf %add3A_442, %slice3A_443 : vector<256x1xf32>
    %slice3A_445 = vector.extract_strided_slice %select_n3A_431 {offsets = [0, 7], sizes = [256, 1], strides = [1, 1]} : vector<256x20xf32> to vector<256x1xf32>
    %add3A_446 = arith.addf %add3A_444, %slice3A_445 : vector<256x1xf32>
    %slice3A_447 = vector.extract_strided_slice %select_n3A_431 {offsets = [0, 8], sizes = [256, 1], strides = [1, 1]} : vector<256x20xf32> to vector<256x1xf32>
    %add3A_448 = arith.addf %add3A_446, %slice3A_447 : vector<256x1xf32>
    %slice3A_449 = vector.extract_strided_slice %select_n3A_431 {offsets = [0, 9], sizes = [256, 1], strides = [1, 1]} : vector<256x20xf32> to vector<256x1xf32>
    %add3A_450 = arith.addf %add3A_448, %slice3A_449 : vector<256x1xf32>
    %slice3A_451 = vector.extract_strided_slice %select_n3A_431 {offsets = [0, 10], sizes = [256, 1], strides = [1, 1]} : vector<256x20xf32> to vector<256x1xf32>
    %add3A_452 = arith.addf %add3A_450, %slice3A_451 : vector<256x1xf32>
    %slice3A_453 = vector.extract_strided_slice %select_n3A_431 {offsets = [0, 11], sizes = [256, 1], strides = [1, 1]} : vector<256x20xf32> to vector<256x1xf32>
    %add3A_454 = arith.addf %add3A_452, %slice3A_453 : vector<256x1xf32>
    %slice3A_455 = vector.extract_strided_slice %select_n3A_431 {offsets = [0, 12], sizes = [256, 1], strides = [1, 1]} : vector<256x20xf32> to vector<256x1xf32>
    %add3A_456 = arith.addf %add3A_454, %slice3A_455 : vector<256x1xf32>
    %slice3A_457 = vector.extract_strided_slice %select_n3A_431 {offsets = [0, 13], sizes = [256, 1], strides = [1, 1]} : vector<256x20xf32> to vector<256x1xf32>
    %add3A_458 = arith.addf %add3A_456, %slice3A_457 : vector<256x1xf32>
    %slice3A_459 = vector.extract_strided_slice %select_n3A_431 {offsets = [0, 14], sizes = [256, 1], strides = [1, 1]} : vector<256x20xf32> to vector<256x1xf32>
    %add3A_460 = arith.addf %add3A_458, %slice3A_459 : vector<256x1xf32>
    %slice3A_461 = vector.extract_strided_slice %select_n3A_431 {offsets = [0, 15], sizes = [256, 1], strides = [1, 1]} : vector<256x20xf32> to vector<256x1xf32>
    %add3A_462 = arith.addf %add3A_460, %slice3A_461 : vector<256x1xf32>
    %slice3A_463 = vector.extract_strided_slice %select_n3A_431 {offsets = [0, 16], sizes = [256, 1], strides = [1, 1]} : vector<256x20xf32> to vector<256x1xf32>
    %add3A_464 = arith.addf %add3A_462, %slice3A_463 : vector<256x1xf32>
    %slice3A_465 = vector.extract_strided_slice %select_n3A_431 {offsets = [0, 17], sizes = [256, 1], strides = [1, 1]} : vector<256x20xf32> to vector<256x1xf32>
    %add3A_466 = arith.addf %add3A_464, %slice3A_465 : vector<256x1xf32>
    %slice3A_467 = vector.extract_strided_slice %select_n3A_431 {offsets = [0, 18], sizes = [256, 1], strides = [1, 1]} : vector<256x20xf32> to vector<256x1xf32>
    %add3A_468 = arith.addf %add3A_466, %slice3A_467 : vector<256x1xf32>
    %slice3A_469 = vector.extract_strided_slice %select_n3A_431 {offsets = [0, 19], sizes = [256, 1], strides = [1, 1]} : vector<256x20xf32> to vector<256x1xf32>
    %add3A_470 = arith.addf %add3A_468, %slice3A_469 : vector<256x1xf32>
    %get3A_471 = arith.constant 5 : index
    %get3A_472 = arith.constant 0 : index
    %get3A_473 = arith.constant 0 : index
    %get3A_474 = vector.load %arg1[%get3A_471, %get3A_472, %get3A_473] : memref<8x256x256xf32, #tpu.memory_space<vmem>>, vector<1x256x256xf32>
    %get3A_475 = vector.shape_cast %get3A_474 : vector<1x256x256xf32> to vector<256x256xf32>
    %slice3A_476 = vector.extract_strided_slice %get3A_475 {offsets = [0, 0], sizes = [256, 1], strides = [1, 1]} : vector<256x256xf32> to vector<256x1xf32>
    %slice3A_477 = vector.extract_strided_slice %get3A_1 {offsets = [0, 0], sizes = [256, 1], strides = [1, 1]} : vector<256x3xf32> to vector<256x1xf32>
    %sub3A_478 = arith.subf %slice3A_476, %slice3A_477 : vector<256x1xf32>
    %slice3A_479 = vector.extract_strided_slice %get3A_475 {offsets = [0, 1], sizes = [256, 1], strides = [1, 1]} : vector<256x256xf32> to vector<256x1xf32>
    %slice3A_480 = vector.extract_strided_slice %get3A_1 {offsets = [0, 1], sizes = [256, 1], strides = [1, 1]} : vector<256x3xf32> to vector<256x1xf32>
    %sub3A_481 = arith.subf %slice3A_479, %slice3A_480 : vector<256x1xf32>
    %slice3A_482 = vector.extract_strided_slice %get3A_475 {offsets = [0, 2], sizes = [256, 1], strides = [1, 1]} : vector<256x256xf32> to vector<256x1xf32>
    %slice3A_483 = vector.extract_strided_slice %get3A_1 {offsets = [0, 2], sizes = [256, 1], strides = [1, 1]} : vector<256x3xf32> to vector<256x1xf32>
    %sub3A_484 = arith.subf %slice3A_482, %slice3A_483 : vector<256x1xf32>
    %mul3A_485 = arith.mulf %sub3A_478, %sub3A_478 : vector<256x1xf32>
    %mul3A_486 = arith.mulf %sub3A_481, %sub3A_481 : vector<256x1xf32>
    %add3A_487 = arith.addf %mul3A_485, %mul3A_486 : vector<256x1xf32>
    %mul3A_488 = arith.mulf %sub3A_484, %sub3A_484 : vector<256x1xf32>
    %add3A_489 = arith.addf %add3A_487, %mul3A_488 : vector<256x1xf32>
    %sqrt3A_490 = math.sqrt %add3A_489 : vector<256x1xf32>
    %add3A_491 = arith.constant 9.99999993E-9 : f32
    %add3A_492 = vector.broadcast %add3A_491 : f32 to vector<256x1xf32>
    %add3A_493 = arith.addf %sqrt3A_490, %add3A_492 : vector<256x1xf32>
    %div3A_494 = arith.divf %sub3A_478, %add3A_493 : vector<256x1xf32>
    %div3A_495 = arith.divf %sub3A_481, %add3A_493 : vector<256x1xf32>
    %div3A_496 = arith.divf %sub3A_484, %add3A_493 : vector<256x1xf32>
    %slice3A_497 = vector.extract_strided_slice %get3A_475 {offsets = [0, 23], sizes = [256, 20], strides = [1, 1]} : vector<256x256xf32> to vector<256x20xf32>
    %slice3A_498 = vector.extract_strided_slice %get3A_475 {offsets = [0, 43], sizes = [256, 20], strides = [1, 1]} : vector<256x256xf32> to vector<256x20xf32>
    %slice3A_499 = vector.extract_strided_slice %get3A_475 {offsets = [0, 63], sizes = [256, 20], strides = [1, 1]} : vector<256x256xf32> to vector<256x20xf32>
    %mul3A_500 = arith.mulf %slice3A_497, %slice3A_497 : vector<256x20xf32>
    %mul3A_501 = arith.mulf %slice3A_498, %slice3A_498 : vector<256x20xf32>
    %add3A_502 = arith.addf %mul3A_500, %mul3A_501 : vector<256x20xf32>
    %mul3A_503 = arith.mulf %slice3A_499, %slice3A_499 : vector<256x20xf32>
    %add3A_504 = arith.addf %add3A_502, %mul3A_503 : vector<256x20xf32>
    %sqrt3A_505 = math.sqrt %add3A_504 : vector<256x20xf32>
    %add3A_506 = arith.constant 9.99999993E-9 : f32
    %add3A_507 = vector.broadcast %add3A_506 : f32 to vector<256x20xf32>
    %add3A_508 = arith.addf %sqrt3A_505, %add3A_507 : vector<256x20xf32>
    %div3A_509 = arith.divf %slice3A_497, %add3A_508 : vector<256x20xf32>
    %mul3A_510 = vector.broadcast %div3A_494 : vector<256x1xf32> to vector<256x20xf32>
    %mul3A_511 = arith.mulf %div3A_509, %mul3A_510 : vector<256x20xf32>
    %div3A_512 = arith.divf %slice3A_498, %add3A_508 : vector<256x20xf32>
    %mul3A_513 = vector.broadcast %div3A_495 : vector<256x1xf32> to vector<256x20xf32>
    %mul3A_514 = arith.mulf %div3A_512, %mul3A_513 : vector<256x20xf32>
    %add3A_515 = arith.addf %mul3A_511, %mul3A_514 : vector<256x20xf32>
    %div3A_516 = arith.divf %slice3A_499, %add3A_508 : vector<256x20xf32>
    %mul3A_517 = vector.broadcast %div3A_496 : vector<256x1xf32> to vector<256x20xf32>
    %mul3A_518 = arith.mulf %div3A_516, %mul3A_517 : vector<256x20xf32>
    %add3A_519 = arith.addf %add3A_515, %mul3A_518 : vector<256x20xf32>
    %abs3A_520 = math.absf %add3A_519 : vector<256x20xf32>
    %gt3A_521 = arith.constant 5.000000e-01 : f32
    %gt3A_522 = vector.broadcast %gt3A_521 : f32 to vector<256x20xf32>
    %gt3A_523 = arith.cmpf ogt, %abs3A_520, %gt3A_522 : vector<256x20xf32>
    %slice3A_524 = vector.extract_strided_slice %get3A_475 {offsets = [0, 3], sizes = [256, 20], strides = [1, 1]} : vector<256x256xf32> to vector<256x20xf32>
    %jit3A_525 = arith.constant 0.000000e+00 : f32
    %broadcast_in_dim3A_526 = vector.broadcast %jit3A_525 : f32 to vector<256x20xf32>
    %select_n3A_527 = arith.select %gt3A_523, %slice3A_524, %broadcast_in_dim3A_526 : vector<256x20xi1>, vector<256x20xf32>
    %slice3A_528 = vector.extract_strided_slice %select_n3A_527 {offsets = [0, 0], sizes = [256, 1], strides = [1, 1]} : vector<256x20xf32> to vector<256x1xf32>
    %slice3A_529 = vector.extract_strided_slice %select_n3A_527 {offsets = [0, 1], sizes = [256, 1], strides = [1, 1]} : vector<256x20xf32> to vector<256x1xf32>
    %add3A_530 = arith.addf %slice3A_528, %slice3A_529 : vector<256x1xf32>
    %slice3A_531 = vector.extract_strided_slice %select_n3A_527 {offsets = [0, 2], sizes = [256, 1], strides = [1, 1]} : vector<256x20xf32> to vector<256x1xf32>
    %add3A_532 = arith.addf %add3A_530, %slice3A_531 : vector<256x1xf32>
    %slice3A_533 = vector.extract_strided_slice %select_n3A_527 {offsets = [0, 3], sizes = [256, 1], strides = [1, 1]} : vector<256x20xf32> to vector<256x1xf32>
    %add3A_534 = arith.addf %add3A_532, %slice3A_533 : vector<256x1xf32>
    %slice3A_535 = vector.extract_strided_slice %select_n3A_527 {offsets = [0, 4], sizes = [256, 1], strides = [1, 1]} : vector<256x20xf32> to vector<256x1xf32>
    %add3A_536 = arith.addf %add3A_534, %slice3A_535 : vector<256x1xf32>
    %slice3A_537 = vector.extract_strided_slice %select_n3A_527 {offsets = [0, 5], sizes = [256, 1], strides = [1, 1]} : vector<256x20xf32> to vector<256x1xf32>
    %add3A_538 = arith.addf %add3A_536, %slice3A_537 : vector<256x1xf32>
    %slice3A_539 = vector.extract_strided_slice %select_n3A_527 {offsets = [0, 6], sizes = [256, 1], strides = [1, 1]} : vector<256x20xf32> to vector<256x1xf32>
    %add3A_540 = arith.addf %add3A_538, %slice3A_539 : vector<256x1xf32>
    %slice3A_541 = vector.extract_strided_slice %select_n3A_527 {offsets = [0, 7], sizes = [256, 1], strides = [1, 1]} : vector<256x20xf32> to vector<256x1xf32>
    %add3A_542 = arith.addf %add3A_540, %slice3A_541 : vector<256x1xf32>
    %slice3A_543 = vector.extract_strided_slice %select_n3A_527 {offsets = [0, 8], sizes = [256, 1], strides = [1, 1]} : vector<256x20xf32> to vector<256x1xf32>
    %add3A_544 = arith.addf %add3A_542, %slice3A_543 : vector<256x1xf32>
    %slice3A_545 = vector.extract_strided_slice %select_n3A_527 {offsets = [0, 9], sizes = [256, 1], strides = [1, 1]} : vector<256x20xf32> to vector<256x1xf32>
    %add3A_546 = arith.addf %add3A_544, %slice3A_545 : vector<256x1xf32>
    %slice3A_547 = vector.extract_strided_slice %select_n3A_527 {offsets = [0, 10], sizes = [256, 1], strides = [1, 1]} : vector<256x20xf32> to vector<256x1xf32>
    %add3A_548 = arith.addf %add3A_546, %slice3A_547 : vector<256x1xf32>
    %slice3A_549 = vector.extract_strided_slice %select_n3A_527 {offsets = [0, 11], sizes = [256, 1], strides = [1, 1]} : vector<256x20xf32> to vector<256x1xf32>
    %add3A_550 = arith.addf %add3A_548, %slice3A_549 : vector<256x1xf32>
    %slice3A_551 = vector.extract_strided_slice %select_n3A_527 {offsets = [0, 12], sizes = [256, 1], strides = [1, 1]} : vector<256x20xf32> to vector<256x1xf32>
    %add3A_552 = arith.addf %add3A_550, %slice3A_551 : vector<256x1xf32>
    %slice3A_553 = vector.extract_strided_slice %select_n3A_527 {offsets = [0, 13], sizes = [256, 1], strides = [1, 1]} : vector<256x20xf32> to vector<256x1xf32>
    %add3A_554 = arith.addf %add3A_552, %slice3A_553 : vector<256x1xf32>
    %slice3A_555 = vector.extract_strided_slice %select_n3A_527 {offsets = [0, 14], sizes = [256, 1], strides = [1, 1]} : vector<256x20xf32> to vector<256x1xf32>
    %add3A_556 = arith.addf %add3A_554, %slice3A_555 : vector<256x1xf32>
    %slice3A_557 = vector.extract_strided_slice %select_n3A_527 {offsets = [0, 15], sizes = [256, 1], strides = [1, 1]} : vector<256x20xf32> to vector<256x1xf32>
    %add3A_558 = arith.addf %add3A_556, %slice3A_557 : vector<256x1xf32>
    %slice3A_559 = vector.extract_strided_slice %select_n3A_527 {offsets = [0, 16], sizes = [256, 1], strides = [1, 1]} : vector<256x20xf32> to vector<256x1xf32>
    %add3A_560 = arith.addf %add3A_558, %slice3A_559 : vector<256x1xf32>
    %slice3A_561 = vector.extract_strided_slice %select_n3A_527 {offsets = [0, 17], sizes = [256, 1], strides = [1, 1]} : vector<256x20xf32> to vector<256x1xf32>
    %add3A_562 = arith.addf %add3A_560, %slice3A_561 : vector<256x1xf32>
    %slice3A_563 = vector.extract_strided_slice %select_n3A_527 {offsets = [0, 18], sizes = [256, 1], strides = [1, 1]} : vector<256x20xf32> to vector<256x1xf32>
    %add3A_564 = arith.addf %add3A_562, %slice3A_563 : vector<256x1xf32>
    %slice3A_565 = vector.extract_strided_slice %select_n3A_527 {offsets = [0, 19], sizes = [256, 1], strides = [1, 1]} : vector<256x20xf32> to vector<256x1xf32>
    %add3A_566 = arith.addf %add3A_564, %slice3A_565 : vector<256x1xf32>
    %get3A_567 = arith.constant 6 : index
    %get3A_568 = arith.constant 0 : index
    %get3A_569 = arith.constant 0 : index
    %get3A_570 = vector.load %arg1[%get3A_567, %get3A_568, %get3A_569] : memref<8x256x256xf32, #tpu.memory_space<vmem>>, vector<1x256x256xf32>
    %get3A_571 = vector.shape_cast %get3A_570 : vector<1x256x256xf32> to vector<256x256xf32>
    %slice3A_572 = vector.extract_strided_slice %get3A_571 {offsets = [0, 0], sizes = [256, 1], strides = [1, 1]} : vector<256x256xf32> to vector<256x1xf32>
    %slice3A_573 = vector.extract_strided_slice %get3A_1 {offsets = [0, 0], sizes = [256, 1], strides = [1, 1]} : vector<256x3xf32> to vector<256x1xf32>
    %sub3A_574 = arith.subf %slice3A_572, %slice3A_573 : vector<256x1xf32>
    %slice3A_575 = vector.extract_strided_slice %get3A_571 {offsets = [0, 1], sizes = [256, 1], strides = [1, 1]} : vector<256x256xf32> to vector<256x1xf32>
    %slice3A_576 = vector.extract_strided_slice %get3A_1 {offsets = [0, 1], sizes = [256, 1], strides = [1, 1]} : vector<256x3xf32> to vector<256x1xf32>
    %sub3A_577 = arith.subf %slice3A_575, %slice3A_576 : vector<256x1xf32>
    %slice3A_578 = vector.extract_strided_slice %get3A_571 {offsets = [0, 2], sizes = [256, 1], strides = [1, 1]} : vector<256x256xf32> to vector<256x1xf32>
    %slice3A_579 = vector.extract_strided_slice %get3A_1 {offsets = [0, 2], sizes = [256, 1], strides = [1, 1]} : vector<256x3xf32> to vector<256x1xf32>
    %sub3A_580 = arith.subf %slice3A_578, %slice3A_579 : vector<256x1xf32>
    %mul3A_581 = arith.mulf %sub3A_574, %sub3A_574 : vector<256x1xf32>
    %mul3A_582 = arith.mulf %sub3A_577, %sub3A_577 : vector<256x1xf32>
    %add3A_583 = arith.addf %mul3A_581, %mul3A_582 : vector<256x1xf32>
    %mul3A_584 = arith.mulf %sub3A_580, %sub3A_580 : vector<256x1xf32>
    %add3A_585 = arith.addf %add3A_583, %mul3A_584 : vector<256x1xf32>
    %sqrt3A_586 = math.sqrt %add3A_585 : vector<256x1xf32>
    %add3A_587 = arith.constant 9.99999993E-9 : f32
    %add3A_588 = vector.broadcast %add3A_587 : f32 to vector<256x1xf32>
    %add3A_589 = arith.addf %sqrt3A_586, %add3A_588 : vector<256x1xf32>
    %div3A_590 = arith.divf %sub3A_574, %add3A_589 : vector<256x1xf32>
    %div3A_591 = arith.divf %sub3A_577, %add3A_589 : vector<256x1xf32>
    %div3A_592 = arith.divf %sub3A_580, %add3A_589 : vector<256x1xf32>
    %slice3A_593 = vector.extract_strided_slice %get3A_571 {offsets = [0, 23], sizes = [256, 20], strides = [1, 1]} : vector<256x256xf32> to vector<256x20xf32>
    %slice3A_594 = vector.extract_strided_slice %get3A_571 {offsets = [0, 43], sizes = [256, 20], strides = [1, 1]} : vector<256x256xf32> to vector<256x20xf32>
    %slice3A_595 = vector.extract_strided_slice %get3A_571 {offsets = [0, 63], sizes = [256, 20], strides = [1, 1]} : vector<256x256xf32> to vector<256x20xf32>
    %mul3A_596 = arith.mulf %slice3A_593, %slice3A_593 : vector<256x20xf32>
    %mul3A_597 = arith.mulf %slice3A_594, %slice3A_594 : vector<256x20xf32>
    %add3A_598 = arith.addf %mul3A_596, %mul3A_597 : vector<256x20xf32>
    %mul3A_599 = arith.mulf %slice3A_595, %slice3A_595 : vector<256x20xf32>
    %add3A_600 = arith.addf %add3A_598, %mul3A_599 : vector<256x20xf32>
    %sqrt3A_601 = math.sqrt %add3A_600 : vector<256x20xf32>
    %add3A_602 = arith.constant 9.99999993E-9 : f32
    %add3A_603 = vector.broadcast %add3A_602 : f32 to vector<256x20xf32>
    %add3A_604 = arith.addf %sqrt3A_601, %add3A_603 : vector<256x20xf32>
    %div3A_605 = arith.divf %slice3A_593, %add3A_604 : vector<256x20xf32>
    %mul3A_606 = vector.broadcast %div3A_590 : vector<256x1xf32> to vector<256x20xf32>
    %mul3A_607 = arith.mulf %div3A_605, %mul3A_606 : vector<256x20xf32>
    %div3A_608 = arith.divf %slice3A_594, %add3A_604 : vector<256x20xf32>
    %mul3A_609 = vector.broadcast %div3A_591 : vector<256x1xf32> to vector<256x20xf32>
    %mul3A_610 = arith.mulf %div3A_608, %mul3A_609 : vector<256x20xf32>
    %add3A_611 = arith.addf %mul3A_607, %mul3A_610 : vector<256x20xf32>
    %div3A_612 = arith.divf %slice3A_595, %add3A_604 : vector<256x20xf32>
    %mul3A_613 = vector.broadcast %div3A_592 : vector<256x1xf32> to vector<256x20xf32>
    %mul3A_614 = arith.mulf %div3A_612, %mul3A_613 : vector<256x20xf32>
    %add3A_615 = arith.addf %add3A_611, %mul3A_614 : vector<256x20xf32>
    %abs3A_616 = math.absf %add3A_615 : vector<256x20xf32>
    %gt3A_617 = arith.constant 5.000000e-01 : f32
    %gt3A_618 = vector.broadcast %gt3A_617 : f32 to vector<256x20xf32>
    %gt3A_619 = arith.cmpf ogt, %abs3A_616, %gt3A_618 : vector<256x20xf32>
    %slice3A_620 = vector.extract_strided_slice %get3A_571 {offsets = [0, 3], sizes = [256, 20], strides = [1, 1]} : vector<256x256xf32> to vector<256x20xf32>
    %jit3A_621 = arith.constant 0.000000e+00 : f32
    %broadcast_in_dim3A_622 = vector.broadcast %jit3A_621 : f32 to vector<256x20xf32>
    %select_n3A_623 = arith.select %gt3A_619, %slice3A_620, %broadcast_in_dim3A_622 : vector<256x20xi1>, vector<256x20xf32>
    %slice3A_624 = vector.extract_strided_slice %select_n3A_623 {offsets = [0, 0], sizes = [256, 1], strides = [1, 1]} : vector<256x20xf32> to vector<256x1xf32>
    %slice3A_625 = vector.extract_strided_slice %select_n3A_623 {offsets = [0, 1], sizes = [256, 1], strides = [1, 1]} : vector<256x20xf32> to vector<256x1xf32>
    %add3A_626 = arith.addf %slice3A_624, %slice3A_625 : vector<256x1xf32>
    %slice3A_627 = vector.extract_strided_slice %select_n3A_623 {offsets = [0, 2], sizes = [256, 1], strides = [1, 1]} : vector<256x20xf32> to vector<256x1xf32>
    %add3A_628 = arith.addf %add3A_626, %slice3A_627 : vector<256x1xf32>
    %slice3A_629 = vector.extract_strided_slice %select_n3A_623 {offsets = [0, 3], sizes = [256, 1], strides = [1, 1]} : vector<256x20xf32> to vector<256x1xf32>
    %add3A_630 = arith.addf %add3A_628, %slice3A_629 : vector<256x1xf32>
    %slice3A_631 = vector.extract_strided_slice %select_n3A_623 {offsets = [0, 4], sizes = [256, 1], strides = [1, 1]} : vector<256x20xf32> to vector<256x1xf32>
    %add3A_632 = arith.addf %add3A_630, %slice3A_631 : vector<256x1xf32>
    %slice3A_633 = vector.extract_strided_slice %select_n3A_623 {offsets = [0, 5], sizes = [256, 1], strides = [1, 1]} : vector<256x20xf32> to vector<256x1xf32>
    %add3A_634 = arith.addf %add3A_632, %slice3A_633 : vector<256x1xf32>
    %slice3A_635 = vector.extract_strided_slice %select_n3A_623 {offsets = [0, 6], sizes = [256, 1], strides = [1, 1]} : vector<256x20xf32> to vector<256x1xf32>
    %add3A_636 = arith.addf %add3A_634, %slice3A_635 : vector<256x1xf32>
    %slice3A_637 = vector.extract_strided_slice %select_n3A_623 {offsets = [0, 7], sizes = [256, 1], strides = [1, 1]} : vector<256x20xf32> to vector<256x1xf32>
    %add3A_638 = arith.addf %add3A_636, %slice3A_637 : vector<256x1xf32>
    %slice3A_639 = vector.extract_strided_slice %select_n3A_623 {offsets = [0, 8], sizes = [256, 1], strides = [1, 1]} : vector<256x20xf32> to vector<256x1xf32>
    %add3A_640 = arith.addf %add3A_638, %slice3A_639 : vector<256x1xf32>
    %slice3A_641 = vector.extract_strided_slice %select_n3A_623 {offsets = [0, 9], sizes = [256, 1], strides = [1, 1]} : vector<256x20xf32> to vector<256x1xf32>
    %add3A_642 = arith.addf %add3A_640, %slice3A_641 : vector<256x1xf32>
    %slice3A_643 = vector.extract_strided_slice %select_n3A_623 {offsets = [0, 10], sizes = [256, 1], strides = [1, 1]} : vector<256x20xf32> to vector<256x1xf32>
    %add3A_644 = arith.addf %add3A_642, %slice3A_643 : vector<256x1xf32>
    %slice3A_645 = vector.extract_strided_slice %select_n3A_623 {offsets = [0, 11], sizes = [256, 1], strides = [1, 1]} : vector<256x20xf32> to vector<256x1xf32>
    %add3A_646 = arith.addf %add3A_644, %slice3A_645 : vector<256x1xf32>
    %slice3A_647 = vector.extract_strided_slice %select_n3A_623 {offsets = [0, 12], sizes = [256, 1], strides = [1, 1]} : vector<256x20xf32> to vector<256x1xf32>
    %add3A_648 = arith.addf %add3A_646, %slice3A_647 : vector<256x1xf32>
    %slice3A_649 = vector.extract_strided_slice %select_n3A_623 {offsets = [0, 13], sizes = [256, 1], strides = [1, 1]} : vector<256x20xf32> to vector<256x1xf32>
    %add3A_650 = arith.addf %add3A_648, %slice3A_649 : vector<256x1xf32>
    %slice3A_651 = vector.extract_strided_slice %select_n3A_623 {offsets = [0, 14], sizes = [256, 1], strides = [1, 1]} : vector<256x20xf32> to vector<256x1xf32>
    %add3A_652 = arith.addf %add3A_650, %slice3A_651 : vector<256x1xf32>
    %slice3A_653 = vector.extract_strided_slice %select_n3A_623 {offsets = [0, 15], sizes = [256, 1], strides = [1, 1]} : vector<256x20xf32> to vector<256x1xf32>
    %add3A_654 = arith.addf %add3A_652, %slice3A_653 : vector<256x1xf32>
    %slice3A_655 = vector.extract_strided_slice %select_n3A_623 {offsets = [0, 16], sizes = [256, 1], strides = [1, 1]} : vector<256x20xf32> to vector<256x1xf32>
    %add3A_656 = arith.addf %add3A_654, %slice3A_655 : vector<256x1xf32>
    %slice3A_657 = vector.extract_strided_slice %select_n3A_623 {offsets = [0, 17], sizes = [256, 1], strides = [1, 1]} : vector<256x20xf32> to vector<256x1xf32>
    %add3A_658 = arith.addf %add3A_656, %slice3A_657 : vector<256x1xf32>
    %slice3A_659 = vector.extract_strided_slice %select_n3A_623 {offsets = [0, 18], sizes = [256, 1], strides = [1, 1]} : vector<256x20xf32> to vector<256x1xf32>
    %add3A_660 = arith.addf %add3A_658, %slice3A_659 : vector<256x1xf32>
    %slice3A_661 = vector.extract_strided_slice %select_n3A_623 {offsets = [0, 19], sizes = [256, 1], strides = [1, 1]} : vector<256x20xf32> to vector<256x1xf32>
    %add3A_662 = arith.addf %add3A_660, %slice3A_661 : vector<256x1xf32>
    %get3A_663 = arith.constant 7 : index
    %get3A_664 = arith.constant 0 : index
    %get3A_665 = arith.constant 0 : index
    %get3A_666 = vector.load %arg1[%get3A_663, %get3A_664, %get3A_665] : memref<8x256x256xf32, #tpu.memory_space<vmem>>, vector<1x256x256xf32>
    %get3A_667 = vector.shape_cast %get3A_666 : vector<1x256x256xf32> to vector<256x256xf32>
    %slice3A_668 = vector.extract_strided_slice %get3A_667 {offsets = [0, 0], sizes = [256, 1], strides = [1, 1]} : vector<256x256xf32> to vector<256x1xf32>
    %slice3A_669 = vector.extract_strided_slice %get3A_1 {offsets = [0, 0], sizes = [256, 1], strides = [1, 1]} : vector<256x3xf32> to vector<256x1xf32>
    %sub3A_670 = arith.subf %slice3A_668, %slice3A_669 : vector<256x1xf32>
    %slice3A_671 = vector.extract_strided_slice %get3A_667 {offsets = [0, 1], sizes = [256, 1], strides = [1, 1]} : vector<256x256xf32> to vector<256x1xf32>
    %slice3A_672 = vector.extract_strided_slice %get3A_1 {offsets = [0, 1], sizes = [256, 1], strides = [1, 1]} : vector<256x3xf32> to vector<256x1xf32>
    %sub3A_673 = arith.subf %slice3A_671, %slice3A_672 : vector<256x1xf32>
    %slice3A_674 = vector.extract_strided_slice %get3A_667 {offsets = [0, 2], sizes = [256, 1], strides = [1, 1]} : vector<256x256xf32> to vector<256x1xf32>
    %slice3A_675 = vector.extract_strided_slice %get3A_1 {offsets = [0, 2], sizes = [256, 1], strides = [1, 1]} : vector<256x3xf32> to vector<256x1xf32>
    %sub3A_676 = arith.subf %slice3A_674, %slice3A_675 : vector<256x1xf32>
    %mul3A_677 = arith.mulf %sub3A_670, %sub3A_670 : vector<256x1xf32>
    %mul3A_678 = arith.mulf %sub3A_673, %sub3A_673 : vector<256x1xf32>
    %add3A_679 = arith.addf %mul3A_677, %mul3A_678 : vector<256x1xf32>
    %mul3A_680 = arith.mulf %sub3A_676, %sub3A_676 : vector<256x1xf32>
    %add3A_681 = arith.addf %add3A_679, %mul3A_680 : vector<256x1xf32>
    %sqrt3A_682 = math.sqrt %add3A_681 : vector<256x1xf32>
    %add3A_683 = arith.constant 9.99999993E-9 : f32
    %add3A_684 = vector.broadcast %add3A_683 : f32 to vector<256x1xf32>
    %add3A_685 = arith.addf %sqrt3A_682, %add3A_684 : vector<256x1xf32>
    %div3A_686 = arith.divf %sub3A_670, %add3A_685 : vector<256x1xf32>
    %div3A_687 = arith.divf %sub3A_673, %add3A_685 : vector<256x1xf32>
    %div3A_688 = arith.divf %sub3A_676, %add3A_685 : vector<256x1xf32>
    %slice3A_689 = vector.extract_strided_slice %get3A_667 {offsets = [0, 23], sizes = [256, 20], strides = [1, 1]} : vector<256x256xf32> to vector<256x20xf32>
    %slice3A_690 = vector.extract_strided_slice %get3A_667 {offsets = [0, 43], sizes = [256, 20], strides = [1, 1]} : vector<256x256xf32> to vector<256x20xf32>
    %slice3A_691 = vector.extract_strided_slice %get3A_667 {offsets = [0, 63], sizes = [256, 20], strides = [1, 1]} : vector<256x256xf32> to vector<256x20xf32>
    %mul3A_692 = arith.mulf %slice3A_689, %slice3A_689 : vector<256x20xf32>
    %mul3A_693 = arith.mulf %slice3A_690, %slice3A_690 : vector<256x20xf32>
    %add3A_694 = arith.addf %mul3A_692, %mul3A_693 : vector<256x20xf32>
    %mul3A_695 = arith.mulf %slice3A_691, %slice3A_691 : vector<256x20xf32>
    %add3A_696 = arith.addf %add3A_694, %mul3A_695 : vector<256x20xf32>
    %sqrt3A_697 = math.sqrt %add3A_696 : vector<256x20xf32>
    %add3A_698 = arith.constant 9.99999993E-9 : f32
    %add3A_699 = vector.broadcast %add3A_698 : f32 to vector<256x20xf32>
    %add3A_700 = arith.addf %sqrt3A_697, %add3A_699 : vector<256x20xf32>
    %div3A_701 = arith.divf %slice3A_689, %add3A_700 : vector<256x20xf32>
    %mul3A_702 = vector.broadcast %div3A_686 : vector<256x1xf32> to vector<256x20xf32>
    %mul3A_703 = arith.mulf %div3A_701, %mul3A_702 : vector<256x20xf32>
    %div3A_704 = arith.divf %slice3A_690, %add3A_700 : vector<256x20xf32>
    %mul3A_705 = vector.broadcast %div3A_687 : vector<256x1xf32> to vector<256x20xf32>
    %mul3A_706 = arith.mulf %div3A_704, %mul3A_705 : vector<256x20xf32>
    %add3A_707 = arith.addf %mul3A_703, %mul3A_706 : vector<256x20xf32>
    %div3A_708 = arith.divf %slice3A_691, %add3A_700 : vector<256x20xf32>
    %mul3A_709 = vector.broadcast %div3A_688 : vector<256x1xf32> to vector<256x20xf32>
    %mul3A_710 = arith.mulf %div3A_708, %mul3A_709 : vector<256x20xf32>
    %add3A_711 = arith.addf %add3A_707, %mul3A_710 : vector<256x20xf32>
    %abs3A_712 = math.absf %add3A_711 : vector<256x20xf32>
    %gt3A_713 = arith.constant 5.000000e-01 : f32
    %gt3A_714 = vector.broadcast %gt3A_713 : f32 to vector<256x20xf32>
    %gt3A_715 = arith.cmpf ogt, %abs3A_712, %gt3A_714 : vector<256x20xf32>
    %slice3A_716 = vector.extract_strided_slice %get3A_667 {offsets = [0, 3], sizes = [256, 20], strides = [1, 1]} : vector<256x256xf32> to vector<256x20xf32>
    %jit3A_717 = arith.constant 0.000000e+00 : f32
    %broadcast_in_dim3A_718 = vector.broadcast %jit3A_717 : f32 to vector<256x20xf32>
    %select_n3A_719 = arith.select %gt3A_715, %slice3A_716, %broadcast_in_dim3A_718 : vector<256x20xi1>, vector<256x20xf32>
    %slice3A_720 = vector.extract_strided_slice %select_n3A_719 {offsets = [0, 0], sizes = [256, 1], strides = [1, 1]} : vector<256x20xf32> to vector<256x1xf32>
    %slice3A_721 = vector.extract_strided_slice %select_n3A_719 {offsets = [0, 1], sizes = [256, 1], strides = [1, 1]} : vector<256x20xf32> to vector<256x1xf32>
    %add3A_722 = arith.addf %slice3A_720, %slice3A_721 : vector<256x1xf32>
    %slice3A_723 = vector.extract_strided_slice %select_n3A_719 {offsets = [0, 2], sizes = [256, 1], strides = [1, 1]} : vector<256x20xf32> to vector<256x1xf32>
    %add3A_724 = arith.addf %add3A_722, %slice3A_723 : vector<256x1xf32>
    %slice3A_725 = vector.extract_strided_slice %select_n3A_719 {offsets = [0, 3], sizes = [256, 1], strides = [1, 1]} : vector<256x20xf32> to vector<256x1xf32>
    %add3A_726 = arith.addf %add3A_724, %slice3A_725 : vector<256x1xf32>
    %slice3A_727 = vector.extract_strided_slice %select_n3A_719 {offsets = [0, 4], sizes = [256, 1], strides = [1, 1]} : vector<256x20xf32> to vector<256x1xf32>
    %add3A_728 = arith.addf %add3A_726, %slice3A_727 : vector<256x1xf32>
    %slice3A_729 = vector.extract_strided_slice %select_n3A_719 {offsets = [0, 5], sizes = [256, 1], strides = [1, 1]} : vector<256x20xf32> to vector<256x1xf32>
    %add3A_730 = arith.addf %add3A_728, %slice3A_729 : vector<256x1xf32>
    %slice3A_731 = vector.extract_strided_slice %select_n3A_719 {offsets = [0, 6], sizes = [256, 1], strides = [1, 1]} : vector<256x20xf32> to vector<256x1xf32>
    %add3A_732 = arith.addf %add3A_730, %slice3A_731 : vector<256x1xf32>
    %slice3A_733 = vector.extract_strided_slice %select_n3A_719 {offsets = [0, 7], sizes = [256, 1], strides = [1, 1]} : vector<256x20xf32> to vector<256x1xf32>
    %add3A_734 = arith.addf %add3A_732, %slice3A_733 : vector<256x1xf32>
    %slice3A_735 = vector.extract_strided_slice %select_n3A_719 {offsets = [0, 8], sizes = [256, 1], strides = [1, 1]} : vector<256x20xf32> to vector<256x1xf32>
    %add3A_736 = arith.addf %add3A_734, %slice3A_735 : vector<256x1xf32>
    %slice3A_737 = vector.extract_strided_slice %select_n3A_719 {offsets = [0, 9], sizes = [256, 1], strides = [1, 1]} : vector<256x20xf32> to vector<256x1xf32>
    %add3A_738 = arith.addf %add3A_736, %slice3A_737 : vector<256x1xf32>
    %slice3A_739 = vector.extract_strided_slice %select_n3A_719 {offsets = [0, 10], sizes = [256, 1], strides = [1, 1]} : vector<256x20xf32> to vector<256x1xf32>
    %add3A_740 = arith.addf %add3A_738, %slice3A_739 : vector<256x1xf32>
    %slice3A_741 = vector.extract_strided_slice %select_n3A_719 {offsets = [0, 11], sizes = [256, 1], strides = [1, 1]} : vector<256x20xf32> to vector<256x1xf32>
    %add3A_742 = arith.addf %add3A_740, %slice3A_741 : vector<256x1xf32>
    %slice3A_743 = vector.extract_strided_slice %select_n3A_719 {offsets = [0, 12], sizes = [256, 1], strides = [1, 1]} : vector<256x20xf32> to vector<256x1xf32>
    %add3A_744 = arith.addf %add3A_742, %slice3A_743 : vector<256x1xf32>
    %slice3A_745 = vector.extract_strided_slice %select_n3A_719 {offsets = [0, 13], sizes = [256, 1], strides = [1, 1]} : vector<256x20xf32> to vector<256x1xf32>
    %add3A_746 = arith.addf %add3A_744, %slice3A_745 : vector<256x1xf32>
    %slice3A_747 = vector.extract_strided_slice %select_n3A_719 {offsets = [0, 14], sizes = [256, 1], strides = [1, 1]} : vector<256x20xf32> to vector<256x1xf32>
    %add3A_748 = arith.addf %add3A_746, %slice3A_747 : vector<256x1xf32>
    %slice3A_749 = vector.extract_strided_slice %select_n3A_719 {offsets = [0, 15], sizes = [256, 1], strides = [1, 1]} : vector<256x20xf32> to vector<256x1xf32>
    %add3A_750 = arith.addf %add3A_748, %slice3A_749 : vector<256x1xf32>
    %slice3A_751 = vector.extract_strided_slice %select_n3A_719 {offsets = [0, 16], sizes = [256, 1], strides = [1, 1]} : vector<256x20xf32> to vector<256x1xf32>
    %add3A_752 = arith.addf %add3A_750, %slice3A_751 : vector<256x1xf32>
    %slice3A_753 = vector.extract_strided_slice %select_n3A_719 {offsets = [0, 17], sizes = [256, 1], strides = [1, 1]} : vector<256x20xf32> to vector<256x1xf32>
    %add3A_754 = arith.addf %add3A_752, %slice3A_753 : vector<256x1xf32>
    %slice3A_755 = vector.extract_strided_slice %select_n3A_719 {offsets = [0, 18], sizes = [256, 1], strides = [1, 1]} : vector<256x20xf32> to vector<256x1xf32>
    %add3A_756 = arith.addf %add3A_754, %slice3A_755 : vector<256x1xf32>
    %slice3A_757 = vector.extract_strided_slice %select_n3A_719 {offsets = [0, 19], sizes = [256, 1], strides = [1, 1]} : vector<256x20xf32> to vector<256x1xf32>
    %add3A_758 = arith.addf %add3A_756, %slice3A_757 : vector<256x1xf32>
    %add3A_759 = arith.addf %add3A_86, %add3A_470 : vector<256x1xf32>
    %add3A_760 = arith.addf %add3A_182, %add3A_566 : vector<256x1xf32>
    %add3A_761 = arith.addf %add3A_278, %add3A_662 : vector<256x1xf32>
    %add3A_762 = arith.addf %add3A_374, %add3A_758 : vector<256x1xf32>
    %add3A_763 = arith.addf %add3A_759, %add3A_761 : vector<256x1xf32>
    %add3A_764 = arith.addf %add3A_760, %add3A_762 : vector<256x1xf32>
    %add3A_765 = arith.addf %add3A_763, %add3A_764 : vector<256x1xf32>
    %add3A_766 = arith.constant 9.99999993E-9 : f32
    %add3A_767 = vector.broadcast %add3A_766 : f32 to vector<256x1xf32>
    %add3A_768 = arith.addf %add3A_765, %add3A_767 : vector<256x1xf32>
    %div3A_769 = arith.divf %add3A_86, %add3A_768 : vector<256x1xf32>
    %add3A_770 = arith.constant 9.99999997E-7 : f32
    %add3A_771 = vector.broadcast %add3A_770 : f32 to vector<256x1xf32>
    %add3A_772 = arith.addf %div3A_769, %add3A_771 : vector<256x1xf32>
    %add3A_773 = arith.constant 1.000000e-10 : f32
    %add3A_774 = vector.broadcast %add3A_773 : f32 to vector<256x1xf32>
    %add3A_775 = arith.addf %add3A_772, %add3A_774 : vector<256x1xf32>
    %div3A_776 = arith.divf %add3A_182, %add3A_768 : vector<256x1xf32>
    %add3A_777 = arith.constant 9.99999997E-7 : f32
    %add3A_778 = vector.broadcast %add3A_777 : f32 to vector<256x1xf32>
    %add3A_779 = arith.addf %div3A_776, %add3A_778 : vector<256x1xf32>
    %add3A_780 = arith.constant 1.000000e-10 : f32
    %add3A_781 = vector.broadcast %add3A_780 : f32 to vector<256x1xf32>
    %add3A_782 = arith.addf %add3A_779, %add3A_781 : vector<256x1xf32>
    %div3A_783 = arith.divf %add3A_278, %add3A_768 : vector<256x1xf32>
    %add3A_784 = arith.constant 9.99999997E-7 : f32
    %add3A_785 = vector.broadcast %add3A_784 : f32 to vector<256x1xf32>
    %add3A_786 = arith.addf %div3A_783, %add3A_785 : vector<256x1xf32>
    %add3A_787 = arith.constant 1.000000e-10 : f32
    %add3A_788 = vector.broadcast %add3A_787 : f32 to vector<256x1xf32>
    %add3A_789 = arith.addf %add3A_786, %add3A_788 : vector<256x1xf32>
    %div3A_790 = arith.divf %add3A_374, %add3A_768 : vector<256x1xf32>
    %add3A_791 = arith.constant 9.99999997E-7 : f32
    %add3A_792 = vector.broadcast %add3A_791 : f32 to vector<256x1xf32>
    %add3A_793 = arith.addf %div3A_790, %add3A_792 : vector<256x1xf32>
    %add3A_794 = arith.constant 1.000000e-10 : f32
    %add3A_795 = vector.broadcast %add3A_794 : f32 to vector<256x1xf32>
    %add3A_796 = arith.addf %add3A_793, %add3A_795 : vector<256x1xf32>
    %div3A_797 = arith.divf %add3A_470, %add3A_768 : vector<256x1xf32>
    %add3A_798 = arith.constant 9.99999997E-7 : f32
    %add3A_799 = vector.broadcast %add3A_798 : f32 to vector<256x1xf32>
    %add3A_800 = arith.addf %div3A_797, %add3A_799 : vector<256x1xf32>
    %add3A_801 = arith.constant 1.000000e-10 : f32
    %add3A_802 = vector.broadcast %add3A_801 : f32 to vector<256x1xf32>
    %add3A_803 = arith.addf %add3A_800, %add3A_802 : vector<256x1xf32>
    %div3A_804 = arith.divf %add3A_566, %add3A_768 : vector<256x1xf32>
    %add3A_805 = arith.constant 9.99999997E-7 : f32
    %add3A_806 = vector.broadcast %add3A_805 : f32 to vector<256x1xf32>
    %add3A_807 = arith.addf %div3A_804, %add3A_806 : vector<256x1xf32>
    %add3A_808 = arith.constant 1.000000e-10 : f32
    %add3A_809 = vector.broadcast %add3A_808 : f32 to vector<256x1xf32>
    %add3A_810 = arith.addf %add3A_807, %add3A_809 : vector<256x1xf32>
    %div3A_811 = arith.divf %add3A_662, %add3A_768 : vector<256x1xf32>
    %add3A_812 = arith.constant 9.99999997E-7 : f32
    %add3A_813 = vector.broadcast %add3A_812 : f32 to vector<256x1xf32>
    %add3A_814 = arith.addf %div3A_811, %add3A_813 : vector<256x1xf32>
    %add3A_815 = arith.constant 1.000000e-10 : f32
    %add3A_816 = vector.broadcast %add3A_815 : f32 to vector<256x1xf32>
    %add3A_817 = arith.addf %add3A_814, %add3A_816 : vector<256x1xf32>
    %div3A_818 = arith.divf %add3A_758, %add3A_768 : vector<256x1xf32>
    %add3A_819 = arith.constant 9.99999997E-7 : f32
    %add3A_820 = vector.broadcast %add3A_819 : f32 to vector<256x1xf32>
    %add3A_821 = arith.addf %div3A_818, %add3A_820 : vector<256x1xf32>
    %add3A_822 = arith.constant 1.000000e-10 : f32
    %add3A_823 = vector.broadcast %add3A_822 : f32 to vector<256x1xf32>
    %add3A_824 = arith.addf %add3A_821, %add3A_823 : vector<256x1xf32>
    %add3A_825 = arith.addf %add3A_775, %add3A_803 : vector<256x1xf32>
    %add3A_826 = arith.addf %add3A_782, %add3A_810 : vector<256x1xf32>
    %add3A_827 = arith.addf %add3A_789, %add3A_817 : vector<256x1xf32>
    %add3A_828 = arith.addf %add3A_796, %add3A_824 : vector<256x1xf32>
    %add3A_829 = arith.addf %add3A_825, %add3A_827 : vector<256x1xf32>
    %add3A_830 = arith.addf %add3A_826, %add3A_828 : vector<256x1xf32>
    %add3A_831 = arith.addf %add3A_829, %add3A_830 : vector<256x1xf32>
    %add3A_832 = arith.constant 9.99999993E-9 : f32
    %add3A_833 = vector.broadcast %add3A_832 : f32 to vector<256x1xf32>
    %add3A_834 = arith.addf %add3A_831, %add3A_833 : vector<256x1xf32>
    %broadcast_in_dim3A_835 = arith.constant 0.000000e+00 : f32
    %broadcast_in_dim3A_836 = vector.broadcast %broadcast_in_dim3A_835 : f32 to vector<256x64xf32>
    %get3A_837 = arith.constant 0 : index
    %get3A_838 = arith.constant 0 : index
    %get3A_839 = arith.constant 0 : index
    %get3A_840 = vector.load %arg1[%get3A_837, %get3A_838, %get3A_839] : memref<8x256x256xf32, #tpu.memory_space<vmem>>, vector<1x256x256xf32>
    %get3A_841 = vector.shape_cast %get3A_840 : vector<1x256x256xf32> to vector<256x256xf32>
    %slice3A_842 = vector.extract_strided_slice %get3A_841 {offsets = [0, 83], sizes = [256, 64], strides = [1, 1]} : vector<256x256xf32> to vector<256x64xf32>
    %div3A_843 = arith.divf %add3A_775, %add3A_834 : vector<256x1xf32>
    %mul3A_844 = vector.broadcast %div3A_843 : vector<256x1xf32> to vector<256x64xf32>
    %mul3A_845 = arith.mulf %slice3A_842, %mul3A_844 : vector<256x64xf32>
    %add3A_846 = arith.addf %broadcast_in_dim3A_836, %mul3A_845 : vector<256x64xf32>
    %get3A_847 = arith.constant 1 : index
    %get3A_848 = arith.constant 0 : index
    %get3A_849 = arith.constant 0 : index
    %get3A_850 = vector.load %arg1[%get3A_847, %get3A_848, %get3A_849] : memref<8x256x256xf32, #tpu.memory_space<vmem>>, vector<1x256x256xf32>
    %get3A_851 = vector.shape_cast %get3A_850 : vector<1x256x256xf32> to vector<256x256xf32>
    %slice3A_852 = vector.extract_strided_slice %get3A_851 {offsets = [0, 83], sizes = [256, 64], strides = [1, 1]} : vector<256x256xf32> to vector<256x64xf32>
    %div3A_853 = arith.divf %add3A_782, %add3A_834 : vector<256x1xf32>
    %mul3A_854 = vector.broadcast %div3A_853 : vector<256x1xf32> to vector<256x64xf32>
    %mul3A_855 = arith.mulf %slice3A_852, %mul3A_854 : vector<256x64xf32>
    %add3A_856 = arith.addf %add3A_846, %mul3A_855 : vector<256x64xf32>
    %get3A_857 = arith.constant 2 : index
    %get3A_858 = arith.constant 0 : index
    %get3A_859 = arith.constant 0 : index
    %get3A_860 = vector.load %arg1[%get3A_857, %get3A_858, %get3A_859] : memref<8x256x256xf32, #tpu.memory_space<vmem>>, vector<1x256x256xf32>
    %get3A_861 = vector.shape_cast %get3A_860 : vector<1x256x256xf32> to vector<256x256xf32>
    %slice3A_862 = vector.extract_strided_slice %get3A_861 {offsets = [0, 83], sizes = [256, 64], strides = [1, 1]} : vector<256x256xf32> to vector<256x64xf32>
    %div3A_863 = arith.divf %add3A_789, %add3A_834 : vector<256x1xf32>
    %mul3A_864 = vector.broadcast %div3A_863 : vector<256x1xf32> to vector<256x64xf32>
    %mul3A_865 = arith.mulf %slice3A_862, %mul3A_864 : vector<256x64xf32>
    %add3A_866 = arith.addf %add3A_856, %mul3A_865 : vector<256x64xf32>
    %get3A_867 = arith.constant 3 : index
    %get3A_868 = arith.constant 0 : index
    %get3A_869 = arith.constant 0 : index
    %get3A_870 = vector.load %arg1[%get3A_867, %get3A_868, %get3A_869] : memref<8x256x256xf32, #tpu.memory_space<vmem>>, vector<1x256x256xf32>
    %get3A_871 = vector.shape_cast %get3A_870 : vector<1x256x256xf32> to vector<256x256xf32>
    %slice3A_872 = vector.extract_strided_slice %get3A_871 {offsets = [0, 83], sizes = [256, 64], strides = [1, 1]} : vector<256x256xf32> to vector<256x64xf32>
    %div3A_873 = arith.divf %add3A_796, %add3A_834 : vector<256x1xf32>
    %mul3A_874 = vector.broadcast %div3A_873 : vector<256x1xf32> to vector<256x64xf32>
    %mul3A_875 = arith.mulf %slice3A_872, %mul3A_874 : vector<256x64xf32>
    %add3A_876 = arith.addf %add3A_866, %mul3A_875 : vector<256x64xf32>
    %get3A_877 = arith.constant 4 : index
    %get3A_878 = arith.constant 0 : index
    %get3A_879 = arith.constant 0 : index
    %get3A_880 = vector.load %arg1[%get3A_877, %get3A_878, %get3A_879] : memref<8x256x256xf32, #tpu.memory_space<vmem>>, vector<1x256x256xf32>
    %get3A_881 = vector.shape_cast %get3A_880 : vector<1x256x256xf32> to vector<256x256xf32>
    %slice3A_882 = vector.extract_strided_slice %get3A_881 {offsets = [0, 83], sizes = [256, 64], strides = [1, 1]} : vector<256x256xf32> to vector<256x64xf32>
    %div3A_883 = arith.divf %add3A_803, %add3A_834 : vector<256x1xf32>
    %mul3A_884 = vector.broadcast %div3A_883 : vector<256x1xf32> to vector<256x64xf32>
    %mul3A_885 = arith.mulf %slice3A_882, %mul3A_884 : vector<256x64xf32>
    %add3A_886 = arith.addf %add3A_876, %mul3A_885 : vector<256x64xf32>
    %get3A_887 = arith.constant 5 : index
    %get3A_888 = arith.constant 0 : index
    %get3A_889 = arith.constant 0 : index
    %get3A_890 = vector.load %arg1[%get3A_887, %get3A_888, %get3A_889] : memref<8x256x256xf32, #tpu.memory_space<vmem>>, vector<1x256x256xf32>
    %get3A_891 = vector.shape_cast %get3A_890 : vector<1x256x256xf32> to vector<256x256xf32>
    %slice3A_892 = vector.extract_strided_slice %get3A_891 {offsets = [0, 83], sizes = [256, 64], strides = [1, 1]} : vector<256x256xf32> to vector<256x64xf32>
    %div3A_893 = arith.divf %add3A_810, %add3A_834 : vector<256x1xf32>
    %mul3A_894 = vector.broadcast %div3A_893 : vector<256x1xf32> to vector<256x64xf32>
    %mul3A_895 = arith.mulf %slice3A_892, %mul3A_894 : vector<256x64xf32>
    %add3A_896 = arith.addf %add3A_886, %mul3A_895 : vector<256x64xf32>
    %get3A_897 = arith.constant 6 : index
    %get3A_898 = arith.constant 0 : index
    %get3A_899 = arith.constant 0 : index
    %get3A_900 = vector.load %arg1[%get3A_897, %get3A_898, %get3A_899] : memref<8x256x256xf32, #tpu.memory_space<vmem>>, vector<1x256x256xf32>
    %get3A_901 = vector.shape_cast %get3A_900 : vector<1x256x256xf32> to vector<256x256xf32>
    %slice3A_902 = vector.extract_strided_slice %get3A_901 {offsets = [0, 83], sizes = [256, 64], strides = [1, 1]} : vector<256x256xf32> to vector<256x64xf32>
    %div3A_903 = arith.divf %add3A_817, %add3A_834 : vector<256x1xf32>
    %mul3A_904 = vector.broadcast %div3A_903 : vector<256x1xf32> to vector<256x64xf32>
    %mul3A_905 = arith.mulf %slice3A_902, %mul3A_904 : vector<256x64xf32>
    %add3A_906 = arith.addf %add3A_896, %mul3A_905 : vector<256x64xf32>
    %get3A_907 = arith.constant 7 : index
    %get3A_908 = arith.constant 0 : index
    %get3A_909 = arith.constant 0 : index
    %get3A_910 = vector.load %arg1[%get3A_907, %get3A_908, %get3A_909] : memref<8x256x256xf32, #tpu.memory_space<vmem>>, vector<1x256x256xf32>
    %get3A_911 = vector.shape_cast %get3A_910 : vector<1x256x256xf32> to vector<256x256xf32>
    %slice3A_912 = vector.extract_strided_slice %get3A_911 {offsets = [0, 83], sizes = [256, 64], strides = [1, 1]} : vector<256x256xf32> to vector<256x64xf32>
    %div3A_913 = arith.divf %add3A_824, %add3A_834 : vector<256x1xf32>
    %mul3A_914 = vector.broadcast %div3A_913 : vector<256x1xf32> to vector<256x64xf32>
    %mul3A_915 = arith.mulf %slice3A_912, %mul3A_914 : vector<256x64xf32>
    %add3A_916 = arith.addf %add3A_906, %mul3A_915 : vector<256x64xf32>
    %swap3A = arith.constant 0 : index
    %swap3A_917 = arith.constant 0 : index
    %swap3A_918 = vector.load %arg3[%swap3A, %swap3A_917] : memref<256x64xf32, #tpu.memory_space<vmem>>, vector<256x64xf32>
    tpu.vector_store %arg3[%swap3A, %swap3A_917], %add3A_916 {strides = array<i32>} : memref<256x64xf32, #tpu.memory_space<vmem>>, vector<256x64xf32>,
    %swap3A_919 = arith.constant 0 : index
    %swap3A_920 = arith.constant 0 : index
    %swap3A_921 = vector.load %arg4[%swap3A_919, %swap3A_920] : memref<256x1xf32, #tpu.memory_space<vmem>>, vector<256x1xf32>
    tpu.vector_store %arg4[%swap3A_919, %swap3A_920], %add3A_768 {strides = array<i32>} : memref<256x1xf32, #tpu.memory_space<vmem>>, vector<256x1xf32>,
    return
  }
  func.func @transform_0(%arg0: i32) -> (i32, i32, i32) {
    %c0_i32 = arith.constant 0 : i32
    %c0_i32_0 = arith.constant 0 : i32
    %c0_i32_1 = arith.constant 0 : i32
    return %c0_i32, %arg0, %c0_i32_0 : i32, i32, i32
  }
  func.func @transform_1(%arg0: i32) -> (i32, i32) {
    %add3A = arith.constant 0 : i32
    %add3A_0 = arith.addi %arg0, %add3A : i32
    %c0_i32 = arith.constant 0 : i32
    %c0_i32_1 = arith.constant 0 : i32
    return %add3A_0, %c0_i32 : i32, i32
  }
  func.func @transform_2(%arg0: i32) -> (i32, i32) {
    %c0_i32 = arith.constant 0 : i32
    %c0_i32_0 = arith.constant 0 : i32
    return %arg0, %c0_i32 : i32, i32
  }
  func.func @transform_3(%arg0: i32) -> (i32, i32) {
    %c0_i32 = arith.constant 0 : i32
    %c0_i32_0 = arith.constant 0 : i32
    return %arg0, %c0_i32 : i32, i32
  }
}

module attributes {stable_mosaic.version = 14 : i64} {
  func.func @_interp_body(%arg0: i32, %arg1: memref<8x256x256xf32, #tpu.memory_space<vmem>>, %arg2: memref<256x3xf32, #tpu.memory_space<vmem>>, %arg3: memref<256x64xf32, #tpu.memory_space<vmem>>, %arg4: memref<256x1xf32, #tpu.memory_space<vmem>>) attributes {dimension_semantics = [#tpu.dimension_semantics<arbitrary>], iteration_bounds = array<i64: 32>, scalar_prefetch = 0 : i64, scratch_operands = 0 : i64, tpu.core_type = #tpu.core_type<tc>, window_params = [{transform_indices = @transform_0, window_bounds = array<i64: 8, 256, 256>}, {transform_indices = @transform_1, window_bounds = array<i64: 256, 3>}, {transform_indices = @transform_2, window_bounds = array<i64: 256, 64>}, {transform_indices = @transform_3, window_bounds = array<i64: 256, 1>}]} {
    %get3A = arith.constant 0 : index
    %get3A_0 = arith.constant 0 : index
    %get3A_1 = vector.load %arg2[%get3A, %get3A_0] : memref<256x3xf32, #tpu.memory_space<vmem>>, vector<256x3xf32>
    %get3A_2 = arith.constant 0 : index
    %get3A_3 = arith.constant 0 : index
    %get3A_4 = arith.constant 0 : index
    %get3A_5 = vector.load %arg1[%get3A_2, %get3A_3, %get3A_4] : memref<8x256x256xf32, #tpu.memory_space<vmem>>, vector<1x256x256xf32>
    %get3A_6 = vector.shape_cast %get3A_5 : vector<1x256x256xf32> to vector<256x256xf32>
    %slice3A = vector.extract_strided_slice %get3A_6 {offsets = [0, 0], sizes = [256, 1], strides = [1, 1]} : vector<256x256xf32> to vector<256x1xf32>
    %slice3A_7 = vector.extract_strided_slice %get3A_1 {offsets = [0, 0], sizes = [256, 1], strides = [1, 1]} : vector<256x3xf32> to vector<256x1xf32>
    %sub3A = arith.subf %slice3A, %slice3A_7 : vector<256x1xf32>
    %slice3A_8 = vector.extract_strided_slice %get3A_6 {offsets = [0, 1], sizes = [256, 1], strides = [1, 1]} : vector<256x256xf32> to vector<256x1xf32>
    %slice3A_9 = vector.extract_strided_slice %get3A_1 {offsets = [0, 1], sizes = [256, 1], strides = [1, 1]} : vector<256x3xf32> to vector<256x1xf32>
    %sub3A_10 = arith.subf %slice3A_8, %slice3A_9 : vector<256x1xf32>
    %slice3A_11 = vector.extract_strided_slice %get3A_6 {offsets = [0, 2], sizes = [256, 1], strides = [1, 1]} : vector<256x256xf32> to vector<256x1xf32>
    %slice3A_12 = vector.extract_strided_slice %get3A_1 {offsets = [0, 2], sizes = [256, 1], strides = [1, 1]} : vector<256x3xf32> to vector<256x1xf32>
    %sub3A_13 = arith.subf %slice3A_11, %slice3A_12 : vector<256x1xf32>
    %mul3A = arith.mulf %sub3A, %sub3A : vector<256x1xf32>
    %mul3A_14 = arith.mulf %sub3A_10, %sub3A_10 : vector<256x1xf32>
    %add3A = arith.addf %mul3A, %mul3A_14 : vector<256x1xf32>
    %mul3A_15 = arith.mulf %sub3A_13, %sub3A_13 : vector<256x1xf32>
    %add3A_16 = arith.addf %add3A, %mul3A_15 : vector<256x1xf32>
    %sqrt3A = math.sqrt %add3A_16 : vector<256x1xf32>
    %add3A_17 = arith.constant 9.99999993E-9 : f32
    %add3A_18 = vector.broadcast %add3A_17 : f32 to vector<256x1xf32>
    %add3A_19 = arith.addf %sqrt3A, %add3A_18 : vector<256x1xf32>
    %div3A = arith.divf %sub3A, %add3A_19 : vector<256x1xf32>
    %div3A_20 = arith.divf %sub3A_10, %add3A_19 : vector<256x1xf32>
    %div3A_21 = arith.divf %sub3A_13, %add3A_19 : vector<256x1xf32>
    %slice3A_22 = vector.extract_strided_slice %get3A_6 {offsets = [0, 23], sizes = [256, 20], strides = [1, 1]} : vector<256x256xf32> to vector<256x20xf32>
    %slice3A_23 = vector.extract_strided_slice %get3A_6 {offsets = [0, 43], sizes = [256, 20], strides = [1, 1]} : vector<256x256xf32> to vector<256x20xf32>
    %slice3A_24 = vector.extract_strided_slice %get3A_6 {offsets = [0, 63], sizes = [256, 20], strides = [1, 1]} : vector<256x256xf32> to vector<256x20xf32>
    %mul3A_25 = arith.mulf %slice3A_22, %slice3A_22 : vector<256x20xf32>
    %mul3A_26 = arith.mulf %slice3A_23, %slice3A_23 : vector<256x20xf32>
    %add3A_27 = arith.addf %mul3A_25, %mul3A_26 : vector<256x20xf32>
    %mul3A_28 = arith.mulf %slice3A_24, %slice3A_24 : vector<256x20xf32>
    %add3A_29 = arith.addf %add3A_27, %mul3A_28 : vector<256x20xf32>
    %sqrt3A_30 = math.sqrt %add3A_29 : vector<256x20xf32>
    %add3A_31 = arith.constant 9.99999993E-9 : f32
    %add3A_32 = vector.broadcast %add3A_31 : f32 to vector<256x20xf32>
    %add3A_33 = arith.addf %sqrt3A_30, %add3A_32 : vector<256x20xf32>
    %div3A_34 = arith.divf %slice3A_22, %add3A_33 : vector<256x20xf32>
    %mul3A_35 = vector.broadcast %div3A : vector<256x1xf32> to vector<256x20xf32>
    %mul3A_36 = arith.mulf %div3A_34, %mul3A_35 : vector<256x20xf32>
    %div3A_37 = arith.divf %slice3A_23, %add3A_33 : vector<256x20xf32>
    %mul3A_38 = vector.broadcast %div3A_20 : vector<256x1xf32> to vector<256x20xf32>
    %mul3A_39 = arith.mulf %div3A_37, %mul3A_38 : vector<256x20xf32>
    %add3A_40 = arith.addf %mul3A_36, %mul3A_39 : vector<256x20xf32>
    %div3A_41 = arith.divf %slice3A_24, %add3A_33 : vector<256x20xf32>
    %mul3A_42 = vector.broadcast %div3A_21 : vector<256x1xf32> to vector<256x20xf32>
    %mul3A_43 = arith.mulf %div3A_41, %mul3A_42 : vector<256x20xf32>
    %add3A_44 = arith.addf %add3A_40, %mul3A_43 : vector<256x20xf32>
    %abs3A = math.absf %add3A_44 : vector<256x20xf32>
    %gt3A = arith.constant 5.000000e-01 : f32
    %gt3A_45 = vector.broadcast %gt3A : f32 to vector<256x20xf32>
    %gt3A_46 = arith.cmpf ogt, %abs3A, %gt3A_45 : vector<256x20xf32>
    %slice3A_47 = vector.extract_strided_slice %get3A_6 {offsets = [0, 3], sizes = [256, 20], strides = [1, 1]} : vector<256x256xf32> to vector<256x20xf32>
    %jit3A = arith.constant 0.000000e+00 : f32
    %broadcast_in_dim3A = vector.broadcast %jit3A : f32 to vector<256x20xf32>
    %select_n3A = arith.select %gt3A_46, %slice3A_47, %broadcast_in_dim3A : vector<256x20xi1>, vector<256x20xf32>
    %slice3A_48 = vector.extract_strided_slice %select_n3A {offsets = [0, 0], sizes = [256, 1], strides = [1, 1]} : vector<256x20xf32> to vector<256x1xf32>
    %slice3A_49 = vector.extract_strided_slice %select_n3A {offsets = [0, 1], sizes = [256, 1], strides = [1, 1]} : vector<256x20xf32> to vector<256x1xf32>
    %add3A_50 = arith.addf %slice3A_48, %slice3A_49 : vector<256x1xf32>
    %slice3A_51 = vector.extract_strided_slice %select_n3A {offsets = [0, 2], sizes = [256, 1], strides = [1, 1]} : vector<256x20xf32> to vector<256x1xf32>
    %add3A_52 = arith.addf %add3A_50, %slice3A_51 : vector<256x1xf32>
    %slice3A_53 = vector.extract_strided_slice %select_n3A {offsets = [0, 3], sizes = [256, 1], strides = [1, 1]} : vector<256x20xf32> to vector<256x1xf32>
    %add3A_54 = arith.addf %add3A_52, %slice3A_53 : vector<256x1xf32>
    %slice3A_55 = vector.extract_strided_slice %select_n3A {offsets = [0, 4], sizes = [256, 1], strides = [1, 1]} : vector<256x20xf32> to vector<256x1xf32>
    %add3A_56 = arith.addf %add3A_54, %slice3A_55 : vector<256x1xf32>
    %slice3A_57 = vector.extract_strided_slice %select_n3A {offsets = [0, 5], sizes = [256, 1], strides = [1, 1]} : vector<256x20xf32> to vector<256x1xf32>
    %add3A_58 = arith.addf %add3A_56, %slice3A_57 : vector<256x1xf32>
    %slice3A_59 = vector.extract_strided_slice %select_n3A {offsets = [0, 6], sizes = [256, 1], strides = [1, 1]} : vector<256x20xf32> to vector<256x1xf32>
    %add3A_60 = arith.addf %add3A_58, %slice3A_59 : vector<256x1xf32>
    %slice3A_61 = vector.extract_strided_slice %select_n3A {offsets = [0, 7], sizes = [256, 1], strides = [1, 1]} : vector<256x20xf32> to vector<256x1xf32>
    %add3A_62 = arith.addf %add3A_60, %slice3A_61 : vector<256x1xf32>
    %slice3A_63 = vector.extract_strided_slice %select_n3A {offsets = [0, 8], sizes = [256, 1], strides = [1, 1]} : vector<256x20xf32> to vector<256x1xf32>
    %add3A_64 = arith.addf %add3A_62, %slice3A_63 : vector<256x1xf32>
    %slice3A_65 = vector.extract_strided_slice %select_n3A {offsets = [0, 9], sizes = [256, 1], strides = [1, 1]} : vector<256x20xf32> to vector<256x1xf32>
    %add3A_66 = arith.addf %add3A_64, %slice3A_65 : vector<256x1xf32>
    %slice3A_67 = vector.extract_strided_slice %select_n3A {offsets = [0, 10], sizes = [256, 1], strides = [1, 1]} : vector<256x20xf32> to vector<256x1xf32>
    %add3A_68 = arith.addf %add3A_66, %slice3A_67 : vector<256x1xf32>
    %slice3A_69 = vector.extract_strided_slice %select_n3A {offsets = [0, 11], sizes = [256, 1], strides = [1, 1]} : vector<256x20xf32> to vector<256x1xf32>
    %add3A_70 = arith.addf %add3A_68, %slice3A_69 : vector<256x1xf32>
    %slice3A_71 = vector.extract_strided_slice %select_n3A {offsets = [0, 12], sizes = [256, 1], strides = [1, 1]} : vector<256x20xf32> to vector<256x1xf32>
    %add3A_72 = arith.addf %add3A_70, %slice3A_71 : vector<256x1xf32>
    %slice3A_73 = vector.extract_strided_slice %select_n3A {offsets = [0, 13], sizes = [256, 1], strides = [1, 1]} : vector<256x20xf32> to vector<256x1xf32>
    %add3A_74 = arith.addf %add3A_72, %slice3A_73 : vector<256x1xf32>
    %slice3A_75 = vector.extract_strided_slice %select_n3A {offsets = [0, 14], sizes = [256, 1], strides = [1, 1]} : vector<256x20xf32> to vector<256x1xf32>
    %add3A_76 = arith.addf %add3A_74, %slice3A_75 : vector<256x1xf32>
    %slice3A_77 = vector.extract_strided_slice %select_n3A {offsets = [0, 15], sizes = [256, 1], strides = [1, 1]} : vector<256x20xf32> to vector<256x1xf32>
    %add3A_78 = arith.addf %add3A_76, %slice3A_77 : vector<256x1xf32>
    %slice3A_79 = vector.extract_strided_slice %select_n3A {offsets = [0, 16], sizes = [256, 1], strides = [1, 1]} : vector<256x20xf32> to vector<256x1xf32>
    %add3A_80 = arith.addf %add3A_78, %slice3A_79 : vector<256x1xf32>
    %slice3A_81 = vector.extract_strided_slice %select_n3A {offsets = [0, 17], sizes = [256, 1], strides = [1, 1]} : vector<256x20xf32> to vector<256x1xf32>
    %add3A_82 = arith.addf %add3A_80, %slice3A_81 : vector<256x1xf32>
    %slice3A_83 = vector.extract_strided_slice %select_n3A {offsets = [0, 18], sizes = [256, 1], strides = [1, 1]} : vector<256x20xf32> to vector<256x1xf32>
    %add3A_84 = arith.addf %add3A_82, %slice3A_83 : vector<256x1xf32>
    %slice3A_85 = vector.extract_strided_slice %select_n3A {offsets = [0, 19], sizes = [256, 1], strides = [1, 1]} : vector<256x20xf32> to vector<256x1xf32>
    %add3A_86 = arith.addf %add3A_84, %slice3A_85 : vector<256x1xf32>
    %get3A_87 = arith.constant 1 : index
    %get3A_88 = arith.constant 0 : index
    %get3A_89 = arith.constant 0 : index
    %get3A_90 = vector.load %arg1[%get3A_87, %get3A_88, %get3A_89] : memref<8x256x256xf32, #tpu.memory_space<vmem>>, vector<1x256x256xf32>
    %get3A_91 = vector.shape_cast %get3A_90 : vector<1x256x256xf32> to vector<256x256xf32>
    %slice3A_92 = vector.extract_strided_slice %get3A_91 {offsets = [0, 0], sizes = [256, 1], strides = [1, 1]} : vector<256x256xf32> to vector<256x1xf32>
    %slice3A_93 = vector.extract_strided_slice %get3A_1 {offsets = [0, 0], sizes = [256, 1], strides = [1, 1]} : vector<256x3xf32> to vector<256x1xf32>
    %sub3A_94 = arith.subf %slice3A_92, %slice3A_93 : vector<256x1xf32>
    %slice3A_95 = vector.extract_strided_slice %get3A_91 {offsets = [0, 1], sizes = [256, 1], strides = [1, 1]} : vector<256x256xf32> to vector<256x1xf32>
    %slice3A_96 = vector.extract_strided_slice %get3A_1 {offsets = [0, 1], sizes = [256, 1], strides = [1, 1]} : vector<256x3xf32> to vector<256x1xf32>
    %sub3A_97 = arith.subf %slice3A_95, %slice3A_96 : vector<256x1xf32>
    %slice3A_98 = vector.extract_strided_slice %get3A_91 {offsets = [0, 2], sizes = [256, 1], strides = [1, 1]} : vector<256x256xf32> to vector<256x1xf32>
    %slice3A_99 = vector.extract_strided_slice %get3A_1 {offsets = [0, 2], sizes = [256, 1], strides = [1, 1]} : vector<256x3xf32> to vector<256x1xf32>
    %sub3A_100 = arith.subf %slice3A_98, %slice3A_99 : vector<256x1xf32>
    %mul3A_101 = arith.mulf %sub3A_94, %sub3A_94 : vector<256x1xf32>
    %mul3A_102 = arith.mulf %sub3A_97, %sub3A_97 : vector<256x1xf32>
    %add3A_103 = arith.addf %mul3A_101, %mul3A_102 : vector<256x1xf32>
    %mul3A_104 = arith.mulf %sub3A_100, %sub3A_100 : vector<256x1xf32>
    %add3A_105 = arith.addf %add3A_103, %mul3A_104 : vector<256x1xf32>
    %sqrt3A_106 = math.sqrt %add3A_105 : vector<256x1xf32>
    %add3A_107 = arith.constant 9.99999993E-9 : f32
    %add3A_108 = vector.broadcast %add3A_107 : f32 to vector<256x1xf32>
    %add3A_109 = arith.addf %sqrt3A_106, %add3A_108 : vector<256x1xf32>
    %div3A_110 = arith.divf %sub3A_94, %add3A_109 : vector<256x1xf32>
    %div3A_111 = arith.divf %sub3A_97, %add3A_109 : vector<256x1xf32>
    %div3A_112 = arith.divf %sub3A_100, %add3A_109 : vector<256x1xf32>
    %slice3A_113 = vector.extract_strided_slice %get3A_91 {offsets = [0, 23], sizes = [256, 20], strides = [1, 1]} : vector<256x256xf32> to vector<256x20xf32>
    %slice3A_114 = vector.extract_strided_slice %get3A_91 {offsets = [0, 43], sizes = [256, 20], strides = [1, 1]} : vector<256x256xf32> to vector<256x20xf32>
    %slice3A_115 = vector.extract_strided_slice %get3A_91 {offsets = [0, 63], sizes = [256, 20], strides = [1, 1]} : vector<256x256xf32> to vector<256x20xf32>
    %mul3A_116 = arith.mulf %slice3A_113, %slice3A_113 : vector<256x20xf32>
    %mul3A_117 = arith.mulf %slice3A_114, %slice3A_114 : vector<256x20xf32>
    %add3A_118 = arith.addf %mul3A_116, %mul3A_117 : vector<256x20xf32>
    %mul3A_119 = arith.mulf %slice3A_115, %slice3A_115 : vector<256x20xf32>
    %add3A_120 = arith.addf %add3A_118, %mul3A_119 : vector<256x20xf32>
    %sqrt3A_121 = math.sqrt %add3A_120 : vector<256x20xf32>
    %add3A_122 = arith.constant 9.99999993E-9 : f32
    %add3A_123 = vector.broadcast %add3A_122 : f32 to vector<256x20xf32>
    %add3A_124 = arith.addf %sqrt3A_121, %add3A_123 : vector<256x20xf32>
    %div3A_125 = arith.divf %slice3A_113, %add3A_124 : vector<256x20xf32>
    %mul3A_126 = vector.broadcast %div3A_110 : vector<256x1xf32> to vector<256x20xf32>
    %mul3A_127 = arith.mulf %div3A_125, %mul3A_126 : vector<256x20xf32>
    %div3A_128 = arith.divf %slice3A_114, %add3A_124 : vector<256x20xf32>
    %mul3A_129 = vector.broadcast %div3A_111 : vector<256x1xf32> to vector<256x20xf32>
    %mul3A_130 = arith.mulf %div3A_128, %mul3A_129 : vector<256x20xf32>
    %add3A_131 = arith.addf %mul3A_127, %mul3A_130 : vector<256x20xf32>
    %div3A_132 = arith.divf %slice3A_115, %add3A_124 : vector<256x20xf32>
    %mul3A_133 = vector.broadcast %div3A_112 : vector<256x1xf32> to vector<256x20xf32>
    %mul3A_134 = arith.mulf %div3A_132, %mul3A_133 : vector<256x20xf32>
    %add3A_135 = arith.addf %add3A_131, %mul3A_134 : vector<256x20xf32>
    %abs3A_136 = math.absf %add3A_135 : vector<256x20xf32>
    %gt3A_137 = arith.constant 5.000000e-01 : f32
    %gt3A_138 = vector.broadcast %gt3A_137 : f32 to vector<256x20xf32>
    %gt3A_139 = arith.cmpf ogt, %abs3A_136, %gt3A_138 : vector<256x20xf32>
    %slice3A_140 = vector.extract_strided_slice %get3A_91 {offsets = [0, 3], sizes = [256, 20], strides = [1, 1]} : vector<256x256xf32> to vector<256x20xf32>
    %jit3A_141 = arith.constant 0.000000e+00 : f32
    %broadcast_in_dim3A_142 = vector.broadcast %jit3A_141 : f32 to vector<256x20xf32>
    %select_n3A_143 = arith.select %gt3A_139, %slice3A_140, %broadcast_in_dim3A_142 : vector<256x20xi1>, vector<256x20xf32>
    %slice3A_144 = vector.extract_strided_slice %select_n3A_143 {offsets = [0, 0], sizes = [256, 1], strides = [1, 1]} : vector<256x20xf32> to vector<256x1xf32>
    %slice3A_145 = vector.extract_strided_slice %select_n3A_143 {offsets = [0, 1], sizes = [256, 1], strides = [1, 1]} : vector<256x20xf32> to vector<256x1xf32>
    %add3A_146 = arith.addf %slice3A_144, %slice3A_145 : vector<256x1xf32>
    %slice3A_147 = vector.extract_strided_slice %select_n3A_143 {offsets = [0, 2], sizes = [256, 1], strides = [1, 1]} : vector<256x20xf32> to vector<256x1xf32>
    %add3A_148 = arith.addf %add3A_146, %slice3A_147 : vector<256x1xf32>
    %slice3A_149 = vector.extract_strided_slice %select_n3A_143 {offsets = [0, 3], sizes = [256, 1], strides = [1, 1]} : vector<256x20xf32> to vector<256x1xf32>
    %add3A_150 = arith.addf %add3A_148, %slice3A_149 : vector<256x1xf32>
    %slice3A_151 = vector.extract_strided_slice %select_n3A_143 {offsets = [0, 4], sizes = [256, 1], strides = [1, 1]} : vector<256x20xf32> to vector<256x1xf32>
    %add3A_152 = arith.addf %add3A_150, %slice3A_151 : vector<256x1xf32>
    %slice3A_153 = vector.extract_strided_slice %select_n3A_143 {offsets = [0, 5], sizes = [256, 1], strides = [1, 1]} : vector<256x20xf32> to vector<256x1xf32>
    %add3A_154 = arith.addf %add3A_152, %slice3A_153 : vector<256x1xf32>
    %slice3A_155 = vector.extract_strided_slice %select_n3A_143 {offsets = [0, 6], sizes = [256, 1], strides = [1, 1]} : vector<256x20xf32> to vector<256x1xf32>
    %add3A_156 = arith.addf %add3A_154, %slice3A_155 : vector<256x1xf32>
    %slice3A_157 = vector.extract_strided_slice %select_n3A_143 {offsets = [0, 7], sizes = [256, 1], strides = [1, 1]} : vector<256x20xf32> to vector<256x1xf32>
    %add3A_158 = arith.addf %add3A_156, %slice3A_157 : vector<256x1xf32>
    %slice3A_159 = vector.extract_strided_slice %select_n3A_143 {offsets = [0, 8], sizes = [256, 1], strides = [1, 1]} : vector<256x20xf32> to vector<256x1xf32>
    %add3A_160 = arith.addf %add3A_158, %slice3A_159 : vector<256x1xf32>
    %slice3A_161 = vector.extract_strided_slice %select_n3A_143 {offsets = [0, 9], sizes = [256, 1], strides = [1, 1]} : vector<256x20xf32> to vector<256x1xf32>
    %add3A_162 = arith.addf %add3A_160, %slice3A_161 : vector<256x1xf32>
    %slice3A_163 = vector.extract_strided_slice %select_n3A_143 {offsets = [0, 10], sizes = [256, 1], strides = [1, 1]} : vector<256x20xf32> to vector<256x1xf32>
    %add3A_164 = arith.addf %add3A_162, %slice3A_163 : vector<256x1xf32>
    %slice3A_165 = vector.extract_strided_slice %select_n3A_143 {offsets = [0, 11], sizes = [256, 1], strides = [1, 1]} : vector<256x20xf32> to vector<256x1xf32>
    %add3A_166 = arith.addf %add3A_164, %slice3A_165 : vector<256x1xf32>
    %slice3A_167 = vector.extract_strided_slice %select_n3A_143 {offsets = [0, 12], sizes = [256, 1], strides = [1, 1]} : vector<256x20xf32> to vector<256x1xf32>
    %add3A_168 = arith.addf %add3A_166, %slice3A_167 : vector<256x1xf32>
    %slice3A_169 = vector.extract_strided_slice %select_n3A_143 {offsets = [0, 13], sizes = [256, 1], strides = [1, 1]} : vector<256x20xf32> to vector<256x1xf32>
    %add3A_170 = arith.addf %add3A_168, %slice3A_169 : vector<256x1xf32>
    %slice3A_171 = vector.extract_strided_slice %select_n3A_143 {offsets = [0, 14], sizes = [256, 1], strides = [1, 1]} : vector<256x20xf32> to vector<256x1xf32>
    %add3A_172 = arith.addf %add3A_170, %slice3A_171 : vector<256x1xf32>
    %slice3A_173 = vector.extract_strided_slice %select_n3A_143 {offsets = [0, 15], sizes = [256, 1], strides = [1, 1]} : vector<256x20xf32> to vector<256x1xf32>
    %add3A_174 = arith.addf %add3A_172, %slice3A_173 : vector<256x1xf32>
    %slice3A_175 = vector.extract_strided_slice %select_n3A_143 {offsets = [0, 16], sizes = [256, 1], strides = [1, 1]} : vector<256x20xf32> to vector<256x1xf32>
    %add3A_176 = arith.addf %add3A_174, %slice3A_175 : vector<256x1xf32>
    %slice3A_177 = vector.extract_strided_slice %select_n3A_143 {offsets = [0, 17], sizes = [256, 1], strides = [1, 1]} : vector<256x20xf32> to vector<256x1xf32>
    %add3A_178 = arith.addf %add3A_176, %slice3A_177 : vector<256x1xf32>
    %slice3A_179 = vector.extract_strided_slice %select_n3A_143 {offsets = [0, 18], sizes = [256, 1], strides = [1, 1]} : vector<256x20xf32> to vector<256x1xf32>
    %add3A_180 = arith.addf %add3A_178, %slice3A_179 : vector<256x1xf32>
    %slice3A_181 = vector.extract_strided_slice %select_n3A_143 {offsets = [0, 19], sizes = [256, 1], strides = [1, 1]} : vector<256x20xf32> to vector<256x1xf32>
    %add3A_182 = arith.addf %add3A_180, %slice3A_181 : vector<256x1xf32>
    %get3A_183 = arith.constant 2 : index
    %get3A_184 = arith.constant 0 : index
    %get3A_185 = arith.constant 0 : index
    %get3A_186 = vector.load %arg1[%get3A_183, %get3A_184, %get3A_185] : memref<8x256x256xf32, #tpu.memory_space<vmem>>, vector<1x256x256xf32>
    %get3A_187 = vector.shape_cast %get3A_186 : vector<1x256x256xf32> to vector<256x256xf32>
    %slice3A_188 = vector.extract_strided_slice %get3A_187 {offsets = [0, 0], sizes = [256, 1], strides = [1, 1]} : vector<256x256xf32> to vector<256x1xf32>
    %slice3A_189 = vector.extract_strided_slice %get3A_1 {offsets = [0, 0], sizes = [256, 1], strides = [1, 1]} : vector<256x3xf32> to vector<256x1xf32>
    %sub3A_190 = arith.subf %slice3A_188, %slice3A_189 : vector<256x1xf32>
    %slice3A_191 = vector.extract_strided_slice %get3A_187 {offsets = [0, 1], sizes = [256, 1], strides = [1, 1]} : vector<256x256xf32> to vector<256x1xf32>
    %slice3A_192 = vector.extract_strided_slice %get3A_1 {offsets = [0, 1], sizes = [256, 1], strides = [1, 1]} : vector<256x3xf32> to vector<256x1xf32>
    %sub3A_193 = arith.subf %slice3A_191, %slice3A_192 : vector<256x1xf32>
    %slice3A_194 = vector.extract_strided_slice %get3A_187 {offsets = [0, 2], sizes = [256, 1], strides = [1, 1]} : vector<256x256xf32> to vector<256x1xf32>
    %slice3A_195 = vector.extract_strided_slice %get3A_1 {offsets = [0, 2], sizes = [256, 1], strides = [1, 1]} : vector<256x3xf32> to vector<256x1xf32>
    %sub3A_196 = arith.subf %slice3A_194, %slice3A_195 : vector<256x1xf32>
    %mul3A_197 = arith.mulf %sub3A_190, %sub3A_190 : vector<256x1xf32>
    %mul3A_198 = arith.mulf %sub3A_193, %sub3A_193 : vector<256x1xf32>
    %add3A_199 = arith.addf %mul3A_197, %mul3A_198 : vector<256x1xf32>
    %mul3A_200 = arith.mulf %sub3A_196, %sub3A_196 : vector<256x1xf32>
    %add3A_201 = arith.addf %add3A_199, %mul3A_200 : vector<256x1xf32>
    %sqrt3A_202 = math.sqrt %add3A_201 : vector<256x1xf32>
    %add3A_203 = arith.constant 9.99999993E-9 : f32
    %add3A_204 = vector.broadcast %add3A_203 : f32 to vector<256x1xf32>
    %add3A_205 = arith.addf %sqrt3A_202, %add3A_204 : vector<256x1xf32>
    %div3A_206 = arith.divf %sub3A_190, %add3A_205 : vector<256x1xf32>
    %div3A_207 = arith.divf %sub3A_193, %add3A_205 : vector<256x1xf32>
    %div3A_208 = arith.divf %sub3A_196, %add3A_205 : vector<256x1xf32>
    %slice3A_209 = vector.extract_strided_slice %get3A_187 {offsets = [0, 23], sizes = [256, 20], strides = [1, 1]} : vector<256x256xf32> to vector<256x20xf32>
    %slice3A_210 = vector.extract_strided_slice %get3A_187 {offsets = [0, 43], sizes = [256, 20], strides = [1, 1]} : vector<256x256xf32> to vector<256x20xf32>
    %slice3A_211 = vector.extract_strided_slice %get3A_187 {offsets = [0, 63], sizes = [256, 20], strides = [1, 1]} : vector<256x256xf32> to vector<256x20xf32>
    %mul3A_212 = arith.mulf %slice3A_209, %slice3A_209 : vector<256x20xf32>
    %mul3A_213 = arith.mulf %slice3A_210, %slice3A_210 : vector<256x20xf32>
    %add3A_214 = arith.addf %mul3A_212, %mul3A_213 : vector<256x20xf32>
    %mul3A_215 = arith.mulf %slice3A_211, %slice3A_211 : vector<256x20xf32>
    %add3A_216 = arith.addf %add3A_214, %mul3A_215 : vector<256x20xf32>
    %sqrt3A_217 = math.sqrt %add3A_216 : vector<256x20xf32>
    %add3A_218 = arith.constant 9.99999993E-9 : f32
    %add3A_219 = vector.broadcast %add3A_218 : f32 to vector<256x20xf32>
    %add3A_220 = arith.addf %sqrt3A_217, %add3A_219 : vector<256x20xf32>
    %div3A_221 = arith.divf %slice3A_209, %add3A_220 : vector<256x20xf32>
    %mul3A_222 = vector.broadcast %div3A_206 : vector<256x1xf32> to vector<256x20xf32>
    %mul3A_223 = arith.mulf %div3A_221, %mul3A_222 : vector<256x20xf32>
    %div3A_224 = arith.divf %slice3A_210, %add3A_220 : vector<256x20xf32>
    %mul3A_225 = vector.broadcast %div3A_207 : vector<256x1xf32> to vector<256x20xf32>
    %mul3A_226 = arith.mulf %div3A_224, %mul3A_225 : vector<256x20xf32>
    %add3A_227 = arith.addf %mul3A_223, %mul3A_226 : vector<256x20xf32>
    %div3A_228 = arith.divf %slice3A_211, %add3A_220 : vector<256x20xf32>
    %mul3A_229 = vector.broadcast %div3A_208 : vector<256x1xf32> to vector<256x20xf32>
    %mul3A_230 = arith.mulf %div3A_228, %mul3A_229 : vector<256x20xf32>
    %add3A_231 = arith.addf %add3A_227, %mul3A_230 : vector<256x20xf32>
    %abs3A_232 = math.absf %add3A_231 : vector<256x20xf32>
    %gt3A_233 = arith.constant 5.000000e-01 : f32
    %gt3A_234 = vector.broadcast %gt3A_233 : f32 to vector<256x20xf32>
    %gt3A_235 = arith.cmpf ogt, %abs3A_232, %gt3A_234 : vector<256x20xf32>
    %slice3A_236 = vector.extract_strided_slice %get3A_187 {offsets = [0, 3], sizes = [256, 20], strides = [1, 1]} : vector<256x256xf32> to vector<256x20xf32>
    %jit3A_237 = arith.constant 0.000000e+00 : f32
    %broadcast_in_dim3A_238 = vector.broadcast %jit3A_237 : f32 to vector<256x20xf32>
    %select_n3A_239 = arith.select %gt3A_235, %slice3A_236, %broadcast_in_dim3A_238 : vector<256x20xi1>, vector<256x20xf32>
    %slice3A_240 = vector.extract_strided_slice %select_n3A_239 {offsets = [0, 0], sizes = [256, 1], strides = [1, 1]} : vector<256x20xf32> to vector<256x1xf32>
    %slice3A_241 = vector.extract_strided_slice %select_n3A_239 {offsets = [0, 1], sizes = [256, 1], strides = [1, 1]} : vector<256x20xf32> to vector<256x1xf32>
    %add3A_242 = arith.addf %slice3A_240, %slice3A_241 : vector<256x1xf32>
    %slice3A_243 = vector.extract_strided_slice %select_n3A_239 {offsets = [0, 2], sizes = [256, 1], strides = [1, 1]} : vector<256x20xf32> to vector<256x1xf32>
    %add3A_244 = arith.addf %add3A_242, %slice3A_243 : vector<256x1xf32>
    %slice3A_245 = vector.extract_strided_slice %select_n3A_239 {offsets = [0, 3], sizes = [256, 1], strides = [1, 1]} : vector<256x20xf32> to vector<256x1xf32>
    %add3A_246 = arith.addf %add3A_244, %slice3A_245 : vector<256x1xf32>
    %slice3A_247 = vector.extract_strided_slice %select_n3A_239 {offsets = [0, 4], sizes = [256, 1], strides = [1, 1]} : vector<256x20xf32> to vector<256x1xf32>
    %add3A_248 = arith.addf %add3A_246, %slice3A_247 : vector<256x1xf32>
    %slice3A_249 = vector.extract_strided_slice %select_n3A_239 {offsets = [0, 5], sizes = [256, 1], strides = [1, 1]} : vector<256x20xf32> to vector<256x1xf32>
    %add3A_250 = arith.addf %add3A_248, %slice3A_249 : vector<256x1xf32>
    %slice3A_251 = vector.extract_strided_slice %select_n3A_239 {offsets = [0, 6], sizes = [256, 1], strides = [1, 1]} : vector<256x20xf32> to vector<256x1xf32>
    %add3A_252 = arith.addf %add3A_250, %slice3A_251 : vector<256x1xf32>
    %slice3A_253 = vector.extract_strided_slice %select_n3A_239 {offsets = [0, 7], sizes = [256, 1], strides = [1, 1]} : vector<256x20xf32> to vector<256x1xf32>
    %add3A_254 = arith.addf %add3A_252, %slice3A_253 : vector<256x1xf32>
    %slice3A_255 = vector.extract_strided_slice %select_n3A_239 {offsets = [0, 8], sizes = [256, 1], strides = [1, 1]} : vector<256x20xf32> to vector<256x1xf32>
    %add3A_256 = arith.addf %add3A_254, %slice3A_255 : vector<256x1xf32>
    %slice3A_257 = vector.extract_strided_slice %select_n3A_239 {offsets = [0, 9], sizes = [256, 1], strides = [1, 1]} : vector<256x20xf32> to vector<256x1xf32>
    %add3A_258 = arith.addf %add3A_256, %slice3A_257 : vector<256x1xf32>
    %slice3A_259 = vector.extract_strided_slice %select_n3A_239 {offsets = [0, 10], sizes = [256, 1], strides = [1, 1]} : vector<256x20xf32> to vector<256x1xf32>
    %add3A_260 = arith.addf %add3A_258, %slice3A_259 : vector<256x1xf32>
    %slice3A_261 = vector.extract_strided_slice %select_n3A_239 {offsets = [0, 11], sizes = [256, 1], strides = [1, 1]} : vector<256x20xf32> to vector<256x1xf32>
    %add3A_262 = arith.addf %add3A_260, %slice3A_261 : vector<256x1xf32>
    %slice3A_263 = vector.extract_strided_slice %select_n3A_239 {offsets = [0, 12], sizes = [256, 1], strides = [1, 1]} : vector<256x20xf32> to vector<256x1xf32>
    %add3A_264 = arith.addf %add3A_262, %slice3A_263 : vector<256x1xf32>
    %slice3A_265 = vector.extract_strided_slice %select_n3A_239 {offsets = [0, 13], sizes = [256, 1], strides = [1, 1]} : vector<256x20xf32> to vector<256x1xf32>
    %add3A_266 = arith.addf %add3A_264, %slice3A_265 : vector<256x1xf32>
    %slice3A_267 = vector.extract_strided_slice %select_n3A_239 {offsets = [0, 14], sizes = [256, 1], strides = [1, 1]} : vector<256x20xf32> to vector<256x1xf32>
    %add3A_268 = arith.addf %add3A_266, %slice3A_267 : vector<256x1xf32>
    %slice3A_269 = vector.extract_strided_slice %select_n3A_239 {offsets = [0, 15], sizes = [256, 1], strides = [1, 1]} : vector<256x20xf32> to vector<256x1xf32>
    %add3A_270 = arith.addf %add3A_268, %slice3A_269 : vector<256x1xf32>
    %slice3A_271 = vector.extract_strided_slice %select_n3A_239 {offsets = [0, 16], sizes = [256, 1], strides = [1, 1]} : vector<256x20xf32> to vector<256x1xf32>
    %add3A_272 = arith.addf %add3A_270, %slice3A_271 : vector<256x1xf32>
    %slice3A_273 = vector.extract_strided_slice %select_n3A_239 {offsets = [0, 17], sizes = [256, 1], strides = [1, 1]} : vector<256x20xf32> to vector<256x1xf32>
    %add3A_274 = arith.addf %add3A_272, %slice3A_273 : vector<256x1xf32>
    %slice3A_275 = vector.extract_strided_slice %select_n3A_239 {offsets = [0, 18], sizes = [256, 1], strides = [1, 1]} : vector<256x20xf32> to vector<256x1xf32>
    %add3A_276 = arith.addf %add3A_274, %slice3A_275 : vector<256x1xf32>
    %slice3A_277 = vector.extract_strided_slice %select_n3A_239 {offsets = [0, 19], sizes = [256, 1], strides = [1, 1]} : vector<256x20xf32> to vector<256x1xf32>
    %add3A_278 = arith.addf %add3A_276, %slice3A_277 : vector<256x1xf32>
    %get3A_279 = arith.constant 3 : index
    %get3A_280 = arith.constant 0 : index
    %get3A_281 = arith.constant 0 : index
    %get3A_282 = vector.load %arg1[%get3A_279, %get3A_280, %get3A_281] : memref<8x256x256xf32, #tpu.memory_space<vmem>>, vector<1x256x256xf32>
    %get3A_283 = vector.shape_cast %get3A_282 : vector<1x256x256xf32> to vector<256x256xf32>
    %slice3A_284 = vector.extract_strided_slice %get3A_283 {offsets = [0, 0], sizes = [256, 1], strides = [1, 1]} : vector<256x256xf32> to vector<256x1xf32>
    %slice3A_285 = vector.extract_strided_slice %get3A_1 {offsets = [0, 0], sizes = [256, 1], strides = [1, 1]} : vector<256x3xf32> to vector<256x1xf32>
    %sub3A_286 = arith.subf %slice3A_284, %slice3A_285 : vector<256x1xf32>
    %slice3A_287 = vector.extract_strided_slice %get3A_283 {offsets = [0, 1], sizes = [256, 1], strides = [1, 1]} : vector<256x256xf32> to vector<256x1xf32>
    %slice3A_288 = vector.extract_strided_slice %get3A_1 {offsets = [0, 1], sizes = [256, 1], strides = [1, 1]} : vector<256x3xf32> to vector<256x1xf32>
    %sub3A_289 = arith.subf %slice3A_287, %slice3A_288 : vector<256x1xf32>
    %slice3A_290 = vector.extract_strided_slice %get3A_283 {offsets = [0, 2], sizes = [256, 1], strides = [1, 1]} : vector<256x256xf32> to vector<256x1xf32>
    %slice3A_291 = vector.extract_strided_slice %get3A_1 {offsets = [0, 2], sizes = [256, 1], strides = [1, 1]} : vector<256x3xf32> to vector<256x1xf32>
    %sub3A_292 = arith.subf %slice3A_290, %slice3A_291 : vector<256x1xf32>
    %mul3A_293 = arith.mulf %sub3A_286, %sub3A_286 : vector<256x1xf32>
    %mul3A_294 = arith.mulf %sub3A_289, %sub3A_289 : vector<256x1xf32>
    %add3A_295 = arith.addf %mul3A_293, %mul3A_294 : vector<256x1xf32>
    %mul3A_296 = arith.mulf %sub3A_292, %sub3A_292 : vector<256x1xf32>
    %add3A_297 = arith.addf %add3A_295, %mul3A_296 : vector<256x1xf32>
    %sqrt3A_298 = math.sqrt %add3A_297 : vector<256x1xf32>
    %add3A_299 = arith.constant 9.99999993E-9 : f32
    %add3A_300 = vector.broadcast %add3A_299 : f32 to vector<256x1xf32>
    %add3A_301 = arith.addf %sqrt3A_298, %add3A_300 : vector<256x1xf32>
    %div3A_302 = arith.divf %sub3A_286, %add3A_301 : vector<256x1xf32>
    %div3A_303 = arith.divf %sub3A_289, %add3A_301 : vector<256x1xf32>
    %div3A_304 = arith.divf %sub3A_292, %add3A_301 : vector<256x1xf32>
    %slice3A_305 = vector.extract_strided_slice %get3A_283 {offsets = [0, 23], sizes = [256, 20], strides = [1, 1]} : vector<256x256xf32> to vector<256x20xf32>
    %slice3A_306 = vector.extract_strided_slice %get3A_283 {offsets = [0, 43], sizes = [256, 20], strides = [1, 1]} : vector<256x256xf32> to vector<256x20xf32>
    %slice3A_307 = vector.extract_strided_slice %get3A_283 {offsets = [0, 63], sizes = [256, 20], strides = [1, 1]} : vector<256x256xf32> to vector<256x20xf32>
    %mul3A_308 = arith.mulf %slice3A_305, %slice3A_305 : vector<256x20xf32>
    %mul3A_309 = arith.mulf %slice3A_306, %slice3A_306 : vector<256x20xf32>
    %add3A_310 = arith.addf %mul3A_308, %mul3A_309 : vector<256x20xf32>
    %mul3A_311 = arith.mulf %slice3A_307, %slice3A_307 : vector<256x20xf32>
    %add3A_312 = arith.addf %add3A_310, %mul3A_311 : vector<256x20xf32>
    %sqrt3A_313 = math.sqrt %add3A_312 : vector<256x20xf32>
    %add3A_314 = arith.constant 9.99999993E-9 : f32
    %add3A_315 = vector.broadcast %add3A_314 : f32 to vector<256x20xf32>
    %add3A_316 = arith.addf %sqrt3A_313, %add3A_315 : vector<256x20xf32>
    %div3A_317 = arith.divf %slice3A_305, %add3A_316 : vector<256x20xf32>
    %mul3A_318 = vector.broadcast %div3A_302 : vector<256x1xf32> to vector<256x20xf32>
    %mul3A_319 = arith.mulf %div3A_317, %mul3A_318 : vector<256x20xf32>
    %div3A_320 = arith.divf %slice3A_306, %add3A_316 : vector<256x20xf32>
    %mul3A_321 = vector.broadcast %div3A_303 : vector<256x1xf32> to vector<256x20xf32>
    %mul3A_322 = arith.mulf %div3A_320, %mul3A_321 : vector<256x20xf32>
    %add3A_323 = arith.addf %mul3A_319, %mul3A_322 : vector<256x20xf32>
    %div3A_324 = arith.divf %slice3A_307, %add3A_316 : vector<256x20xf32>
    %mul3A_325 = vector.broadcast %div3A_304 : vector<256x1xf32> to vector<256x20xf32>
    %mul3A_326 = arith.mulf %div3A_324, %mul3A_325 : vector<256x20xf32>
    %add3A_327 = arith.addf %add3A_323, %mul3A_326 : vector<256x20xf32>
    %abs3A_328 = math.absf %add3A_327 : vector<256x20xf32>
    %gt3A_329 = arith.constant 5.000000e-01 : f32
    %gt3A_330 = vector.broadcast %gt3A_329 : f32 to vector<256x20xf32>
    %gt3A_331 = arith.cmpf ogt, %abs3A_328, %gt3A_330 : vector<256x20xf32>
    %slice3A_332 = vector.extract_strided_slice %get3A_283 {offsets = [0, 3], sizes = [256, 20], strides = [1, 1]} : vector<256x256xf32> to vector<256x20xf32>
    %jit3A_333 = arith.constant 0.000000e+00 : f32
    %broadcast_in_dim3A_334 = vector.broadcast %jit3A_333 : f32 to vector<256x20xf32>
    %select_n3A_335 = arith.select %gt3A_331, %slice3A_332, %broadcast_in_dim3A_334 : vector<256x20xi1>, vector<256x20xf32>
    %slice3A_336 = vector.extract_strided_slice %select_n3A_335 {offsets = [0, 0], sizes = [256, 1], strides = [1, 1]} : vector<256x20xf32> to vector<256x1xf32>
    %slice3A_337 = vector.extract_strided_slice %select_n3A_335 {offsets = [0, 1], sizes = [256, 1], strides = [1, 1]} : vector<256x20xf32> to vector<256x1xf32>
    %add3A_338 = arith.addf %slice3A_336, %slice3A_337 : vector<256x1xf32>
    %slice3A_339 = vector.extract_strided_slice %select_n3A_335 {offsets = [0, 2], sizes = [256, 1], strides = [1, 1]} : vector<256x20xf32> to vector<256x1xf32>
    %add3A_340 = arith.addf %add3A_338, %slice3A_339 : vector<256x1xf32>
    %slice3A_341 = vector.extract_strided_slice %select_n3A_335 {offsets = [0, 3], sizes = [256, 1], strides = [1, 1]} : vector<256x20xf32> to vector<256x1xf32>
    %add3A_342 = arith.addf %add3A_340, %slice3A_341 : vector<256x1xf32>
    %slice3A_343 = vector.extract_strided_slice %select_n3A_335 {offsets = [0, 4], sizes = [256, 1], strides = [1, 1]} : vector<256x20xf32> to vector<256x1xf32>
    %add3A_344 = arith.addf %add3A_342, %slice3A_343 : vector<256x1xf32>
    %slice3A_345 = vector.extract_strided_slice %select_n3A_335 {offsets = [0, 5], sizes = [256, 1], strides = [1, 1]} : vector<256x20xf32> to vector<256x1xf32>
    %add3A_346 = arith.addf %add3A_344, %slice3A_345 : vector<256x1xf32>
    %slice3A_347 = vector.extract_strided_slice %select_n3A_335 {offsets = [0, 6], sizes = [256, 1], strides = [1, 1]} : vector<256x20xf32> to vector<256x1xf32>
    %add3A_348 = arith.addf %add3A_346, %slice3A_347 : vector<256x1xf32>
    %slice3A_349 = vector.extract_strided_slice %select_n3A_335 {offsets = [0, 7], sizes = [256, 1], strides = [1, 1]} : vector<256x20xf32> to vector<256x1xf32>
    %add3A_350 = arith.addf %add3A_348, %slice3A_349 : vector<256x1xf32>
    %slice3A_351 = vector.extract_strided_slice %select_n3A_335 {offsets = [0, 8], sizes = [256, 1], strides = [1, 1]} : vector<256x20xf32> to vector<256x1xf32>
    %add3A_352 = arith.addf %add3A_350, %slice3A_351 : vector<256x1xf32>
    %slice3A_353 = vector.extract_strided_slice %select_n3A_335 {offsets = [0, 9], sizes = [256, 1], strides = [1, 1]} : vector<256x20xf32> to vector<256x1xf32>
    %add3A_354 = arith.addf %add3A_352, %slice3A_353 : vector<256x1xf32>
    %slice3A_355 = vector.extract_strided_slice %select_n3A_335 {offsets = [0, 10], sizes = [256, 1], strides = [1, 1]} : vector<256x20xf32> to vector<256x1xf32>
    %add3A_356 = arith.addf %add3A_354, %slice3A_355 : vector<256x1xf32>
    %slice3A_357 = vector.extract_strided_slice %select_n3A_335 {offsets = [0, 11], sizes = [256, 1], strides = [1, 1]} : vector<256x20xf32> to vector<256x1xf32>
    %add3A_358 = arith.addf %add3A_356, %slice3A_357 : vector<256x1xf32>
    %slice3A_359 = vector.extract_strided_slice %select_n3A_335 {offsets = [0, 12], sizes = [256, 1], strides = [1, 1]} : vector<256x20xf32> to vector<256x1xf32>
    %add3A_360 = arith.addf %add3A_358, %slice3A_359 : vector<256x1xf32>
    %slice3A_361 = vector.extract_strided_slice %select_n3A_335 {offsets = [0, 13], sizes = [256, 1], strides = [1, 1]} : vector<256x20xf32> to vector<256x1xf32>
    %add3A_362 = arith.addf %add3A_360, %slice3A_361 : vector<256x1xf32>
    %slice3A_363 = vector.extract_strided_slice %select_n3A_335 {offsets = [0, 14], sizes = [256, 1], strides = [1, 1]} : vector<256x20xf32> to vector<256x1xf32>
    %add3A_364 = arith.addf %add3A_362, %slice3A_363 : vector<256x1xf32>
    %slice3A_365 = vector.extract_strided_slice %select_n3A_335 {offsets = [0, 15], sizes = [256, 1], strides = [1, 1]} : vector<256x20xf32> to vector<256x1xf32>
    %add3A_366 = arith.addf %add3A_364, %slice3A_365 : vector<256x1xf32>
    %slice3A_367 = vector.extract_strided_slice %select_n3A_335 {offsets = [0, 16], sizes = [256, 1], strides = [1, 1]} : vector<256x20xf32> to vector<256x1xf32>
    %add3A_368 = arith.addf %add3A_366, %slice3A_367 : vector<256x1xf32>
    %slice3A_369 = vector.extract_strided_slice %select_n3A_335 {offsets = [0, 17], sizes = [256, 1], strides = [1, 1]} : vector<256x20xf32> to vector<256x1xf32>
    %add3A_370 = arith.addf %add3A_368, %slice3A_369 : vector<256x1xf32>
    %slice3A_371 = vector.extract_strided_slice %select_n3A_335 {offsets = [0, 18], sizes = [256, 1], strides = [1, 1]} : vector<256x20xf32> to vector<256x1xf32>
    %add3A_372 = arith.addf %add3A_370, %slice3A_371 : vector<256x1xf32>
    %slice3A_373 = vector.extract_strided_slice %select_n3A_335 {offsets = [0, 19], sizes = [256, 1], strides = [1, 1]} : vector<256x20xf32> to vector<256x1xf32>
    %add3A_374 = arith.addf %add3A_372, %slice3A_373 : vector<256x1xf32>
    %get3A_375 = arith.constant 4 : index
    %get3A_376 = arith.constant 0 : index
    %get3A_377 = arith.constant 0 : index
    %get3A_378 = vector.load %arg1[%get3A_375, %get3A_376, %get3A_377] : memref<8x256x256xf32, #tpu.memory_space<vmem>>, vector<1x256x256xf32>
    %get3A_379 = vector.shape_cast %get3A_378 : vector<1x256x256xf32> to vector<256x256xf32>
    %slice3A_380 = vector.extract_strided_slice %get3A_379 {offsets = [0, 0], sizes = [256, 1], strides = [1, 1]} : vector<256x256xf32> to vector<256x1xf32>
    %slice3A_381 = vector.extract_strided_slice %get3A_1 {offsets = [0, 0], sizes = [256, 1], strides = [1, 1]} : vector<256x3xf32> to vector<256x1xf32>
    %sub3A_382 = arith.subf %slice3A_380, %slice3A_381 : vector<256x1xf32>
    %slice3A_383 = vector.extract_strided_slice %get3A_379 {offsets = [0, 1], sizes = [256, 1], strides = [1, 1]} : vector<256x256xf32> to vector<256x1xf32>
    %slice3A_384 = vector.extract_strided_slice %get3A_1 {offsets = [0, 1], sizes = [256, 1], strides = [1, 1]} : vector<256x3xf32> to vector<256x1xf32>
    %sub3A_385 = arith.subf %slice3A_383, %slice3A_384 : vector<256x1xf32>
    %slice3A_386 = vector.extract_strided_slice %get3A_379 {offsets = [0, 2], sizes = [256, 1], strides = [1, 1]} : vector<256x256xf32> to vector<256x1xf32>
    %slice3A_387 = vector.extract_strided_slice %get3A_1 {offsets = [0, 2], sizes = [256, 1], strides = [1, 1]} : vector<256x3xf32> to vector<256x1xf32>
    %sub3A_388 = arith.subf %slice3A_386, %slice3A_387 : vector<256x1xf32>
    %mul3A_389 = arith.mulf %sub3A_382, %sub3A_382 : vector<256x1xf32>
    %mul3A_390 = arith.mulf %sub3A_385, %sub3A_385 : vector<256x1xf32>
    %add3A_391 = arith.addf %mul3A_389, %mul3A_390 : vector<256x1xf32>
    %mul3A_392 = arith.mulf %sub3A_388, %sub3A_388 : vector<256x1xf32>
    %add3A_393 = arith.addf %add3A_391, %mul3A_392 : vector<256x1xf32>
    %sqrt3A_394 = math.sqrt %add3A_393 : vector<256x1xf32>
    %add3A_395 = arith.constant 9.99999993E-9 : f32
    %add3A_396 = vector.broadcast %add3A_395 : f32 to vector<256x1xf32>
    %add3A_397 = arith.addf %sqrt3A_394, %add3A_396 : vector<256x1xf32>
    %div3A_398 = arith.divf %sub3A_382, %add3A_397 : vector<256x1xf32>
    %div3A_399 = arith.divf %sub3A_385, %add3A_397 : vector<256x1xf32>
    %div3A_400 = arith.divf %sub3A_388, %add3A_397 : vector<256x1xf32>
    %slice3A_401 = vector.extract_strided_slice %get3A_379 {offsets = [0, 23], sizes = [256, 20], strides = [1, 1]} : vector<256x256xf32> to vector<256x20xf32>
    %slice3A_402 = vector.extract_strided_slice %get3A_379 {offsets = [0, 43], sizes = [256, 20], strides = [1, 1]} : vector<256x256xf32> to vector<256x20xf32>
    %slice3A_403 = vector.extract_strided_slice %get3A_379 {offsets = [0, 63], sizes = [256, 20], strides = [1, 1]} : vector<256x256xf32> to vector<256x20xf32>
    %mul3A_404 = arith.mulf %slice3A_401, %slice3A_401 : vector<256x20xf32>
    %mul3A_405 = arith.mulf %slice3A_402, %slice3A_402 : vector<256x20xf32>
    %add3A_406 = arith.addf %mul3A_404, %mul3A_405 : vector<256x20xf32>
    %mul3A_407 = arith.mulf %slice3A_403, %slice3A_403 : vector<256x20xf32>
    %add3A_408 = arith.addf %add3A_406, %mul3A_407 : vector<256x20xf32>
    %sqrt3A_409 = math.sqrt %add3A_408 : vector<256x20xf32>
    %add3A_410 = arith.constant 9.99999993E-9 : f32
    %add3A_411 = vector.broadcast %add3A_410 : f32 to vector<256x20xf32>
    %add3A_412 = arith.addf %sqrt3A_409, %add3A_411 : vector<256x20xf32>
    %div3A_413 = arith.divf %slice3A_401, %add3A_412 : vector<256x20xf32>
    %mul3A_414 = vector.broadcast %div3A_398 : vector<256x1xf32> to vector<256x20xf32>
    %mul3A_415 = arith.mulf %div3A_413, %mul3A_414 : vector<256x20xf32>
    %div3A_416 = arith.divf %slice3A_402, %add3A_412 : vector<256x20xf32>
    %mul3A_417 = vector.broadcast %div3A_399 : vector<256x1xf32> to vector<256x20xf32>
    %mul3A_418 = arith.mulf %div3A_416, %mul3A_417 : vector<256x20xf32>
    %add3A_419 = arith.addf %mul3A_415, %mul3A_418 : vector<256x20xf32>
    %div3A_420 = arith.divf %slice3A_403, %add3A_412 : vector<256x20xf32>
    %mul3A_421 = vector.broadcast %div3A_400 : vector<256x1xf32> to vector<256x20xf32>
    %mul3A_422 = arith.mulf %div3A_420, %mul3A_421 : vector<256x20xf32>
    %add3A_423 = arith.addf %add3A_419, %mul3A_422 : vector<256x20xf32>
    %abs3A_424 = math.absf %add3A_423 : vector<256x20xf32>
    %gt3A_425 = arith.constant 5.000000e-01 : f32
    %gt3A_426 = vector.broadcast %gt3A_425 : f32 to vector<256x20xf32>
    %gt3A_427 = arith.cmpf ogt, %abs3A_424, %gt3A_426 : vector<256x20xf32>
    %slice3A_428 = vector.extract_strided_slice %get3A_379 {offsets = [0, 3], sizes = [256, 20], strides = [1, 1]} : vector<256x256xf32> to vector<256x20xf32>
    %jit3A_429 = arith.constant 0.000000e+00 : f32
    %broadcast_in_dim3A_430 = vector.broadcast %jit3A_429 : f32 to vector<256x20xf32>
    %select_n3A_431 = arith.select %gt3A_427, %slice3A_428, %broadcast_in_dim3A_430 : vector<256x20xi1>, vector<256x20xf32>
    %slice3A_432 = vector.extract_strided_slice %select_n3A_431 {offsets = [0, 0], sizes = [256, 1], strides = [1, 1]} : vector<256x20xf32> to vector<256x1xf32>
    %slice3A_433 = vector.extract_strided_slice %select_n3A_431 {offsets = [0, 1], sizes = [256, 1], strides = [1, 1]} : vector<256x20xf32> to vector<256x1xf32>
    %add3A_434 = arith.addf %slice3A_432, %slice3A_433 : vector<256x1xf32>
    %slice3A_435 = vector.extract_strided_slice %select_n3A_431 {offsets = [0, 2], sizes = [256, 1], strides = [1, 1]} : vector<256x20xf32> to vector<256x1xf32>
    %add3A_436 = arith.addf %add3A_434, %slice3A_435 : vector<256x1xf32>
    %slice3A_437 = vector.extract_strided_slice %select_n3A_431 {offsets = [0, 3], sizes = [256, 1], strides = [1, 1]} : vector<256x20xf32> to vector<256x1xf32>
    %add3A_438 = arith.addf %add3A_436, %slice3A_437 : vector<256x1xf32>
    %slice3A_439 = vector.extract_strided_slice %select_n3A_431 {offsets = [0, 4], sizes = [256, 1], strides = [1, 1]} : vector<256x20xf32> to vector<256x1xf32>
    %add3A_440 = arith.addf %add3A_438, %slice3A_439 : vector<256x1xf32>
    %slice3A_441 = vector.extract_strided_slice %select_n3A_431 {offsets = [0, 5], sizes = [256, 1], strides = [1, 1]} : vector<256x20xf32> to vector<256x1xf32>
    %add3A_442 = arith.addf %add3A_440, %slice3A_441 : vector<256x1xf32>
    %slice3A_443 = vector.extract_strided_slice %select_n3A_431 {offsets = [0, 6], sizes = [256, 1], strides = [1, 1]} : vector<256x20xf32> to vector<256x1xf32>
    %add3A_444 = arith.addf %add3A_442, %slice3A_443 : vector<256x1xf32>
    %slice3A_445 = vector.extract_strided_slice %select_n3A_431 {offsets = [0, 7], sizes = [256, 1], strides = [1, 1]} : vector<256x20xf32> to vector<256x1xf32>
    %add3A_446 = arith.addf %add3A_444, %slice3A_445 : vector<256x1xf32>
    %slice3A_447 = vector.extract_strided_slice %select_n3A_431 {offsets = [0, 8], sizes = [256, 1], strides = [1, 1]} : vector<256x20xf32> to vector<256x1xf32>
    %add3A_448 = arith.addf %add3A_446, %slice3A_447 : vector<256x1xf32>
    %slice3A_449 = vector.extract_strided_slice %select_n3A_431 {offsets = [0, 9], sizes = [256, 1], strides = [1, 1]} : vector<256x20xf32> to vector<256x1xf32>
    %add3A_450 = arith.addf %add3A_448, %slice3A_449 : vector<256x1xf32>
    %slice3A_451 = vector.extract_strided_slice %select_n3A_431 {offsets = [0, 10], sizes = [256, 1], strides = [1, 1]} : vector<256x20xf32> to vector<256x1xf32>
    %add3A_452 = arith.addf %add3A_450, %slice3A_451 : vector<256x1xf32>
    %slice3A_453 = vector.extract_strided_slice %select_n3A_431 {offsets = [0, 11], sizes = [256, 1], strides = [1, 1]} : vector<256x20xf32> to vector<256x1xf32>
    %add3A_454 = arith.addf %add3A_452, %slice3A_453 : vector<256x1xf32>
    %slice3A_455 = vector.extract_strided_slice %select_n3A_431 {offsets = [0, 12], sizes = [256, 1], strides = [1, 1]} : vector<256x20xf32> to vector<256x1xf32>
    %add3A_456 = arith.addf %add3A_454, %slice3A_455 : vector<256x1xf32>
    %slice3A_457 = vector.extract_strided_slice %select_n3A_431 {offsets = [0, 13], sizes = [256, 1], strides = [1, 1]} : vector<256x20xf32> to vector<256x1xf32>
    %add3A_458 = arith.addf %add3A_456, %slice3A_457 : vector<256x1xf32>
    %slice3A_459 = vector.extract_strided_slice %select_n3A_431 {offsets = [0, 14], sizes = [256, 1], strides = [1, 1]} : vector<256x20xf32> to vector<256x1xf32>
    %add3A_460 = arith.addf %add3A_458, %slice3A_459 : vector<256x1xf32>
    %slice3A_461 = vector.extract_strided_slice %select_n3A_431 {offsets = [0, 15], sizes = [256, 1], strides = [1, 1]} : vector<256x20xf32> to vector<256x1xf32>
    %add3A_462 = arith.addf %add3A_460, %slice3A_461 : vector<256x1xf32>
    %slice3A_463 = vector.extract_strided_slice %select_n3A_431 {offsets = [0, 16], sizes = [256, 1], strides = [1, 1]} : vector<256x20xf32> to vector<256x1xf32>
    %add3A_464 = arith.addf %add3A_462, %slice3A_463 : vector<256x1xf32>
    %slice3A_465 = vector.extract_strided_slice %select_n3A_431 {offsets = [0, 17], sizes = [256, 1], strides = [1, 1]} : vector<256x20xf32> to vector<256x1xf32>
    %add3A_466 = arith.addf %add3A_464, %slice3A_465 : vector<256x1xf32>
    %slice3A_467 = vector.extract_strided_slice %select_n3A_431 {offsets = [0, 18], sizes = [256, 1], strides = [1, 1]} : vector<256x20xf32> to vector<256x1xf32>
    %add3A_468 = arith.addf %add3A_466, %slice3A_467 : vector<256x1xf32>
    %slice3A_469 = vector.extract_strided_slice %select_n3A_431 {offsets = [0, 19], sizes = [256, 1], strides = [1, 1]} : vector<256x20xf32> to vector<256x1xf32>
    %add3A_470 = arith.addf %add3A_468, %slice3A_469 : vector<256x1xf32>
    %get3A_471 = arith.constant 5 : index
    %get3A_472 = arith.constant 0 : index
    %get3A_473 = arith.constant 0 : index
    %get3A_474 = vector.load %arg1[%get3A_471, %get3A_472, %get3A_473] : memref<8x256x256xf32, #tpu.memory_space<vmem>>, vector<1x256x256xf32>
    %get3A_475 = vector.shape_cast %get3A_474 : vector<1x256x256xf32> to vector<256x256xf32>
    %slice3A_476 = vector.extract_strided_slice %get3A_475 {offsets = [0, 0], sizes = [256, 1], strides = [1, 1]} : vector<256x256xf32> to vector<256x1xf32>
    %slice3A_477 = vector.extract_strided_slice %get3A_1 {offsets = [0, 0], sizes = [256, 1], strides = [1, 1]} : vector<256x3xf32> to vector<256x1xf32>
    %sub3A_478 = arith.subf %slice3A_476, %slice3A_477 : vector<256x1xf32>
    %slice3A_479 = vector.extract_strided_slice %get3A_475 {offsets = [0, 1], sizes = [256, 1], strides = [1, 1]} : vector<256x256xf32> to vector<256x1xf32>
    %slice3A_480 = vector.extract_strided_slice %get3A_1 {offsets = [0, 1], sizes = [256, 1], strides = [1, 1]} : vector<256x3xf32> to vector<256x1xf32>
    %sub3A_481 = arith.subf %slice3A_479, %slice3A_480 : vector<256x1xf32>
    %slice3A_482 = vector.extract_strided_slice %get3A_475 {offsets = [0, 2], sizes = [256, 1], strides = [1, 1]} : vector<256x256xf32> to vector<256x1xf32>
    %slice3A_483 = vector.extract_strided_slice %get3A_1 {offsets = [0, 2], sizes = [256, 1], strides = [1, 1]} : vector<256x3xf32> to vector<256x1xf32>
    %sub3A_484 = arith.subf %slice3A_482, %slice3A_483 : vector<256x1xf32>
    %mul3A_485 = arith.mulf %sub3A_478, %sub3A_478 : vector<256x1xf32>
    %mul3A_486 = arith.mulf %sub3A_481, %sub3A_481 : vector<256x1xf32>
    %add3A_487 = arith.addf %mul3A_485, %mul3A_486 : vector<256x1xf32>
    %mul3A_488 = arith.mulf %sub3A_484, %sub3A_484 : vector<256x1xf32>
    %add3A_489 = arith.addf %add3A_487, %mul3A_488 : vector<256x1xf32>
    %sqrt3A_490 = math.sqrt %add3A_489 : vector<256x1xf32>
    %add3A_491 = arith.constant 9.99999993E-9 : f32
    %add3A_492 = vector.broadcast %add3A_491 : f32 to vector<256x1xf32>
    %add3A_493 = arith.addf %sqrt3A_490, %add3A_492 : vector<256x1xf32>
    %div3A_494 = arith.divf %sub3A_478, %add3A_493 : vector<256x1xf32>
    %div3A_495 = arith.divf %sub3A_481, %add3A_493 : vector<256x1xf32>
    %div3A_496 = arith.divf %sub3A_484, %add3A_493 : vector<256x1xf32>
    %slice3A_497 = vector.extract_strided_slice %get3A_475 {offsets = [0, 23], sizes = [256, 20], strides = [1, 1]} : vector<256x256xf32> to vector<256x20xf32>
    %slice3A_498 = vector.extract_strided_slice %get3A_475 {offsets = [0, 43], sizes = [256, 20], strides = [1, 1]} : vector<256x256xf32> to vector<256x20xf32>
    %slice3A_499 = vector.extract_strided_slice %get3A_475 {offsets = [0, 63], sizes = [256, 20], strides = [1, 1]} : vector<256x256xf32> to vector<256x20xf32>
    %mul3A_500 = arith.mulf %slice3A_497, %slice3A_497 : vector<256x20xf32>
    %mul3A_501 = arith.mulf %slice3A_498, %slice3A_498 : vector<256x20xf32>
    %add3A_502 = arith.addf %mul3A_500, %mul3A_501 : vector<256x20xf32>
    %mul3A_503 = arith.mulf %slice3A_499, %slice3A_499 : vector<256x20xf32>
    %add3A_504 = arith.addf %add3A_502, %mul3A_503 : vector<256x20xf32>
    %sqrt3A_505 = math.sqrt %add3A_504 : vector<256x20xf32>
    %add3A_506 = arith.constant 9.99999993E-9 : f32
    %add3A_507 = vector.broadcast %add3A_506 : f32 to vector<256x20xf32>
    %add3A_508 = arith.addf %sqrt3A_505, %add3A_507 : vector<256x20xf32>
    %div3A_509 = arith.divf %slice3A_497, %add3A_508 : vector<256x20xf32>
    %mul3A_510 = vector.broadcast %div3A_494 : vector<256x1xf32> to vector<256x20xf32>
    %mul3A_511 = arith.mulf %div3A_509, %mul3A_510 : vector<256x20xf32>
    %div3A_512 = arith.divf %slice3A_498, %add3A_508 : vector<256x20xf32>
    %mul3A_513 = vector.broadcast %div3A_495 : vector<256x1xf32> to vector<256x20xf32>
    %mul3A_514 = arith.mulf %div3A_512, %mul3A_513 : vector<256x20xf32>
    %add3A_515 = arith.addf %mul3A_511, %mul3A_514 : vector<256x20xf32>
    %div3A_516 = arith.divf %slice3A_499, %add3A_508 : vector<256x20xf32>
    %mul3A_517 = vector.broadcast %div3A_496 : vector<256x1xf32> to vector<256x20xf32>
    %mul3A_518 = arith.mulf %div3A_516, %mul3A_517 : vector<256x20xf32>
    %add3A_519 = arith.addf %add3A_515, %mul3A_518 : vector<256x20xf32>
    %abs3A_520 = math.absf %add3A_519 : vector<256x20xf32>
    %gt3A_521 = arith.constant 5.000000e-01 : f32
    %gt3A_522 = vector.broadcast %gt3A_521 : f32 to vector<256x20xf32>
    %gt3A_523 = arith.cmpf ogt, %abs3A_520, %gt3A_522 : vector<256x20xf32>
    %slice3A_524 = vector.extract_strided_slice %get3A_475 {offsets = [0, 3], sizes = [256, 20], strides = [1, 1]} : vector<256x256xf32> to vector<256x20xf32>
    %jit3A_525 = arith.constant 0.000000e+00 : f32
    %broadcast_in_dim3A_526 = vector.broadcast %jit3A_525 : f32 to vector<256x20xf32>
    %select_n3A_527 = arith.select %gt3A_523, %slice3A_524, %broadcast_in_dim3A_526 : vector<256x20xi1>, vector<256x20xf32>
    %slice3A_528 = vector.extract_strided_slice %select_n3A_527 {offsets = [0, 0], sizes = [256, 1], strides = [1, 1]} : vector<256x20xf32> to vector<256x1xf32>
    %slice3A_529 = vector.extract_strided_slice %select_n3A_527 {offsets = [0, 1], sizes = [256, 1], strides = [1, 1]} : vector<256x20xf32> to vector<256x1xf32>
    %add3A_530 = arith.addf %slice3A_528, %slice3A_529 : vector<256x1xf32>
    %slice3A_531 = vector.extract_strided_slice %select_n3A_527 {offsets = [0, 2], sizes = [256, 1], strides = [1, 1]} : vector<256x20xf32> to vector<256x1xf32>
    %add3A_532 = arith.addf %add3A_530, %slice3A_531 : vector<256x1xf32>
    %slice3A_533 = vector.extract_strided_slice %select_n3A_527 {offsets = [0, 3], sizes = [256, 1], strides = [1, 1]} : vector<256x20xf32> to vector<256x1xf32>
    %add3A_534 = arith.addf %add3A_532, %slice3A_533 : vector<256x1xf32>
    %slice3A_535 = vector.extract_strided_slice %select_n3A_527 {offsets = [0, 4], sizes = [256, 1], strides = [1, 1]} : vector<256x20xf32> to vector<256x1xf32>
    %add3A_536 = arith.addf %add3A_534, %slice3A_535 : vector<256x1xf32>
    %slice3A_537 = vector.extract_strided_slice %select_n3A_527 {offsets = [0, 5], sizes = [256, 1], strides = [1, 1]} : vector<256x20xf32> to vector<256x1xf32>
    %add3A_538 = arith.addf %add3A_536, %slice3A_537 : vector<256x1xf32>
    %slice3A_539 = vector.extract_strided_slice %select_n3A_527 {offsets = [0, 6], sizes = [256, 1], strides = [1, 1]} : vector<256x20xf32> to vector<256x1xf32>
    %add3A_540 = arith.addf %add3A_538, %slice3A_539 : vector<256x1xf32>
    %slice3A_541 = vector.extract_strided_slice %select_n3A_527 {offsets = [0, 7], sizes = [256, 1], strides = [1, 1]} : vector<256x20xf32> to vector<256x1xf32>
    %add3A_542 = arith.addf %add3A_540, %slice3A_541 : vector<256x1xf32>
    %slice3A_543 = vector.extract_strided_slice %select_n3A_527 {offsets = [0, 8], sizes = [256, 1], strides = [1, 1]} : vector<256x20xf32> to vector<256x1xf32>
    %add3A_544 = arith.addf %add3A_542, %slice3A_543 : vector<256x1xf32>
    %slice3A_545 = vector.extract_strided_slice %select_n3A_527 {offsets = [0, 9], sizes = [256, 1], strides = [1, 1]} : vector<256x20xf32> to vector<256x1xf32>
    %add3A_546 = arith.addf %add3A_544, %slice3A_545 : vector<256x1xf32>
    %slice3A_547 = vector.extract_strided_slice %select_n3A_527 {offsets = [0, 10], sizes = [256, 1], strides = [1, 1]} : vector<256x20xf32> to vector<256x1xf32>
    %add3A_548 = arith.addf %add3A_546, %slice3A_547 : vector<256x1xf32>
    %slice3A_549 = vector.extract_strided_slice %select_n3A_527 {offsets = [0, 11], sizes = [256, 1], strides = [1, 1]} : vector<256x20xf32> to vector<256x1xf32>
    %add3A_550 = arith.addf %add3A_548, %slice3A_549 : vector<256x1xf32>
    %slice3A_551 = vector.extract_strided_slice %select_n3A_527 {offsets = [0, 12], sizes = [256, 1], strides = [1, 1]} : vector<256x20xf32> to vector<256x1xf32>
    %add3A_552 = arith.addf %add3A_550, %slice3A_551 : vector<256x1xf32>
    %slice3A_553 = vector.extract_strided_slice %select_n3A_527 {offsets = [0, 13], sizes = [256, 1], strides = [1, 1]} : vector<256x20xf32> to vector<256x1xf32>
    %add3A_554 = arith.addf %add3A_552, %slice3A_553 : vector<256x1xf32>
    %slice3A_555 = vector.extract_strided_slice %select_n3A_527 {offsets = [0, 14], sizes = [256, 1], strides = [1, 1]} : vector<256x20xf32> to vector<256x1xf32>
    %add3A_556 = arith.addf %add3A_554, %slice3A_555 : vector<256x1xf32>
    %slice3A_557 = vector.extract_strided_slice %select_n3A_527 {offsets = [0, 15], sizes = [256, 1], strides = [1, 1]} : vector<256x20xf32> to vector<256x1xf32>
    %add3A_558 = arith.addf %add3A_556, %slice3A_557 : vector<256x1xf32>
    %slice3A_559 = vector.extract_strided_slice %select_n3A_527 {offsets = [0, 16], sizes = [256, 1], strides = [1, 1]} : vector<256x20xf32> to vector<256x1xf32>
    %add3A_560 = arith.addf %add3A_558, %slice3A_559 : vector<256x1xf32>
    %slice3A_561 = vector.extract_strided_slice %select_n3A_527 {offsets = [0, 17], sizes = [256, 1], strides = [1, 1]} : vector<256x20xf32> to vector<256x1xf32>
    %add3A_562 = arith.addf %add3A_560, %slice3A_561 : vector<256x1xf32>
    %slice3A_563 = vector.extract_strided_slice %select_n3A_527 {offsets = [0, 18], sizes = [256, 1], strides = [1, 1]} : vector<256x20xf32> to vector<256x1xf32>
    %add3A_564 = arith.addf %add3A_562, %slice3A_563 : vector<256x1xf32>
    %slice3A_565 = vector.extract_strided_slice %select_n3A_527 {offsets = [0, 19], sizes = [256, 1], strides = [1, 1]} : vector<256x20xf32> to vector<256x1xf32>
    %add3A_566 = arith.addf %add3A_564, %slice3A_565 : vector<256x1xf32>
    %get3A_567 = arith.constant 6 : index
    %get3A_568 = arith.constant 0 : index
    %get3A_569 = arith.constant 0 : index
    %get3A_570 = vector.load %arg1[%get3A_567, %get3A_568, %get3A_569] : memref<8x256x256xf32, #tpu.memory_space<vmem>>, vector<1x256x256xf32>
    %get3A_571 = vector.shape_cast %get3A_570 : vector<1x256x256xf32> to vector<256x256xf32>
    %slice3A_572 = vector.extract_strided_slice %get3A_571 {offsets = [0, 0], sizes = [256, 1], strides = [1, 1]} : vector<256x256xf32> to vector<256x1xf32>
    %slice3A_573 = vector.extract_strided_slice %get3A_1 {offsets = [0, 0], sizes = [256, 1], strides = [1, 1]} : vector<256x3xf32> to vector<256x1xf32>
    %sub3A_574 = arith.subf %slice3A_572, %slice3A_573 : vector<256x1xf32>
    %slice3A_575 = vector.extract_strided_slice %get3A_571 {offsets = [0, 1], sizes = [256, 1], strides = [1, 1]} : vector<256x256xf32> to vector<256x1xf32>
    %slice3A_576 = vector.extract_strided_slice %get3A_1 {offsets = [0, 1], sizes = [256, 1], strides = [1, 1]} : vector<256x3xf32> to vector<256x1xf32>
    %sub3A_577 = arith.subf %slice3A_575, %slice3A_576 : vector<256x1xf32>
    %slice3A_578 = vector.extract_strided_slice %get3A_571 {offsets = [0, 2], sizes = [256, 1], strides = [1, 1]} : vector<256x256xf32> to vector<256x1xf32>
    %slice3A_579 = vector.extract_strided_slice %get3A_1 {offsets = [0, 2], sizes = [256, 1], strides = [1, 1]} : vector<256x3xf32> to vector<256x1xf32>
    %sub3A_580 = arith.subf %slice3A_578, %slice3A_579 : vector<256x1xf32>
    %mul3A_581 = arith.mulf %sub3A_574, %sub3A_574 : vector<256x1xf32>
    %mul3A_582 = arith.mulf %sub3A_577, %sub3A_577 : vector<256x1xf32>
    %add3A_583 = arith.addf %mul3A_581, %mul3A_582 : vector<256x1xf32>
    %mul3A_584 = arith.mulf %sub3A_580, %sub3A_580 : vector<256x1xf32>
    %add3A_585 = arith.addf %add3A_583, %mul3A_584 : vector<256x1xf32>
    %sqrt3A_586 = math.sqrt %add3A_585 : vector<256x1xf32>
    %add3A_587 = arith.constant 9.99999993E-9 : f32
    %add3A_588 = vector.broadcast %add3A_587 : f32 to vector<256x1xf32>
    %add3A_589 = arith.addf %sqrt3A_586, %add3A_588 : vector<256x1xf32>
    %div3A_590 = arith.divf %sub3A_574, %add3A_589 : vector<256x1xf32>
    %div3A_591 = arith.divf %sub3A_577, %add3A_589 : vector<256x1xf32>
    %div3A_592 = arith.divf %sub3A_580, %add3A_589 : vector<256x1xf32>
    %slice3A_593 = vector.extract_strided_slice %get3A_571 {offsets = [0, 23], sizes = [256, 20], strides = [1, 1]} : vector<256x256xf32> to vector<256x20xf32>
    %slice3A_594 = vector.extract_strided_slice %get3A_571 {offsets = [0, 43], sizes = [256, 20], strides = [1, 1]} : vector<256x256xf32> to vector<256x20xf32>
    %slice3A_595 = vector.extract_strided_slice %get3A_571 {offsets = [0, 63], sizes = [256, 20], strides = [1, 1]} : vector<256x256xf32> to vector<256x20xf32>
    %mul3A_596 = arith.mulf %slice3A_593, %slice3A_593 : vector<256x20xf32>
    %mul3A_597 = arith.mulf %slice3A_594, %slice3A_594 : vector<256x20xf32>
    %add3A_598 = arith.addf %mul3A_596, %mul3A_597 : vector<256x20xf32>
    %mul3A_599 = arith.mulf %slice3A_595, %slice3A_595 : vector<256x20xf32>
    %add3A_600 = arith.addf %add3A_598, %mul3A_599 : vector<256x20xf32>
    %sqrt3A_601 = math.sqrt %add3A_600 : vector<256x20xf32>
    %add3A_602 = arith.constant 9.99999993E-9 : f32
    %add3A_603 = vector.broadcast %add3A_602 : f32 to vector<256x20xf32>
    %add3A_604 = arith.addf %sqrt3A_601, %add3A_603 : vector<256x20xf32>
    %div3A_605 = arith.divf %slice3A_593, %add3A_604 : vector<256x20xf32>
    %mul3A_606 = vector.broadcast %div3A_590 : vector<256x1xf32> to vector<256x20xf32>
    %mul3A_607 = arith.mulf %div3A_605, %mul3A_606 : vector<256x20xf32>
    %div3A_608 = arith.divf %slice3A_594, %add3A_604 : vector<256x20xf32>
    %mul3A_609 = vector.broadcast %div3A_591 : vector<256x1xf32> to vector<256x20xf32>
    %mul3A_610 = arith.mulf %div3A_608, %mul3A_609 : vector<256x20xf32>
    %add3A_611 = arith.addf %mul3A_607, %mul3A_610 : vector<256x20xf32>
    %div3A_612 = arith.divf %slice3A_595, %add3A_604 : vector<256x20xf32>
    %mul3A_613 = vector.broadcast %div3A_592 : vector<256x1xf32> to vector<256x20xf32>
    %mul3A_614 = arith.mulf %div3A_612, %mul3A_613 : vector<256x20xf32>
    %add3A_615 = arith.addf %add3A_611, %mul3A_614 : vector<256x20xf32>
    %abs3A_616 = math.absf %add3A_615 : vector<256x20xf32>
    %gt3A_617 = arith.constant 5.000000e-01 : f32
    %gt3A_618 = vector.broadcast %gt3A_617 : f32 to vector<256x20xf32>
    %gt3A_619 = arith.cmpf ogt, %abs3A_616, %gt3A_618 : vector<256x20xf32>
    %slice3A_620 = vector.extract_strided_slice %get3A_571 {offsets = [0, 3], sizes = [256, 20], strides = [1, 1]} : vector<256x256xf32> to vector<256x20xf32>
    %jit3A_621 = arith.constant 0.000000e+00 : f32
    %broadcast_in_dim3A_622 = vector.broadcast %jit3A_621 : f32 to vector<256x20xf32>
    %select_n3A_623 = arith.select %gt3A_619, %slice3A_620, %broadcast_in_dim3A_622 : vector<256x20xi1>, vector<256x20xf32>
    %slice3A_624 = vector.extract_strided_slice %select_n3A_623 {offsets = [0, 0], sizes = [256, 1], strides = [1, 1]} : vector<256x20xf32> to vector<256x1xf32>
    %slice3A_625 = vector.extract_strided_slice %select_n3A_623 {offsets = [0, 1], sizes = [256, 1], strides = [1, 1]} : vector<256x20xf32> to vector<256x1xf32>
    %add3A_626 = arith.addf %slice3A_624, %slice3A_625 : vector<256x1xf32>
    %slice3A_627 = vector.extract_strided_slice %select_n3A_623 {offsets = [0, 2], sizes = [256, 1], strides = [1, 1]} : vector<256x20xf32> to vector<256x1xf32>
    %add3A_628 = arith.addf %add3A_626, %slice3A_627 : vector<256x1xf32>
    %slice3A_629 = vector.extract_strided_slice %select_n3A_623 {offsets = [0, 3], sizes = [256, 1], strides = [1, 1]} : vector<256x20xf32> to vector<256x1xf32>
    %add3A_630 = arith.addf %add3A_628, %slice3A_629 : vector<256x1xf32>
    %slice3A_631 = vector.extract_strided_slice %select_n3A_623 {offsets = [0, 4], sizes = [256, 1], strides = [1, 1]} : vector<256x20xf32> to vector<256x1xf32>
    %add3A_632 = arith.addf %add3A_630, %slice3A_631 : vector<256x1xf32>
    %slice3A_633 = vector.extract_strided_slice %select_n3A_623 {offsets = [0, 5], sizes = [256, 1], strides = [1, 1]} : vector<256x20xf32> to vector<256x1xf32>
    %add3A_634 = arith.addf %add3A_632, %slice3A_633 : vector<256x1xf32>
    %slice3A_635 = vector.extract_strided_slice %select_n3A_623 {offsets = [0, 6], sizes = [256, 1], strides = [1, 1]} : vector<256x20xf32> to vector<256x1xf32>
    %add3A_636 = arith.addf %add3A_634, %slice3A_635 : vector<256x1xf32>
    %slice3A_637 = vector.extract_strided_slice %select_n3A_623 {offsets = [0, 7], sizes = [256, 1], strides = [1, 1]} : vector<256x20xf32> to vector<256x1xf32>
    %add3A_638 = arith.addf %add3A_636, %slice3A_637 : vector<256x1xf32>
    %slice3A_639 = vector.extract_strided_slice %select_n3A_623 {offsets = [0, 8], sizes = [256, 1], strides = [1, 1]} : vector<256x20xf32> to vector<256x1xf32>
    %add3A_640 = arith.addf %add3A_638, %slice3A_639 : vector<256x1xf32>
    %slice3A_641 = vector.extract_strided_slice %select_n3A_623 {offsets = [0, 9], sizes = [256, 1], strides = [1, 1]} : vector<256x20xf32> to vector<256x1xf32>
    %add3A_642 = arith.addf %add3A_640, %slice3A_641 : vector<256x1xf32>
    %slice3A_643 = vector.extract_strided_slice %select_n3A_623 {offsets = [0, 10], sizes = [256, 1], strides = [1, 1]} : vector<256x20xf32> to vector<256x1xf32>
    %add3A_644 = arith.addf %add3A_642, %slice3A_643 : vector<256x1xf32>
    %slice3A_645 = vector.extract_strided_slice %select_n3A_623 {offsets = [0, 11], sizes = [256, 1], strides = [1, 1]} : vector<256x20xf32> to vector<256x1xf32>
    %add3A_646 = arith.addf %add3A_644, %slice3A_645 : vector<256x1xf32>
    %slice3A_647 = vector.extract_strided_slice %select_n3A_623 {offsets = [0, 12], sizes = [256, 1], strides = [1, 1]} : vector<256x20xf32> to vector<256x1xf32>
    %add3A_648 = arith.addf %add3A_646, %slice3A_647 : vector<256x1xf32>
    %slice3A_649 = vector.extract_strided_slice %select_n3A_623 {offsets = [0, 13], sizes = [256, 1], strides = [1, 1]} : vector<256x20xf32> to vector<256x1xf32>
    %add3A_650 = arith.addf %add3A_648, %slice3A_649 : vector<256x1xf32>
    %slice3A_651 = vector.extract_strided_slice %select_n3A_623 {offsets = [0, 14], sizes = [256, 1], strides = [1, 1]} : vector<256x20xf32> to vector<256x1xf32>
    %add3A_652 = arith.addf %add3A_650, %slice3A_651 : vector<256x1xf32>
    %slice3A_653 = vector.extract_strided_slice %select_n3A_623 {offsets = [0, 15], sizes = [256, 1], strides = [1, 1]} : vector<256x20xf32> to vector<256x1xf32>
    %add3A_654 = arith.addf %add3A_652, %slice3A_653 : vector<256x1xf32>
    %slice3A_655 = vector.extract_strided_slice %select_n3A_623 {offsets = [0, 16], sizes = [256, 1], strides = [1, 1]} : vector<256x20xf32> to vector<256x1xf32>
    %add3A_656 = arith.addf %add3A_654, %slice3A_655 : vector<256x1xf32>
    %slice3A_657 = vector.extract_strided_slice %select_n3A_623 {offsets = [0, 17], sizes = [256, 1], strides = [1, 1]} : vector<256x20xf32> to vector<256x1xf32>
    %add3A_658 = arith.addf %add3A_656, %slice3A_657 : vector<256x1xf32>
    %slice3A_659 = vector.extract_strided_slice %select_n3A_623 {offsets = [0, 18], sizes = [256, 1], strides = [1, 1]} : vector<256x20xf32> to vector<256x1xf32>
    %add3A_660 = arith.addf %add3A_658, %slice3A_659 : vector<256x1xf32>
    %slice3A_661 = vector.extract_strided_slice %select_n3A_623 {offsets = [0, 19], sizes = [256, 1], strides = [1, 1]} : vector<256x20xf32> to vector<256x1xf32>
    %add3A_662 = arith.addf %add3A_660, %slice3A_661 : vector<256x1xf32>
    %get3A_663 = arith.constant 7 : index
    %get3A_664 = arith.constant 0 : index
    %get3A_665 = arith.constant 0 : index
    %get3A_666 = vector.load %arg1[%get3A_663, %get3A_664, %get3A_665] : memref<8x256x256xf32, #tpu.memory_space<vmem>>, vector<1x256x256xf32>
    %get3A_667 = vector.shape_cast %get3A_666 : vector<1x256x256xf32> to vector<256x256xf32>
    %slice3A_668 = vector.extract_strided_slice %get3A_667 {offsets = [0, 0], sizes = [256, 1], strides = [1, 1]} : vector<256x256xf32> to vector<256x1xf32>
    %slice3A_669 = vector.extract_strided_slice %get3A_1 {offsets = [0, 0], sizes = [256, 1], strides = [1, 1]} : vector<256x3xf32> to vector<256x1xf32>
    %sub3A_670 = arith.subf %slice3A_668, %slice3A_669 : vector<256x1xf32>
    %slice3A_671 = vector.extract_strided_slice %get3A_667 {offsets = [0, 1], sizes = [256, 1], strides = [1, 1]} : vector<256x256xf32> to vector<256x1xf32>
    %slice3A_672 = vector.extract_strided_slice %get3A_1 {offsets = [0, 1], sizes = [256, 1], strides = [1, 1]} : vector<256x3xf32> to vector<256x1xf32>
    %sub3A_673 = arith.subf %slice3A_671, %slice3A_672 : vector<256x1xf32>
    %slice3A_674 = vector.extract_strided_slice %get3A_667 {offsets = [0, 2], sizes = [256, 1], strides = [1, 1]} : vector<256x256xf32> to vector<256x1xf32>
    %slice3A_675 = vector.extract_strided_slice %get3A_1 {offsets = [0, 2], sizes = [256, 1], strides = [1, 1]} : vector<256x3xf32> to vector<256x1xf32>
    %sub3A_676 = arith.subf %slice3A_674, %slice3A_675 : vector<256x1xf32>
    %mul3A_677 = arith.mulf %sub3A_670, %sub3A_670 : vector<256x1xf32>
    %mul3A_678 = arith.mulf %sub3A_673, %sub3A_673 : vector<256x1xf32>
    %add3A_679 = arith.addf %mul3A_677, %mul3A_678 : vector<256x1xf32>
    %mul3A_680 = arith.mulf %sub3A_676, %sub3A_676 : vector<256x1xf32>
    %add3A_681 = arith.addf %add3A_679, %mul3A_680 : vector<256x1xf32>
    %sqrt3A_682 = math.sqrt %add3A_681 : vector<256x1xf32>
    %add3A_683 = arith.constant 9.99999993E-9 : f32
    %add3A_684 = vector.broadcast %add3A_683 : f32 to vector<256x1xf32>
    %add3A_685 = arith.addf %sqrt3A_682, %add3A_684 : vector<256x1xf32>
    %div3A_686 = arith.divf %sub3A_670, %add3A_685 : vector<256x1xf32>
    %div3A_687 = arith.divf %sub3A_673, %add3A_685 : vector<256x1xf32>
    %div3A_688 = arith.divf %sub3A_676, %add3A_685 : vector<256x1xf32>
    %slice3A_689 = vector.extract_strided_slice %get3A_667 {offsets = [0, 23], sizes = [256, 20], strides = [1, 1]} : vector<256x256xf32> to vector<256x20xf32>
    %slice3A_690 = vector.extract_strided_slice %get3A_667 {offsets = [0, 43], sizes = [256, 20], strides = [1, 1]} : vector<256x256xf32> to vector<256x20xf32>
    %slice3A_691 = vector.extract_strided_slice %get3A_667 {offsets = [0, 63], sizes = [256, 20], strides = [1, 1]} : vector<256x256xf32> to vector<256x20xf32>
    %mul3A_692 = arith.mulf %slice3A_689, %slice3A_689 : vector<256x20xf32>
    %mul3A_693 = arith.mulf %slice3A_690, %slice3A_690 : vector<256x20xf32>
    %add3A_694 = arith.addf %mul3A_692, %mul3A_693 : vector<256x20xf32>
    %mul3A_695 = arith.mulf %slice3A_691, %slice3A_691 : vector<256x20xf32>
    %add3A_696 = arith.addf %add3A_694, %mul3A_695 : vector<256x20xf32>
    %sqrt3A_697 = math.sqrt %add3A_696 : vector<256x20xf32>
    %add3A_698 = arith.constant 9.99999993E-9 : f32
    %add3A_699 = vector.broadcast %add3A_698 : f32 to vector<256x20xf32>
    %add3A_700 = arith.addf %sqrt3A_697, %add3A_699 : vector<256x20xf32>
    %div3A_701 = arith.divf %slice3A_689, %add3A_700 : vector<256x20xf32>
    %mul3A_702 = vector.broadcast %div3A_686 : vector<256x1xf32> to vector<256x20xf32>
    %mul3A_703 = arith.mulf %div3A_701, %mul3A_702 : vector<256x20xf32>
    %div3A_704 = arith.divf %slice3A_690, %add3A_700 : vector<256x20xf32>
    %mul3A_705 = vector.broadcast %div3A_687 : vector<256x1xf32> to vector<256x20xf32>
    %mul3A_706 = arith.mulf %div3A_704, %mul3A_705 : vector<256x20xf32>
    %add3A_707 = arith.addf %mul3A_703, %mul3A_706 : vector<256x20xf32>
    %div3A_708 = arith.divf %slice3A_691, %add3A_700 : vector<256x20xf32>
    %mul3A_709 = vector.broadcast %div3A_688 : vector<256x1xf32> to vector<256x20xf32>
    %mul3A_710 = arith.mulf %div3A_708, %mul3A_709 : vector<256x20xf32>
    %add3A_711 = arith.addf %add3A_707, %mul3A_710 : vector<256x20xf32>
    %abs3A_712 = math.absf %add3A_711 : vector<256x20xf32>
    %gt3A_713 = arith.constant 5.000000e-01 : f32
    %gt3A_714 = vector.broadcast %gt3A_713 : f32 to vector<256x20xf32>
    %gt3A_715 = arith.cmpf ogt, %abs3A_712, %gt3A_714 : vector<256x20xf32>
    %slice3A_716 = vector.extract_strided_slice %get3A_667 {offsets = [0, 3], sizes = [256, 20], strides = [1, 1]} : vector<256x256xf32> to vector<256x20xf32>
    %jit3A_717 = arith.constant 0.000000e+00 : f32
    %broadcast_in_dim3A_718 = vector.broadcast %jit3A_717 : f32 to vector<256x20xf32>
    %select_n3A_719 = arith.select %gt3A_715, %slice3A_716, %broadcast_in_dim3A_718 : vector<256x20xi1>, vector<256x20xf32>
    %slice3A_720 = vector.extract_strided_slice %select_n3A_719 {offsets = [0, 0], sizes = [256, 1], strides = [1, 1]} : vector<256x20xf32> to vector<256x1xf32>
    %slice3A_721 = vector.extract_strided_slice %select_n3A_719 {offsets = [0, 1], sizes = [256, 1], strides = [1, 1]} : vector<256x20xf32> to vector<256x1xf32>
    %add3A_722 = arith.addf %slice3A_720, %slice3A_721 : vector<256x1xf32>
    %slice3A_723 = vector.extract_strided_slice %select_n3A_719 {offsets = [0, 2], sizes = [256, 1], strides = [1, 1]} : vector<256x20xf32> to vector<256x1xf32>
    %add3A_724 = arith.addf %add3A_722, %slice3A_723 : vector<256x1xf32>
    %slice3A_725 = vector.extract_strided_slice %select_n3A_719 {offsets = [0, 3], sizes = [256, 1], strides = [1, 1]} : vector<256x20xf32> to vector<256x1xf32>
    %add3A_726 = arith.addf %add3A_724, %slice3A_725 : vector<256x1xf32>
    %slice3A_727 = vector.extract_strided_slice %select_n3A_719 {offsets = [0, 4], sizes = [256, 1], strides = [1, 1]} : vector<256x20xf32> to vector<256x1xf32>
    %add3A_728 = arith.addf %add3A_726, %slice3A_727 : vector<256x1xf32>
    %slice3A_729 = vector.extract_strided_slice %select_n3A_719 {offsets = [0, 5], sizes = [256, 1], strides = [1, 1]} : vector<256x20xf32> to vector<256x1xf32>
    %add3A_730 = arith.addf %add3A_728, %slice3A_729 : vector<256x1xf32>
    %slice3A_731 = vector.extract_strided_slice %select_n3A_719 {offsets = [0, 6], sizes = [256, 1], strides = [1, 1]} : vector<256x20xf32> to vector<256x1xf32>
    %add3A_732 = arith.addf %add3A_730, %slice3A_731 : vector<256x1xf32>
    %slice3A_733 = vector.extract_strided_slice %select_n3A_719 {offsets = [0, 7], sizes = [256, 1], strides = [1, 1]} : vector<256x20xf32> to vector<256x1xf32>
    %add3A_734 = arith.addf %add3A_732, %slice3A_733 : vector<256x1xf32>
    %slice3A_735 = vector.extract_strided_slice %select_n3A_719 {offsets = [0, 8], sizes = [256, 1], strides = [1, 1]} : vector<256x20xf32> to vector<256x1xf32>
    %add3A_736 = arith.addf %add3A_734, %slice3A_735 : vector<256x1xf32>
    %slice3A_737 = vector.extract_strided_slice %select_n3A_719 {offsets = [0, 9], sizes = [256, 1], strides = [1, 1]} : vector<256x20xf32> to vector<256x1xf32>
    %add3A_738 = arith.addf %add3A_736, %slice3A_737 : vector<256x1xf32>
    %slice3A_739 = vector.extract_strided_slice %select_n3A_719 {offsets = [0, 10], sizes = [256, 1], strides = [1, 1]} : vector<256x20xf32> to vector<256x1xf32>
    %add3A_740 = arith.addf %add3A_738, %slice3A_739 : vector<256x1xf32>
    %slice3A_741 = vector.extract_strided_slice %select_n3A_719 {offsets = [0, 11], sizes = [256, 1], strides = [1, 1]} : vector<256x20xf32> to vector<256x1xf32>
    %add3A_742 = arith.addf %add3A_740, %slice3A_741 : vector<256x1xf32>
    %slice3A_743 = vector.extract_strided_slice %select_n3A_719 {offsets = [0, 12], sizes = [256, 1], strides = [1, 1]} : vector<256x20xf32> to vector<256x1xf32>
    %add3A_744 = arith.addf %add3A_742, %slice3A_743 : vector<256x1xf32>
    %slice3A_745 = vector.extract_strided_slice %select_n3A_719 {offsets = [0, 13], sizes = [256, 1], strides = [1, 1]} : vector<256x20xf32> to vector<256x1xf32>
    %add3A_746 = arith.addf %add3A_744, %slice3A_745 : vector<256x1xf32>
    %slice3A_747 = vector.extract_strided_slice %select_n3A_719 {offsets = [0, 14], sizes = [256, 1], strides = [1, 1]} : vector<256x20xf32> to vector<256x1xf32>
    %add3A_748 = arith.addf %add3A_746, %slice3A_747 : vector<256x1xf32>
    %slice3A_749 = vector.extract_strided_slice %select_n3A_719 {offsets = [0, 15], sizes = [256, 1], strides = [1, 1]} : vector<256x20xf32> to vector<256x1xf32>
    %add3A_750 = arith.addf %add3A_748, %slice3A_749 : vector<256x1xf32>
    %slice3A_751 = vector.extract_strided_slice %select_n3A_719 {offsets = [0, 16], sizes = [256, 1], strides = [1, 1]} : vector<256x20xf32> to vector<256x1xf32>
    %add3A_752 = arith.addf %add3A_750, %slice3A_751 : vector<256x1xf32>
    %slice3A_753 = vector.extract_strided_slice %select_n3A_719 {offsets = [0, 17], sizes = [256, 1], strides = [1, 1]} : vector<256x20xf32> to vector<256x1xf32>
    %add3A_754 = arith.addf %add3A_752, %slice3A_753 : vector<256x1xf32>
    %slice3A_755 = vector.extract_strided_slice %select_n3A_719 {offsets = [0, 18], sizes = [256, 1], strides = [1, 1]} : vector<256x20xf32> to vector<256x1xf32>
    %add3A_756 = arith.addf %add3A_754, %slice3A_755 : vector<256x1xf32>
    %slice3A_757 = vector.extract_strided_slice %select_n3A_719 {offsets = [0, 19], sizes = [256, 1], strides = [1, 1]} : vector<256x20xf32> to vector<256x1xf32>
    %add3A_758 = arith.addf %add3A_756, %slice3A_757 : vector<256x1xf32>
    %add3A_759 = arith.addf %add3A_86, %add3A_470 : vector<256x1xf32>
    %add3A_760 = arith.addf %add3A_182, %add3A_566 : vector<256x1xf32>
    %add3A_761 = arith.addf %add3A_278, %add3A_662 : vector<256x1xf32>
    %add3A_762 = arith.addf %add3A_374, %add3A_758 : vector<256x1xf32>
    %add3A_763 = arith.addf %add3A_759, %add3A_761 : vector<256x1xf32>
    %add3A_764 = arith.addf %add3A_760, %add3A_762 : vector<256x1xf32>
    %add3A_765 = arith.addf %add3A_763, %add3A_764 : vector<256x1xf32>
    %add3A_766 = arith.constant 9.99999993E-9 : f32
    %add3A_767 = vector.broadcast %add3A_766 : f32 to vector<256x1xf32>
    %add3A_768 = arith.addf %add3A_765, %add3A_767 : vector<256x1xf32>
    %div3A_769 = arith.divf %add3A_86, %add3A_768 : vector<256x1xf32>
    %add3A_770 = arith.constant 9.99999997E-7 : f32
    %add3A_771 = vector.broadcast %add3A_770 : f32 to vector<256x1xf32>
    %add3A_772 = arith.addf %div3A_769, %add3A_771 : vector<256x1xf32>
    %add3A_773 = arith.constant 1.000000e-10 : f32
    %add3A_774 = vector.broadcast %add3A_773 : f32 to vector<256x1xf32>
    %add3A_775 = arith.addf %add3A_772, %add3A_774 : vector<256x1xf32>
    %div3A_776 = arith.divf %add3A_182, %add3A_768 : vector<256x1xf32>
    %add3A_777 = arith.constant 9.99999997E-7 : f32
    %add3A_778 = vector.broadcast %add3A_777 : f32 to vector<256x1xf32>
    %add3A_779 = arith.addf %div3A_776, %add3A_778 : vector<256x1xf32>
    %add3A_780 = arith.constant 1.000000e-10 : f32
    %add3A_781 = vector.broadcast %add3A_780 : f32 to vector<256x1xf32>
    %add3A_782 = arith.addf %add3A_779, %add3A_781 : vector<256x1xf32>
    %div3A_783 = arith.divf %add3A_278, %add3A_768 : vector<256x1xf32>
    %add3A_784 = arith.constant 9.99999997E-7 : f32
    %add3A_785 = vector.broadcast %add3A_784 : f32 to vector<256x1xf32>
    %add3A_786 = arith.addf %div3A_783, %add3A_785 : vector<256x1xf32>
    %add3A_787 = arith.constant 1.000000e-10 : f32
    %add3A_788 = vector.broadcast %add3A_787 : f32 to vector<256x1xf32>
    %add3A_789 = arith.addf %add3A_786, %add3A_788 : vector<256x1xf32>
    %div3A_790 = arith.divf %add3A_374, %add3A_768 : vector<256x1xf32>
    %add3A_791 = arith.constant 9.99999997E-7 : f32
    %add3A_792 = vector.broadcast %add3A_791 : f32 to vector<256x1xf32>
    %add3A_793 = arith.addf %div3A_790, %add3A_792 : vector<256x1xf32>
    %add3A_794 = arith.constant 1.000000e-10 : f32
    %add3A_795 = vector.broadcast %add3A_794 : f32 to vector<256x1xf32>
    %add3A_796 = arith.addf %add3A_793, %add3A_795 : vector<256x1xf32>
    %div3A_797 = arith.divf %add3A_470, %add3A_768 : vector<256x1xf32>
    %add3A_798 = arith.constant 9.99999997E-7 : f32
    %add3A_799 = vector.broadcast %add3A_798 : f32 to vector<256x1xf32>
    %add3A_800 = arith.addf %div3A_797, %add3A_799 : vector<256x1xf32>
    %add3A_801 = arith.constant 1.000000e-10 : f32
    %add3A_802 = vector.broadcast %add3A_801 : f32 to vector<256x1xf32>
    %add3A_803 = arith.addf %add3A_800, %add3A_802 : vector<256x1xf32>
    %div3A_804 = arith.divf %add3A_566, %add3A_768 : vector<256x1xf32>
    %add3A_805 = arith.constant 9.99999997E-7 : f32
    %add3A_806 = vector.broadcast %add3A_805 : f32 to vector<256x1xf32>
    %add3A_807 = arith.addf %div3A_804, %add3A_806 : vector<256x1xf32>
    %add3A_808 = arith.constant 1.000000e-10 : f32
    %add3A_809 = vector.broadcast %add3A_808 : f32 to vector<256x1xf32>
    %add3A_810 = arith.addf %add3A_807, %add3A_809 : vector<256x1xf32>
    %div3A_811 = arith.divf %add3A_662, %add3A_768 : vector<256x1xf32>
    %add3A_812 = arith.constant 9.99999997E-7 : f32
    %add3A_813 = vector.broadcast %add3A_812 : f32 to vector<256x1xf32>
    %add3A_814 = arith.addf %div3A_811, %add3A_813 : vector<256x1xf32>
    %add3A_815 = arith.constant 1.000000e-10 : f32
    %add3A_816 = vector.broadcast %add3A_815 : f32 to vector<256x1xf32>
    %add3A_817 = arith.addf %add3A_814, %add3A_816 : vector<256x1xf32>
    %div3A_818 = arith.divf %add3A_758, %add3A_768 : vector<256x1xf32>
    %add3A_819 = arith.constant 9.99999997E-7 : f32
    %add3A_820 = vector.broadcast %add3A_819 : f32 to vector<256x1xf32>
    %add3A_821 = arith.addf %div3A_818, %add3A_820 : vector<256x1xf32>
    %add3A_822 = arith.constant 1.000000e-10 : f32
    %add3A_823 = vector.broadcast %add3A_822 : f32 to vector<256x1xf32>
    %add3A_824 = arith.addf %add3A_821, %add3A_823 : vector<256x1xf32>
    %add3A_825 = arith.addf %add3A_775, %add3A_803 : vector<256x1xf32>
    %add3A_826 = arith.addf %add3A_782, %add3A_810 : vector<256x1xf32>
    %add3A_827 = arith.addf %add3A_789, %add3A_817 : vector<256x1xf32>
    %add3A_828 = arith.addf %add3A_796, %add3A_824 : vector<256x1xf32>
    %add3A_829 = arith.addf %add3A_825, %add3A_827 : vector<256x1xf32>
    %add3A_830 = arith.addf %add3A_826, %add3A_828 : vector<256x1xf32>
    %add3A_831 = arith.addf %add3A_829, %add3A_830 : vector<256x1xf32>
    %add3A_832 = arith.constant 9.99999993E-9 : f32
    %add3A_833 = vector.broadcast %add3A_832 : f32 to vector<256x1xf32>
    %add3A_834 = arith.addf %add3A_831, %add3A_833 : vector<256x1xf32>
    %broadcast_in_dim3A_835 = arith.constant 0.000000e+00 : f32
    %broadcast_in_dim3A_836 = vector.broadcast %broadcast_in_dim3A_835 : f32 to vector<256x64xf32>
    %get3A_837 = arith.constant 0 : index
    %get3A_838 = arith.constant 0 : index
    %get3A_839 = arith.constant 0 : index
    %get3A_840 = vector.load %arg1[%get3A_837, %get3A_838, %get3A_839] : memref<8x256x256xf32, #tpu.memory_space<vmem>>, vector<1x256x256xf32>
    %get3A_841 = vector.shape_cast %get3A_840 : vector<1x256x256xf32> to vector<256x256xf32>
    %slice3A_842 = vector.extract_strided_slice %get3A_841 {offsets = [0, 83], sizes = [256, 64], strides = [1, 1]} : vector<256x256xf32> to vector<256x64xf32>
    %div3A_843 = arith.divf %add3A_775, %add3A_834 : vector<256x1xf32>
    %mul3A_844 = vector.broadcast %div3A_843 : vector<256x1xf32> to vector<256x64xf32>
    %mul3A_845 = arith.mulf %slice3A_842, %mul3A_844 : vector<256x64xf32>
    %add3A_846 = arith.addf %broadcast_in_dim3A_836, %mul3A_845 : vector<256x64xf32>
    %get3A_847 = arith.constant 1 : index
    %get3A_848 = arith.constant 0 : index
    %get3A_849 = arith.constant 0 : index
    %get3A_850 = vector.load %arg1[%get3A_847, %get3A_848, %get3A_849] : memref<8x256x256xf32, #tpu.memory_space<vmem>>, vector<1x256x256xf32>
    %get3A_851 = vector.shape_cast %get3A_850 : vector<1x256x256xf32> to vector<256x256xf32>
    %slice3A_852 = vector.extract_strided_slice %get3A_851 {offsets = [0, 83], sizes = [256, 64], strides = [1, 1]} : vector<256x256xf32> to vector<256x64xf32>
    %div3A_853 = arith.divf %add3A_782, %add3A_834 : vector<256x1xf32>
    %mul3A_854 = vector.broadcast %div3A_853 : vector<256x1xf32> to vector<256x64xf32>
    %mul3A_855 = arith.mulf %slice3A_852, %mul3A_854 : vector<256x64xf32>
    %add3A_856 = arith.addf %add3A_846, %mul3A_855 : vector<256x64xf32>
    %get3A_857 = arith.constant 2 : index
    %get3A_858 = arith.constant 0 : index
    %get3A_859 = arith.constant 0 : index
    %get3A_860 = vector.load %arg1[%get3A_857, %get3A_858, %get3A_859] : memref<8x256x256xf32, #tpu.memory_space<vmem>>, vector<1x256x256xf32>
    %get3A_861 = vector.shape_cast %get3A_860 : vector<1x256x256xf32> to vector<256x256xf32>
    %slice3A_862 = vector.extract_strided_slice %get3A_861 {offsets = [0, 83], sizes = [256, 64], strides = [1, 1]} : vector<256x256xf32> to vector<256x64xf32>
    %div3A_863 = arith.divf %add3A_789, %add3A_834 : vector<256x1xf32>
    %mul3A_864 = vector.broadcast %div3A_863 : vector<256x1xf32> to vector<256x64xf32>
    %mul3A_865 = arith.mulf %slice3A_862, %mul3A_864 : vector<256x64xf32>
    %add3A_866 = arith.addf %add3A_856, %mul3A_865 : vector<256x64xf32>
    %get3A_867 = arith.constant 3 : index
    %get3A_868 = arith.constant 0 : index
    %get3A_869 = arith.constant 0 : index
    %get3A_870 = vector.load %arg1[%get3A_867, %get3A_868, %get3A_869] : memref<8x256x256xf32, #tpu.memory_space<vmem>>, vector<1x256x256xf32>
    %get3A_871 = vector.shape_cast %get3A_870 : vector<1x256x256xf32> to vector<256x256xf32>
    %slice3A_872 = vector.extract_strided_slice %get3A_871 {offsets = [0, 83], sizes = [256, 64], strides = [1, 1]} : vector<256x256xf32> to vector<256x64xf32>
    %div3A_873 = arith.divf %add3A_796, %add3A_834 : vector<256x1xf32>
    %mul3A_874 = vector.broadcast %div3A_873 : vector<256x1xf32> to vector<256x64xf32>
    %mul3A_875 = arith.mulf %slice3A_872, %mul3A_874 : vector<256x64xf32>
    %add3A_876 = arith.addf %add3A_866, %mul3A_875 : vector<256x64xf32>
    %get3A_877 = arith.constant 4 : index
    %get3A_878 = arith.constant 0 : index
    %get3A_879 = arith.constant 0 : index
    %get3A_880 = vector.load %arg1[%get3A_877, %get3A_878, %get3A_879] : memref<8x256x256xf32, #tpu.memory_space<vmem>>, vector<1x256x256xf32>
    %get3A_881 = vector.shape_cast %get3A_880 : vector<1x256x256xf32> to vector<256x256xf32>
    %slice3A_882 = vector.extract_strided_slice %get3A_881 {offsets = [0, 83], sizes = [256, 64], strides = [1, 1]} : vector<256x256xf32> to vector<256x64xf32>
    %div3A_883 = arith.divf %add3A_803, %add3A_834 : vector<256x1xf32>
    %mul3A_884 = vector.broadcast %div3A_883 : vector<256x1xf32> to vector<256x64xf32>
    %mul3A_885 = arith.mulf %slice3A_882, %mul3A_884 : vector<256x64xf32>
    %add3A_886 = arith.addf %add3A_876, %mul3A_885 : vector<256x64xf32>
    %get3A_887 = arith.constant 5 : index
    %get3A_888 = arith.constant 0 : index
    %get3A_889 = arith.constant 0 : index
    %get3A_890 = vector.load %arg1[%get3A_887, %get3A_888, %get3A_889] : memref<8x256x256xf32, #tpu.memory_space<vmem>>, vector<1x256x256xf32>
    %get3A_891 = vector.shape_cast %get3A_890 : vector<1x256x256xf32> to vector<256x256xf32>
    %slice3A_892 = vector.extract_strided_slice %get3A_891 {offsets = [0, 83], sizes = [256, 64], strides = [1, 1]} : vector<256x256xf32> to vector<256x64xf32>
    %div3A_893 = arith.divf %add3A_810, %add3A_834 : vector<256x1xf32>
    %mul3A_894 = vector.broadcast %div3A_893 : vector<256x1xf32> to vector<256x64xf32>
    %mul3A_895 = arith.mulf %slice3A_892, %mul3A_894 : vector<256x64xf32>
    %add3A_896 = arith.addf %add3A_886, %mul3A_895 : vector<256x64xf32>
    %get3A_897 = arith.constant 6 : index
    %get3A_898 = arith.constant 0 : index
    %get3A_899 = arith.constant 0 : index
    %get3A_900 = vector.load %arg1[%get3A_897, %get3A_898, %get3A_899] : memref<8x256x256xf32, #tpu.memory_space<vmem>>, vector<1x256x256xf32>
    %get3A_901 = vector.shape_cast %get3A_900 : vector<1x256x256xf32> to vector<256x256xf32>
    %slice3A_902 = vector.extract_strided_slice %get3A_901 {offsets = [0, 83], sizes = [256, 64], strides = [1, 1]} : vector<256x256xf32> to vector<256x64xf32>
    %div3A_903 = arith.divf %add3A_817, %add3A_834 : vector<256x1xf32>
    %mul3A_904 = vector.broadcast %div3A_903 : vector<256x1xf32> to vector<256x64xf32>
    %mul3A_905 = arith.mulf %slice3A_902, %mul3A_904 : vector<256x64xf32>
    %add3A_906 = arith.addf %add3A_896, %mul3A_905 : vector<256x64xf32>
    %get3A_907 = arith.constant 7 : index
    %get3A_908 = arith.constant 0 : index
    %get3A_909 = arith.constant 0 : index
    %get3A_910 = vector.load %arg1[%get3A_907, %get3A_908, %get3A_909] : memref<8x256x256xf32, #tpu.memory_space<vmem>>, vector<1x256x256xf32>
    %get3A_911 = vector.shape_cast %get3A_910 : vector<1x256x256xf32> to vector<256x256xf32>
    %slice3A_912 = vector.extract_strided_slice %get3A_911 {offsets = [0, 83], sizes = [256, 64], strides = [1, 1]} : vector<256x256xf32> to vector<256x64xf32>
    %div3A_913 = arith.divf %add3A_824, %add3A_834 : vector<256x1xf32>
    %mul3A_914 = vector.broadcast %div3A_913 : vector<256x1xf32> to vector<256x64xf32>
    %mul3A_915 = arith.mulf %slice3A_912, %mul3A_914 : vector<256x64xf32>
    %add3A_916 = arith.addf %add3A_906, %mul3A_915 : vector<256x64xf32>
    %swap3A = arith.constant 0 : index
    %swap3A_917 = arith.constant 0 : index
    %swap3A_918 = vector.load %arg3[%swap3A, %swap3A_917] : memref<256x64xf32, #tpu.memory_space<vmem>>, vector<256x64xf32>
    tpu.vector_store %arg3[%swap3A, %swap3A_917], %add3A_916 {strides = array<i32>} : memref<256x64xf32, #tpu.memory_space<vmem>>, vector<256x64xf32>,
    %swap3A_919 = arith.constant 0 : index
    %swap3A_920 = arith.constant 0 : index
    %swap3A_921 = vector.load %arg4[%swap3A_919, %swap3A_920] : memref<256x1xf32, #tpu.memory_space<vmem>>, vector<256x1xf32>
    tpu.vector_store %arg4[%swap3A_919, %swap3A_920], %add3A_768 {strides = array<i32>} : memref<256x1xf32, #tpu.memory_space<vmem>>, vector<256x1xf32>,
    return
  }
  func.func @transform_0(%arg0: i32) -> (i32, i32, i32) {
    %c0_i32 = arith.constant 0 : i32
    %c0_i32_0 = arith.constant 0 : i32
    %c0_i32_1 = arith.constant 0 : i32
    return %c0_i32, %arg0, %c0_i32_0 : i32, i32, i32
  }
  func.func @transform_1(%arg0: i32) -> (i32, i32) {
    %add3A = arith.constant 32 : i32
    %add3A_0 = arith.addi %arg0, %add3A : i32
    %c0_i32 = arith.constant 0 : i32
    %c0_i32_1 = arith.constant 0 : i32
    return %add3A_0, %c0_i32 : i32, i32
  }
  func.func @transform_2(%arg0: i32) -> (i32, i32) {
    %c0_i32 = arith.constant 0 : i32
    %c0_i32_0 = arith.constant 0 : i32
    return %arg0, %c0_i32 : i32, i32
  }
  func.func @transform_3(%arg0: i32) -> (i32, i32) {
    %c0_i32 = arith.constant 0 : i32
    %c0_i32_0 = arith.constant 0 : i32
    return %arg0, %c0_i32 : i32, i32
  }
}

module attributes {stable_mosaic.version = 14 : i64} {
  func.func @_combine_body(%arg0: i32, %arg1: memref<2048x64xf32, #tpu.memory_space<vmem>>, %arg2: memref<2048x1xf32, #tpu.memory_space<vmem>>, %arg3: memref<2048x64xf32, #tpu.memory_space<vmem>>, %arg4: memref<1x1xf32, #tpu.memory_space<smem>>, %arg5: memref<2048x64xf32, #tpu.memory_space<vmem>>) attributes {dimension_semantics = [#tpu.dimension_semantics<arbitrary>], iteration_bounds = array<i64: 8>, scalar_prefetch = 0 : i64, scratch_operands = 0 : i64, tpu.core_type = #tpu.core_type<tc>, window_params = [{transform_indices = @transform_0, window_bounds = array<i64: 2048, 64>}, {transform_indices = @transform_1, window_bounds = array<i64: 2048, 1>}, {transform_indices = @transform_2, window_bounds = array<i64: 2048, 64>}, {transform_indices = @transform_3, window_bounds = array<i64: 1, 1>}, {transform_indices = @transform_4, window_bounds = array<i64: 2048, 64>}]} {
    %get3A = arith.constant 0 : index
    %get3A_0 = arith.constant 0 : index
    %get3A_1 = vector.load %arg1[%get3A, %get3A_0] : memref<2048x64xf32, #tpu.memory_space<vmem>>, vector<2048x64xf32>
    %get3A_2 = arith.constant 0 : index
    %get3A_3 = arith.constant 0 : index
    %get3A_4 = vector.load %arg2[%get3A_2, %get3A_3] : memref<2048x1xf32, #tpu.memory_space<vmem>>, vector<2048x1xf32>
    %mul3A = vector.broadcast %get3A_4 : vector<2048x1xf32> to vector<2048x64xf32>
    %mul3A_5 = arith.mulf %get3A_1, %mul3A : vector<2048x64xf32>
    %get3A_6 = arith.constant 0 : index
    %get3A_7 = arith.constant 0 : index
    %get3A_8 = memref.load %arg4[%get3A_6, %get3A_7] : memref<1x1xf32, #tpu.memory_space<smem>>
    %get3A_9 = arith.constant 0 : index
    %get3A_10 = arith.constant 0 : index
    %get3A_11 = vector.load %arg3[%get3A_9, %get3A_10] : memref<2048x64xf32, #tpu.memory_space<vmem>>, vector<2048x64xf32>
    %mul3A_12 = vector.broadcast %get3A_8 : f32 to vector<2048x64xf32>
    %mul3A_13 = arith.mulf %mul3A_12, %get3A_11 : vector<2048x64xf32>
    %add3A = arith.addf %mul3A_5, %mul3A_13 : vector<2048x64xf32>
    %swap3A = arith.constant 0 : index
    %swap3A_14 = arith.constant 0 : index
    %swap3A_15 = vector.load %arg5[%swap3A, %swap3A_14] : memref<2048x64xf32, #tpu.memory_space<vmem>>, vector<2048x64xf32>
    tpu.vector_store %arg5[%swap3A, %swap3A_14], %add3A {strides = array<i32>} : memref<2048x64xf32, #tpu.memory_space<vmem>>, vector<2048x64xf32>,
    return
  }
  func.func @transform_0(%arg0: i32) -> (i32, i32) {
    %c0_i32 = arith.constant 0 : i32
    %c0_i32_0 = arith.constant 0 : i32
    return %arg0, %c0_i32 : i32, i32
  }
  func.func @transform_1(%arg0: i32) -> (i32, i32) {
    %c0_i32 = arith.constant 0 : i32
    %c0_i32_0 = arith.constant 0 : i32
    return %arg0, %c0_i32 : i32, i32
  }
  func.func @transform_2(%arg0: i32) -> (i32, i32) {
    %c0_i32 = arith.constant 0 : i32
    %c0_i32_0 = arith.constant 0 : i32
    return %arg0, %c0_i32 : i32, i32
  }
  func.func @transform_3(%arg0: i32) -> (i32, i32) {
    %c0_i32 = arith.constant 0 : i32
    %c0_i32_0 = arith.constant 0 : i32
    %c0_i32_1 = arith.constant 0 : i32
    return %c0_i32, %c0_i32_0 : i32, i32
  }
  func.func @transform_4(%arg0: i32) -> (i32, i32) {
    %c0_i32 = arith.constant 0 : i32
    %c0_i32_0 = arith.constant 0 : i32
    return %arg0, %c0_i32 : i32, i32
  }
}

</mosaic_0001>

<sc_bundles>
// kernel: kernel.12.cloned.1.call-start
scs
__scs_entry_jumppad:
0x0: {  	(pc) =	sbr.rel $0x88, $3  }
0x1: {  	(tag) =	ssettag $0x0;
	lr =	simm.s32 $0x1  }
0x2: {  	[smem:$0x3F9B] =	sst lr;
	_ =	strace $0xD0000000  }
0x3: {  	_ = 	snop  }
0x4: {  	_ = 	snop  }
0x5: {  	_ = 	snop  }
0x6: {  	_ = 	snop  }
0x7: {  	_ = 	snop  }
__scs_overlays_trampoline_lowered:
0x8: {  	[smem:$0x3FAA] =	sst s0  }
0x9: {  	[smem:$0x3FAB] =	sst s1  }
0xa: {  	[smem:$0x3FAC] =	sst s2  }
0xb: {  	[smem:$0x3FAD] =	sst s3  }
0xc: {  	[smem:$0x3FAE] =	sst s4  }
0xd: {  	[smem:$0x3FAF] =	sst s5  }
0xe: {  	[smem:$0x3FB0] =	sst s6  }
0xf: {  	[smem:$0x3FB1] =	sst s7  }
0x10: {  	[smem:$0x3FB2] =	sst s8  }
0x11: {  	[smem:$0x3FB3] =	sst s9;
	s0 =	simm.s32 @!p0 $0x0  }
0x12: {  	s1 =	sld [smem:$0x3F99];
	s0 =	simm.s32 @p0 $0x1  }
0x13: {  	[smem:$0x3FB4] =	sst s0;
	s0 =	simm.s32 @!p1 $0x0  }
0x14: {  	s2 =	sld [smem:$0x3F98];
	s0 =	simm.s32 @p1 $0x1  }
0x15: {  	[smem:$0x3FB5] =	sst s0;
	s0 =	simm.s32 @!p2 $0x0  }
0x16: {  	s3 =	sld [smem:$0x3FDB];
	s0 =	simm.s32 @p2 $0x1  }
0x17: {  	s4 =	simm.s32 $0x1BF5;
	[smem:$0x3FB7] =	sst s0  }
0x18: {  	s0 =	sld [smem:$0x3F9A];
	_ =	swait.ge [sflag:s4], $0x0  }
0x19: {  	s7 =	sld [smem:$0x3F9B]  }
0x1a: {  	s8 =	sadd.s32 $0xFFFFE003, lr  }
0x1b: {  	s9 =	sadd.s32 $0xFFFFFEF7, lr;
	s5 =	simm.s32 $0xFFFFFFFF;
	p2 =	slt.u32 s8, $0xFFFFF086  }
0x1c: {  	p1 =	slt.u32 s9, $0xF7A;
	s5 =	simm.s32 @!p2 $0x0  }
0x1d: {  	s5 =	simm.s32 @p1 $0x1;
	p0 =	seq.s32 s7, s2  }
0x1e: {  	s7 =	smul.u32 @!p0 $0xF7A, s2;
	p2 =	seq.s32 @!p0 s5, $0x0  }
0x1f: {  	s9 =	smul.u32 $0xF7A, s1;
	s8 =	simm.s32 @!p0 $0x1BF5;
	p2 =	por !p2, p0  }
0x20: {  	[sflag:s8] =	ssyncset.s32 @!p0 $0xFFFFF086;
	s6 =	sadd.s32 @!p0 s3, s7;
	s7 =	simm.s32 @!p0 $0x108  }
0x21: {  	s3 =	sadd.s32 s3, s9;
	s6 =	sadd.s32 @!p0 $0x88, s6;
	s7 =	simm.s32 @p2 $0x1082  }
0x22: {  	[simem:s7], [sflag:s8] =	dma.local @!p0 [hbm:s6], $0xF7A  }
0x23: {  	s9 =	sor.u32 $0xD0000000, s2;
	s6 =	simm.s32 $0x108;
	_ =	swait.ge @!p0 [sflag:s8], $0x0  }
0x24: {  	s3 =	sadd.s32 $0x88, s3;
	s6 =	simm.s32 @!p1 $0x1082;
	[sflag:s4] =	ssyncset.s32 $0xFFFFF086  }
0x25: {  	[simem:s6], [sflag:s4] =	dma.local [hbm:s3], $0xF7A  }
0x26: {  	[smem:$0x3F9B] =	sst s1;
	(tag) =	ssettag s2;
	_ =	strace s9  }
0x27: {  	s1 =	sld [smem:$0x3FAB]  }
0x28: {  	s2 =	sld [smem:$0x3FAC]  }
0x29: {  	s4 =	sld [smem:$0x3FAE]  }
0x2a: {  	p0 =	seq.s32 s5, $0x0;
	s5 =	sld [smem:$0x3FAF]  }
0x2b: {  	s6 =	sld [smem:$0x3FB0]  }
0x2c: {  	s7 =	sld [smem:$0x3FB1]  }
0x2d: {  	s3 =	simm.s32 $0x108;
	s8 =	sld [smem:$0x3FB2]  }
0x2e: {  	s3 =	simm.s32 @!p0 $0x1082;
	s9 =	sld [smem:$0x3FB3]  }
0x2f: {  	lr =	sadd.s32 s0, s3;
	s0 =	sld [smem:$0x3FAA]  }
0x30: {  	s3 =	sld [smem:$0x3FAD]  }
0x31: {  	[smem:$0x3FB6] =	sst s10  }
0x32: {  	s10 =	sld [smem:$0x3FB4];
	_ =	sdelay $0x3  }
0x33: {  	p0 =	seq.s32 s10, $0x1;
	s10 =	sld [smem:$0x3FB6];
	_ =	sdelay $0x3  }
0x34: {  	[smem:$0x3FB6] =	sst s10  }
0x35: {  	s10 =	sld [smem:$0x3FB5];
	_ =	sdelay $0x3  }
0x36: {  	p1 =	seq.s32 s10, $0x1;
	s10 =	sld [smem:$0x3FB6];
	_ =	sdelay $0x3  }
0x37: {  	[smem:$0x3FB6] =	sst s10  }
0x38: {  	s10 =	sld [smem:$0x3FB7]  }
0x39: {  	_ = 	snop;
	(pc) =	sbr.ind lr, $3  }
0x3a: {  	_ = 	snop  }
0x3b: {  	_ = 	snop  }
0x3c: {  	p2 =	seq.s32 s10, $0x1;
	s10 =	sld [smem:$0x3FB6]  }
0x3d: {  	_ =	shalt  }
0x3e: {  	_ =	shalt  }
0x3f: {  	_ =	shalt  }
0x40: {  	_ =	shalt  }
0x41: {  	_ =	shalt  }
0x42: {  	_ =	shalt  }
0x43: {  	_ =	shalt  }
0x44: {  	_ =	shalt  }
0x45: {  	_ =	shalt  }
0x46: {  	_ =	shalt  }
0x47: {  	_ =	shalt  }
0x48: {  	_ =	shalt  }
0x49: {  	_ =	shalt  }
0x4a: {  	_ =	shalt  }
0x4b: {  	_ =	shalt  }
0x4c: {  	_ =	shalt  }
0x4d: {  	_ =	shalt  }
0x4e: {  	_ =	shalt  }
0x4f: {  	_ =	shalt  }
0x50: {  	_ =	shalt  }
0x51: {  	_ =	shalt  }
0x52: {  	_ =	shalt  }
0x53: {  	_ =	shalt  }
0x54: {  	_ =	shalt  }
0x55: {  	_ =	shalt  }
0x56: {  	_ =	shalt  }
0x57: {  	_ =	shalt  }
0x58: {  	_ =	shalt  }
0x59: {  	_ =	shalt  }
0x5a: {  	_ =	shalt  }
0x5b: {  	_ =	shalt  }
0x5c: {  	_ =	shalt  }
0x5d: {  	_ =	shalt  }
0x5e: {  	_ =	shalt  }
0x5f: {  	_ =	shalt  }
0x60: {  	_ =	shalt  }
0x61: {  	_ =	shalt  }
0x62: {  	_ =	shalt  }
0x63: {  	_ =	shalt  }
0x64: {  	_ =	shalt  }
0x65: {  	_ =	shalt  }
0x66: {  	_ =	shalt  }
0x67: {  	_ =	shalt  }
0x68: {  	_ =	shalt  }
0x69: {  	_ =	shalt  }
0x6a: {  	_ =	shalt  }
0x6b: {  	_ =	shalt  }
0x6c: {  	_ =	shalt  }
0x6d: {  	_ =	shalt  }
0x6e: {  	_ =	shalt  }
0x6f: {  	_ =	shalt  }
0x70: {  	_ =	shalt  }
0x71: {  	_ =	shalt  }
0x72: {  	_ =	shalt  }
0x73: {  	_ =	shalt  }
0x74: {  	_ =	shalt  }
0x75: {  	_ =	shalt  }
0x76: {  	_ =	shalt  }
0x77: {  	_ =	shalt  }
0x78: {  	_ =	shalt  }
0x79: {  	_ =	shalt  }
0x7a: {  	_ =	shalt  }
0x7b: {  	_ =	shalt  }
0x7c: {  	_ =	shalt  }
0x7d: {  	_ =	shalt  }
0x7e: {  	_ =	shalt  }
0x7f: {  	_ =	shalt  }
0x80: {  	_ =	shalt  }
0x81: {  	_ =	shalt  }
0x82: {  	_ =	shalt  }
0x83: {  	_ =	shalt  }
0x84: {  	_ =	shalt  }
0x85: {  	_ =	shalt  }
0x86: {  	_ =	shalt  }
0x87: {  	_ =	shalt  }
.Lfunc_end0:
.L_simem_size_0:
called_computation.1_lowered:
.L_overlay_start_0:
0x88: {  	s2 =	sld [smem:$0x3FD9]  }
0x89: {  	s3 =	sld [smem:$0x3FFE];
	_ =	sdelay $0x1  }
0x8a: {  	s1 =	srdreg.scid  }
0x8b: {  	s0 =	sand.u32 $0x1, s1  }
0x8c: {  	s17 =	sshll.u32 s0, $0xA;
	s2 =	sadd.s32 s3, s2  }
0x8d: {  	s2 =	sadd.s32 s2, s17  }
0x8e: {  	[smem:$0x3FC2] =	sst s2  }
0x8f: {  	_ = 	snop  }
0x90: {  	s18 =	sld [smem:$0x3FD0];
	(tm) =	ssettm $0x1  }
0x91: {  	s19 =	sld [smem:$0x3FFB];
	_ =	sdelay $0x3  }
0x92: {  	_ =	strace s19  }
0x93: {  	s2 =	sld [smem:$0x3FFC];
	_ =	sdelay $0x3  }
0x94: {  	_ =	strace s2  }
0x95: {  	s2 =	sld [smem:$0x3FFD];
	_ =	sdelay $0x3  }
0x96: {  	_ =	strace s2  }
0x97: {  	_ =	strace $0x8FFFFFFF  }
0x98: {  	s20 =	sld [smem:$0x3FDB];
	_ =	sdelay $0x1  }
0x99: {  	s4 =	simm.s32 $_scs_section_size  }
0x9a: {  	s5 =	simm.s32 $_size__tile_overlayer_lowered;
	s6 =	simm.s32 $_tile_overlayer_lowered  }
0x9b: {  	s7 =	simm.s32 $0x1BFF;
	s21 =	sshll.u32 s6, $0x1;
	s4 =	sadd.s32 s4, s20  }
0x9c: {  	s22 =	simm.s32 $0x0;
	s5 =	sshll.u32 s5, $0x1;
	s6 =	sadd.s32 s21, s4  }
0x9d: {  	[timem:s22], [sflag:s7] =	dma.local [hbm:s6], s5  }
0x9e: {  	_ =	swait.ge [sflag:s7], s5  }
0x9f: {  	s5 =	ssub.s32 $0x0, s5;
	[sflag:s7] =	ssyncset.done $0x0  }
0xa0: {  	[sflag:s7] =	ssyncadd.s32 s5;
	_ =	sdelay $0x1  }
0xa1: {  	s23 =	simm.s32 $0x1B8B  }
0xa2: {  	_ =	swait.ge [sflag:s23], $0x1  }
0xa3: {  	[sflag:s23] =	ssyncset.done $0x0  }
0xa4: {  	[sflag:s23] =	ssyncadd.s32 $0xFFFFFFFF  }
0xa5: {  	s5 =	sld [smem:$0x0]  }
0xa6: {  	s6 =	sand.u32 $0xFFFFFFFE, s1  }
0xa7: {  	p0 =	sne.s32 s1, s6  }
0xa8: {  	s6 =	sshll.u32 @p0 s6, $0xE  }
0xa9: {  	s6 =	sadd.s32 @p0 $0x11B8D, s6;
	s7 =	sshll.u32 @p0 s5, $0x11  }
0xaa: {  	s6 =	sor.u32 @p0 s7, s6  }
0xab: {  	[sflag:s6] =	ssyncadd.remote.s32 @p0 $0x1;
	_ =	sdelay $0x1  }
0xac: {  	s6 =	simm.s32 @p0 $0x1B8D  }
0xad: {  	_ =	swait.eq @p0 [sflag:s6], $0x1  }
0xae: {  	[sflag:s6] =	ssyncadd.s32 @p0 $0xFFFFFFFF  }
0xaf: {  	s7 =	sshll.u32 @!p0 s1, $0xE  }
0xb0: {  	s7 =	sor.u32 @!p0 $0x4000, s7;
	s6 =	simm.s32 @!p0 $0x1B8D  }
0xb1: {  	s5 =	sshll.u32 @!p0 s5, $0x11;
	s7 =	sadd.s32 @!p0 $0x11B8D, s7;
	_ =	swait.eq @!p0 [sflag:s6], $0x1  }
0xb2: {  	s5 =	sor.u32 @!p0 s5, s7;
	[sflag:s6] =	ssyncadd.s32 @!p0 $0xFFFFFFFF  }
0xb3: {  	s25 =	simm.s32 $0x1B8E;
	s24 =	sld [smem:$0x3FFE];
	[sflag:s5] =	ssyncadd.remote.s32 @!p0 $0x1  }
0xb4: {  	s26 =	simm.s32 $execute0_lowered;
	[smem:$0x3FD2] =	sst s25  }
0xb5: {  	s6 =	sshll.u32 s26, $0x1;
	_ =	strace $0x80000049;
	[dreg:$0x1] =	wrdreg $0xFFFFFFFF  }
0xb6: {  	s28 =	simm.s32 $_size_execute0_lowered;
	s4 =	sadd.s32 s4, s6;
	[dreg:$0x0] =	wrdreg $0x0  }
0xb7: {  	s6 =	sshll.u32 s28, $0x1;
	[dreg:$0x2] =	wrdreg s4  }
0xb8: {  	[dreg:$0x3] =	wrdreg s6  }
0xb9: {  	[dreg:$0x4] =	wrdreg $0xC0  }
0xba: {  	_ =	task [dreg:s22], $0x5FFFF  }
0xbb: {  	[dreg:$0x1] =	wrdreg $0xFFFFFFFF  }
0xbc: {  	[dreg:$0x0] =	wrdreg $0x60  }
0xbd: {  	[dreg:$0x2] =	wrdreg s18  }
0xbe: {  	[dreg:$0x3] =	wrdreg s24  }
0xbf: {  	[dreg:$0x4] =	wrdreg $0xA  }
0xc0: {  	_ =	task.clear_ibuf [dreg:s22], $0x5FFFF;
	_ =	strace $0x90000049  }
0xc1: {  	s29 =	simm.s32 $0xA;
	_ =	strace $0x8000004B  }
0xc2: {  	_ =	swait.ge [sflag:s29], $0x1  }
0xc3: {  	[sflag:s29] =	ssyncadd.s32 $0xFFFFFFFF  }
0xc4: {  	_ =	strace $0x9000004B  }
0xc5: {  	_ =	sfence  }
0xc6: {  	s30 =	sld [smem:$0x0];
	_ =	sdelay $0x2  }
0xc7: {  	s31 =	sshll.u32 s1, $0xD;
	s1 =	sshrl.u32 s1, $0x2  }
0xc8: {  	s4 =	sand.u32 $0x4000, s31;
	s1 =	sadd.s32 s1, s30  }
0xc9: {  	s0 =	sor.u32 s4, s0;
	s1 =	sshll.u32 s1, $0x11  }
0xca: {  	s0 =	sor.u32 s1, s0  }
0xcb: {  	s0 =	sadd.s32 $0x8F2B, s0  }
0xcc: {  	[sflag:s0] =	ssyncadd.remote.s32 $0x1  }
0xcd: {  	_ =	sfence.sel $0xFFFF  }
0xce: {  	[dreg:$0x0] =	wrdreg $0xFFFFFFFF;
	(pc) =	sbr.abs _section_cstart, $3  }
0xcf: {  	[dreg:$0x1] =	wrdreg $0xFFFFFFFF  }
0xd0: {  	_ =	task.clear_ibuf [dreg:s22], $0x2FFFF;
	_ =	strace $0x9FFFFFFF  }
0xd1: {  	(tm) =	ssettm $0x7FFFFFFF  }
tec
execute0_lowered:
.L_overlay_start_1:
0x0: {  	(tag) =	ssettag $0x1  }
0x1: {  	s0 =	srdreg.scid;
	s2 =	rddreg [dreg:$0x0]  }
0x2: {  	s5 =	stileid.u32;
	s4 =	rddreg [dreg:$0x1];
	s16 =	simm.s32 $0x900  }
0x3: {  	s18 =	simm.s32 $0x1100;
	s19 =	simm.s32 $0x1900;
	s20 =	simm.s32 $0x2100  }
0x4: {  	s21 =	simm.s32 $0x2900;
	s22 =	simm.s32 $0x3100;
	s23 =	simm.s32 $0x3900  }
0x5: {  	s24 =	simm.s32 $0x4100;
	s25 =	simm.s32 $0x4900;
	s0 =	sand.u32 $0x1, s0  }
0x6: {  	s7 =	simm.s32 $0x100;
	s1 =	sshll.u32 s5, $0xC;
	s3 =	sshll.u32 s0, $0xB  }
0x7: {  	s26 =	simm.s32 $0x5100;
	s1 =	sor.u32 s3, s1;
	s3 =	simm.s32 $0x0  }
0x8: {  	s8 =	simm.s32 $0x5900;
	s9 =	simm.s32 $0x6100;
	[smem:$0x7FF] =	sst s3  }
0x9: {  	s10 =	simm.s32 $0x6900;
	_ =	strace $0x8000004A;
	[dreg:$0x4] =	wrdreg s16  }
0xa: {  	s11 =	simm.s32 $0x7100;
	s5 =	sshll.u32 s5, $0x11;
	[dreg:$0x5] =	wrdreg s18  }
0xb: {  	s12 =	simm.s32 $0x7900;
	s5 =	sadd.s32 s5, s4;
	[dreg:$0x6] =	wrdreg s19  }
0xc: {  	s17 =	ssub.s32 $0x2, s0;
	s0 =	sshll.u32 s0, $0x10;
	[dreg:$0x7] =	wrdreg s20  }
0xd: {  	s13 =	simm.s32 $0x8100;
	s0 =	sadd.s32 s0, s5;
	[dreg:$0x8] =	wrdreg s21  }
0xe: {  	s14 =	simm.s32 $0x8900;
	s0 =	sadd.s32 $0x42C00, s0;
	[dreg:$0x9] =	wrdreg s22  }
0xf: {  	s15 =	simm.s32 $0x9100;
	s28 =	simm.s32 $0xF100;
	[dreg:$0xf] =	wrdreg s0  }
0x10: {  	s29 =	simm.s32 $0xF900;
	s30 =	simm.s32 $0x1;
	[dreg:$0xa] =	wrdreg s23  }
0x11: {  	s31 =	simm.s32 $0x0;
	s1 =	sshrl.u32 s1, $0x3;
	[dreg:$0xb] =	wrdreg s24  }
0x12: {  	s6 =	sshrl.u32 s17, $0x1;
	s1 =	sadd.s32 s1, s4;
	[dreg:$0xc] =	wrdreg s25  }
0x13: {  	s4 =	ssub.s32 s17, s6;
	s6 =	simm.s32 $0x2;
	[dreg:$0xd] =	wrdreg s26  }
0x14: {  	s16 =	simm.s32 $0x9900;
	s17 =	simm.s32 $0xA100;
	s18 =	simm.s32 $0xA900  }
0x15: {  	s19 =	simm.s32 $0xB100;
	s20 =	simm.s32 $0xB900;
	s21 =	simm.s32 $0xC100  }
0x16: {  	v2 =	vlaneseq.u32;
	s22 =	simm.s32 $0xC900;
	s23 =	simm.s32 $0xD100;
	s1 =	sadd.s32 $0x40C00, s1  }
0x17: {  	vm0 =	vmmov $0xffff;
	v1 =	vshrl.u32 v2, $0x3;
	s24 =	simm.s32 $0xD900;
	s4 =	smax.u32 s4, $0x1;
	[dreg:$0x3] =	wrdreg s1  }
0x18: {  	v0 =	vand.u32 $0x7, v2;
	v2 =	vor.u32 $0x8, v2;
	v1 =	vmul.u32 $0x8, v1;
	s25 =	simm.s32 $0xE100;
	s26 =	simm.s32 $0xE900;
	[dreg:$0xe] =	wrdreg s4  }
.LBB2_1:
0x19: {  	s5 =	rddreg [dreg:$0xf];
	s0 =	simm.s32 $0x0  }
.LBB2_2:
0x1a: {  	s4 =	rddreg [dreg:$0x3]  }
0x1b: {  	s4 =	sadd.s32 s0, s4  }
0x1c: {  	[tilespmem:s3], [sflag:$0x2] =	stream.linear.gather [hbm4b:s4+s3], $0x100, $0x38;
	[tilespmem:$0x10100] =	vst v63  }
0x1d: {  	_ =	swait.ge [sflag:s6], $0x100  }
0x1e: {  	[sflag:s6] =	ssyncset.done $0x0  }
0x1f: {  	[sflag:s6] =	ssyncadd.s32 $0xFFFFFF00  }
0x20: {  	v3 =	vld [tilespmem:$0x0];
	_ =	sdelay $0x4  }
0x21: {  	v4 =	vshll.u32 v3, $0x1  }
0x22: {  	v3 =	vand.u32 $0x7, v3;
	v4 =	vand.u32 $0xFFFFFFF0, v4  }
0x23: {  	v3 =	vor.u32 v3, v4  }
0x24: {  	v4 =	vperm.xlane v3, v0;
	_ =	sdelay $0x1  }
0x25: {  	v3 =	vperm.xlane v3, v2;
	v4 =	vadd.s32 v1, v4;
	_ =	sdelay $0x1  }
0x26: {  	v3 =	vadd.s32 v1, v3;
	_ =	sdelay $0x2  }
0x27: {  	[tilespmem:s7], [sflag:$0x1] =	stream.indirect_vreg.gather [hbm4b:s2+s3], $0x80, v4, vm0, $0xb8;
	[tilespmem:$0x10100] =	vst v63  }
0x28: {  	s1 =	rddreg [dreg:$0x4]  }
0x29: {  	[tilespmem:s1], [sflag:$0x1] =	stream.indirect_vreg.gather [hbm4b:s2+s3], $0x80, v3, vm0, $0xb8;
	[tilespmem:$0x10100] =	vst v63  }
0x2a: {  	v3 =	vld [tilespmem:$0x10];
	_ =	sdelay $0x4  }
0x2b: {  	v49 =	vshll.u32 v3, $0x1  }
0x2c: {  	v3 =	vand.u32 $0x7, v3;
	v4 =	vand.u32 $0xFFFFFFF0, v49  }
0x2d: {  	v3 =	vor.u32 v3, v4  }
0x2e: {  	v4 =	vperm.xlane v3, v0;
	_ =	sdelay $0x1  }
0x2f: {  	v3 =	vperm.xlane v3, v2;
	v4 =	vadd.s32 v1, v4;
	_ =	sdelay $0x1  }
0x30: {  	v3 =	vadd.s32 v1, v3;
	_ =	sdelay $0x1  }
0x31: {  	s4 =	rddreg [dreg:$0x5]  }
0x32: {  	[tilespmem:s4], [sflag:$0x1] =	stream.indirect_vreg.gather [hbm4b:s2+s3], $0x80, v4, vm0, $0xb8;
	[tilespmem:$0x10100] =	vst v63  }
0x33: {  	s1 =	rddreg [dreg:$0x6]  }
0x34: {  	[tilespmem:s1], [sflag:$0x1] =	stream.indirect_vreg.gather [hbm4b:s2+s3], $0x80, v3, vm0, $0xb8;
	[tilespmem:$0x10100] =	vst v63  }
0x35: {  	v3 =	vld [tilespmem:$0x20];
	_ =	sdelay $0x4  }
0x36: {  	v50 =	vshll.u32 v3, $0x1  }
0x37: {  	v3 =	vand.u32 $0x7, v3;
	v4 =	vand.u32 $0xFFFFFFF0, v50  }
0x38: {  	v3 =	vor.u32 v3, v4  }
0x39: {  	v4 =	vperm.xlane v3, v0;
	_ =	sdelay $0x1  }
0x3a: {  	v3 =	vperm.xlane v3, v2;
	v4 =	vadd.s32 v1, v4;
	_ =	sdelay $0x1  }
0x3b: {  	v3 =	vadd.s32 v1, v3;
	_ =	sdelay $0x1  }
0x3c: {  	s1 =	rddreg [dreg:$0x7]  }
0x3d: {  	[tilespmem:s1], [sflag:$0x1] =	stream.indirect_vreg.gather [hbm4b:s2+s3], $0x80, v4, vm0, $0xb8;
	[tilespmem:$0x10100] =	vst v63  }
0x3e: {  	s4 =	rddreg [dreg:$0x8]  }
0x3f: {  	[tilespmem:s4], [sflag:$0x1] =	stream.indirect_vreg.gather [hbm4b:s2+s3], $0x80, v3, vm0, $0xb8;
	[tilespmem:$0x10100] =	vst v63  }
0x40: {  	v3 =	vld [tilespmem:$0x30];
	_ =	sdelay $0x4  }
0x41: {  	v51 =	vshll.u32 v3, $0x1  }
0x42: {  	v3 =	vand.u32 $0x7, v3;
	v4 =	vand.u32 $0xFFFFFFF0, v51  }
0x43: {  	v3 =	vor.u32 v3, v4  }
0x44: {  	v4 =	vperm.xlane v3, v0;
	_ =	sdelay $0x1  }
0x45: {  	v3 =	vperm.xlane v3, v2;
	v4 =	vadd.s32 v1, v4;
	_ =	sdelay $0x1  }
0x46: {  	v3 =	vadd.s32 v1, v3;
	_ =	sdelay $0x1  }
0x47: {  	s1 =	rddreg [dreg:$0x9]  }
0x48: {  	[tilespmem:s1], [sflag:$0x1] =	stream.indirect_vreg.gather [hbm4b:s2+s3], $0x80, v4, vm0, $0xb8;
	[tilespmem:$0x10100] =	vst v63  }
0x49: {  	s4 =	rddreg [dreg:$0xa]  }
0x4a: {  	[tilespmem:s4], [sflag:$0x1] =	stream.indirect_vreg.gather [hbm4b:s2+s3], $0x80, v3, vm0, $0xb8;
	[tilespmem:$0x10100] =	vst v63  }
0x4b: {  	v3 =	vld [tilespmem:$0x40];
	_ =	sdelay $0x4  }
0x4c: {  	v52 =	vshll.u32 v3, $0x1  }
0x4d: {  	v3 =	vand.u32 $0x7, v3;
	v4 =	vand.u32 $0xFFFFFFF0, v52  }
0x4e: {  	v3 =	vor.u32 v3, v4  }
0x4f: {  	v4 =	vperm.xlane v3, v0;
	_ =	sdelay $0x1  }
0x50: {  	v3 =	vperm.xlane v3, v2;
	v4 =	vadd.s32 v1, v4;
	_ =	sdelay $0x1  }
0x51: {  	v3 =	vadd.s32 v1, v3;
	_ =	sdelay $0x1  }
0x52: {  	s1 =	rddreg [dreg:$0xb]  }
0x53: {  	[tilespmem:s1], [sflag:$0x1] =	stream.indirect_vreg.gather [hbm4b:s2+s3], $0x80, v4, vm0, $0xb8;
	[tilespmem:$0x10100] =	vst v63  }
0x54: {  	s4 =	rddreg [dreg:$0xc]  }
0x55: {  	[tilespmem:s4], [sflag:$0x1] =	stream.indirect_vreg.gather [hbm4b:s2+s3], $0x80, v3, vm0, $0xb8;
	[tilespmem:$0x10100] =	vst v63  }
0x56: {  	v3 =	vld [tilespmem:$0x50];
	_ =	sdelay $0x4  }
0x57: {  	v53 =	vshll.u32 v3, $0x1  }
0x58: {  	v3 =	vand.u32 $0x7, v3;
	v4 =	vand.u32 $0xFFFFFFF0, v53  }
0x59: {  	v3 =	vor.u32 v3, v4  }
0x5a: {  	v4 =	vperm.xlane v3, v0;
	_ =	sdelay $0x1  }
0x5b: {  	v3 =	vperm.xlane v3, v2;
	v4 =	vadd.s32 v1, v4;
	_ =	sdelay $0x1  }
0x5c: {  	v3 =	vadd.s32 v1, v3;
	_ =	sdelay $0x1  }
0x5d: {  	s4 =	rddreg [dreg:$0xd]  }
0x5e: {  	[tilespmem:s4], [sflag:$0x1] =	stream.indirect_vreg.gather [hbm4b:s2+s3], $0x80, v4, vm0, $0xb8;
	[tilespmem:$0x10100] =	vst v63  }
0x5f: {  	_ = 	snop  }
0x60: {  	[tilespmem:s8], [sflag:$0x1] =	stream.indirect_vreg.gather [hbm4b:s2+s3], $0x80, v3, vm0, $0xb8;
	[tilespmem:$0x10100] =	vst v63  }
0x61: {  	v3 =	vld [tilespmem:$0x60];
	_ =	sdelay $0x4  }
0x62: {  	v54 =	vshll.u32 v3, $0x1  }
0x63: {  	v3 =	vand.u32 $0x7, v3;
	v4 =	vand.u32 $0xFFFFFFF0, v54  }
0x64: {  	v3 =	vor.u32 v3, v4  }
0x65: {  	v4 =	vperm.xlane v3, v0;
	_ =	sdelay $0x1  }
0x66: {  	v3 =	vperm.xlane v3, v2;
	v4 =	vadd.s32 v1, v4;
	_ =	sdelay $0x1  }
0x67: {  	v3 =	vadd.s32 v1, v3;
	_ =	sdelay $0x2  }
0x68: {  	[tilespmem:s9], [sflag:$0x1] =	stream.indirect_vreg.gather [hbm4b:s2+s3], $0x80, v4, vm0, $0xb8;
	[tilespmem:$0x10100] =	vst v63  }
0x69: {  	_ = 	snop  }
0x6a: {  	[tilespmem:s10], [sflag:$0x1] =	stream.indirect_vreg.gather [hbm4b:s2+s3], $0x80, v3, vm0, $0xb8;
	[tilespmem:$0x10100] =	vst v63  }
0x6b: {  	v3 =	vld [tilespmem:$0x70];
	_ =	sdelay $0x4  }
0x6c: {  	v55 =	vshll.u32 v3, $0x1  }
0x6d: {  	v3 =	vand.u32 $0x7, v3;
	v4 =	vand.u32 $0xFFFFFFF0, v55  }
0x6e: {  	v3 =	vor.u32 v3, v4  }
0x6f: {  	v4 =	vperm.xlane v3, v0;
	_ =	sdelay $0x1  }
0x70: {  	v3 =	vperm.xlane v3, v2;
	v4 =	vadd.s32 v1, v4;
	_ =	sdelay $0x1  }
0x71: {  	v3 =	vadd.s32 v1, v3;
	_ =	sdelay $0x2  }
0x72: {  	[tilespmem:s11], [sflag:$0x1] =	stream.indirect_vreg.gather [hbm4b:s2+s3], $0x80, v4, vm0, $0xb8;
	[tilespmem:$0x10100] =	vst v63  }
0x73: {  	_ = 	snop  }
0x74: {  	[tilespmem:s12], [sflag:$0x1] =	stream.indirect_vreg.gather [hbm4b:s2+s3], $0x80, v3, vm0, $0xb8;
	[tilespmem:$0x10100] =	vst v63  }
0x75: {  	v3 =	vld [tilespmem:$0x80];
	_ =	sdelay $0x4  }
0x76: {  	v56 =	vshll.u32 v3, $0x1  }
0x77: {  	v3 =	vand.u32 $0x7, v3;
	v4 =	vand.u32 $0xFFFFFFF0, v56  }
0x78: {  	v3 =	vor.u32 v3, v4  }
0x79: {  	v4 =	vperm.xlane v3, v0;
	_ =	sdelay $0x1  }
0x7a: {  	v3 =	vperm.xlane v3, v2;
	v4 =	vadd.s32 v1, v4;
	_ =	sdelay $0x1  }
0x7b: {  	v3 =	vadd.s32 v1, v3;
	_ =	sdelay $0x2  }
0x7c: {  	[tilespmem:s13], [sflag:$0x1] =	stream.indirect_vreg.gather [hbm4b:s2+s3], $0x80, v4, vm0, $0xb8;
	[tilespmem:$0x10100] =	vst v63  }
0x7d: {  	_ = 	snop  }
0x7e: {  	[tilespmem:s14], [sflag:$0x1] =	stream.indirect_vreg.gather [hbm4b:s2+s3], $0x80, v3, vm0, $0xb8;
	[tilespmem:$0x10100] =	vst v63  }
0x7f: {  	v3 =	vld [tilespmem:$0x90];
	_ =	sdelay $0x4  }
0x80: {  	v57 =	vshll.u32 v3, $0x1  }
0x81: {  	v3 =	vand.u32 $0x7, v3;
	v4 =	vand.u32 $0xFFFFFFF0, v57  }
0x82: {  	v3 =	vor.u32 v3, v4  }
0x83: {  	v4 =	vperm.xlane v3, v0;
	_ =	sdelay $0x1  }
0x84: {  	v3 =	vperm.xlane v3, v2;
	v4 =	vadd.s32 v1, v4;
	_ =	sdelay $0x1  }
0x85: {  	v3 =	vadd.s32 v1, v3;
	_ =	sdelay $0x2  }
0x86: {  	[tilespmem:s15], [sflag:$0x1] =	stream.indirect_vreg.gather [hbm4b:s2+s3], $0x80, v4, vm0, $0xb8;
	[tilespmem:$0x10100] =	vst v63  }
0x87: {  	_ = 	snop  }
0x88: {  	[tilespmem:s16], [sflag:$0x1] =	stream.indirect_vreg.gather [hbm4b:s2+s3], $0x80, v3, vm0, $0xb8;
	[tilespmem:$0x10100] =	vst v63  }
0x89: {  	v3 =	vld [tilespmem:$0xA0];
	_ =	sdelay $0x4  }
0x8a: {  	v58 =	vshll.u32 v3, $0x1  }
0x8b: {  	v3 =	vand.u32 $0x7, v3;
	v4 =	vand.u32 $0xFFFFFFF0, v58  }
0x8c: {  	v3 =	vor.u32 v3, v4  }
0x8d: {  	v4 =	vperm.xlane v3, v0;
	_ =	sdelay $0x1  }
0x8e: {  	v3 =	vperm.xlane v3, v2;
	v4 =	vadd.s32 v1, v4;
	_ =	sdelay $0x1  }
0x8f: {  	v3 =	vadd.s32 v1, v3;
	_ =	sdelay $0x2  }
0x90: {  	[tilespmem:s17], [sflag:$0x1] =	stream.indirect_vreg.gather [hbm4b:s2+s3], $0x80, v4, vm0, $0xb8;
	[tilespmem:$0x10100] =	vst v63  }
0x91: {  	_ = 	snop  }
0x92: {  	[tilespmem:s18], [sflag:$0x1] =	stream.indirect_vreg.gather [hbm4b:s2+s3], $0x80, v3, vm0, $0xb8;
	[tilespmem:$0x10100] =	vst v63  }
0x93: {  	v3 =	vld [tilespmem:$0xB0];
	_ =	sdelay $0x4  }
0x94: {  	v59 =	vshll.u32 v3, $0x1  }
0x95: {  	v3 =	vand.u32 $0x7, v3;
	v4 =	vand.u32 $0xFFFFFFF0, v59  }
0x96: {  	v3 =	vor.u32 v3, v4  }
0x97: {  	v4 =	vperm.xlane v3, v0;
	_ =	sdelay $0x1  }
0x98: {  	v3 =	vperm.xlane v3, v2;
	v4 =	vadd.s32 v1, v4;
	_ =	sdelay $0x1  }
0x99: {  	v3 =	vadd.s32 v1, v3;
	_ =	sdelay $0x2  }
0x9a: {  	[tilespmem:s19], [sflag:$0x1] =	stream.indirect_vreg.gather [hbm4b:s2+s3], $0x80, v4, vm0, $0xb8;
	[tilespmem:$0x10100] =	vst v63  }
0x9b: {  	_ = 	snop  }
0x9c: {  	[tilespmem:s20], [sflag:$0x1] =	stream.indirect_vreg.gather [hbm4b:s2+s3], $0x80, v3, vm0, $0xb8;
	[tilespmem:$0x10100] =	vst v63  }
0x9d: {  	v3 =	vld [tilespmem:$0xC0];
	_ =	sdelay $0x4  }
0x9e: {  	v60 =	vshll.u32 v3, $0x1  }
0x9f: {  	v3 =	vand.u32 $0x7, v3;
	v4 =	vand.u32 $0xFFFFFFF0, v60  }
0xa0: {  	v3 =	vor.u32 v3, v4  }
0xa1: {  	v4 =	vperm.xlane v3, v0;
	_ =	sdelay $0x1  }
0xa2: {  	v3 =	vperm.xlane v3, v2;
	v4 =	vadd.s32 v1, v4;
	_ =	sdelay $0x1  }
0xa3: {  	v3 =	vadd.s32 v1, v3;
	_ =	sdelay $0x2  }
0xa4: {  	[tilespmem:s21], [sflag:$0x1] =	stream.indirect_vreg.gather [hbm4b:s2+s3], $0x80, v4, vm0, $0xb8;
	[tilespmem:$0x10100] =	vst v63  }
0xa5: {  	_ = 	snop  }
0xa6: {  	[tilespmem:s22], [sflag:$0x1] =	stream.indirect_vreg.gather [hbm4b:s2+s3], $0x80, v3, vm0, $0xb8;
	[tilespmem:$0x10100] =	vst v63  }
0xa7: {  	v3 =	vld [tilespmem:$0xD0];
	_ =	sdelay $0x4  }
0xa8: {  	v61 =	vshll.u32 v3, $0x1  }
0xa9: {  	v3 =	vand.u32 $0x7, v3;
	v4 =	vand.u32 $0xFFFFFFF0, v61  }
0xaa: {  	v3 =	vor.u32 v3, v4  }
0xab: {  	v4 =	vperm.xlane v3, v0;
	_ =	sdelay $0x1  }
0xac: {  	v3 =	vperm.xlane v3, v2;
	v4 =	vadd.s32 v1, v4;
	_ =	sdelay $0x1  }
0xad: {  	v3 =	vadd.s32 v1, v3;
	_ =	sdelay $0x2  }
0xae: {  	[tilespmem:s23], [sflag:$0x1] =	stream.indirect_vreg.gather [hbm4b:s2+s3], $0x80, v4, vm0, $0xb8;
	[tilespmem:$0x10100] =	vst v63  }
0xaf: {  	_ = 	snop  }
0xb0: {  	[tilespmem:s24], [sflag:$0x1] =	stream.indirect_vreg.gather [hbm4b:s2+s3], $0x80, v3, vm0, $0xb8;
	[tilespmem:$0x10100] =	vst v63  }
0xb1: {  	v3 =	vld [tilespmem:$0xE0];
	_ =	sdelay $0x4  }
0xb2: {  	v62 =	vshll.u32 v3, $0x1  }
0xb3: {  	v3 =	vand.u32 $0x7, v3;
	v4 =	vand.u32 $0xFFFFFFF0, v62  }
0xb4: {  	v3 =	vor.u32 v3, v4  }
0xb5: {  	v4 =	vperm.xlane v3, v0;
	_ =	sdelay $0x1  }
0xb6: {  	v3 =	vperm.xlane v3, v2;
	v4 =	vadd.s32 v1, v4;
	_ =	sdelay $0x1  }
0xb7: {  	v3 =	vadd.s32 v1, v3;
	_ =	sdelay $0x2  }
0xb8: {  	[tilespmem:s25], [sflag:$0x1] =	stream.indirect_vreg.gather [hbm4b:s2+s3], $0x80, v4, vm0, $0xb8;
	[tilespmem:$0x10100] =	vst v63  }
0xb9: {  	_ = 	snop  }
0xba: {  	[tilespmem:s26], [sflag:$0x1] =	stream.indirect_vreg.gather [hbm4b:s2+s3], $0x80, v3, vm0, $0xb8;
	[tilespmem:$0x10100] =	vst v63  }
0xbb: {  	v3 =	vld [tilespmem:$0xF0];
	_ =	sdelay $0x4  }
0xbc: {  	v63 =	vshll.u32 v3, $0x1  }
0xbd: {  	v3 =	vand.u32 $0x7, v3;
	v4 =	vand.u32 $0xFFFFFFF0, v63  }
0xbe: {  	v3 =	vor.u32 v3, v4  }
0xbf: {  	v4 =	vperm.xlane v3, v0;
	_ =	sdelay $0x1  }
0xc0: {  	v3 =	vperm.xlane v3, v2;
	v4 =	vadd.s32 v1, v4;
	_ =	sdelay $0x1  }
0xc1: {  	v3 =	vadd.s32 v1, v3;
	_ =	sdelay $0x2  }
0xc2: {  	[tilespmem:s28], [sflag:$0x1] =	stream.indirect_vreg.gather [hbm4b:s2+s3], $0x80, v4, vm0, $0xb8;
	[tilespmem:$0x10100] =	vst v63  }
0xc3: {  	_ = 	snop  }
0xc4: {  	[tilespmem:s29], [sflag:$0x1] =	stream.indirect_vreg.gather [hbm4b:s2+s3], $0x80, v3, vm0, $0xb8;
	[tilespmem:$0x10100] =	vst v63  }
0xc5: {  	_ =	swait.ge [sflag:s30], $0x10000  }
0xc6: {  	p0 =	sne.s32 s0, $0xE0;
	[sflag:s30] =	ssyncset.done $0x0  }
.Ltmp0:
0xc7: {  	[sflag:s30] =	ssyncadd.s32 $0xFFFF0000;
	(pc) =	sbr.rel @p0 .LBB2_2-.Ltmp0, $4  }
0xc8: {  	[hbm4b:s5+s3] =	stream.linear.scatter [tilespmem:s7], [sflag:$0x2], $0x10000, $0x38;
	[tilespmem:$0x10100] =	vst v63  }
0xc9: {  	_ =	swait.ge [sflag:s6], $0x10000  }
0xca: {  	[sflag:s6] =	ssyncset.done $0x0  }
0xcb: {  	s0 =	sadd.s32 $0x20, s0;
	s5 =	sadd.s32 $0x2000, s5;
	[sflag:s6] =	ssyncadd.s32 $0xFFFF0000  }
0xcc: {  	s31 =	sadd.s32 $0x1, s31;
	s0 =	rddreg [dreg:$0xe]  }
0xcd: {  	p0 =	sne.s32 s31, s0  }
.Ltmp1:
0xce: {  	_ = 	snop;
	(pc) =	sbr.rel @p0 .LBB2_1-.Ltmp1, $1  }
0xcf: {  	_ =	sdelay $0x3  }
0xd0: {  	_ =	sfence.sel $0x180000  }
0xd1: {  	[bflag:$0x0] =	sbarrier.arrive $0xFFFF  }
0xd2: {  	_ =	strace $0x9000004A  }
0xd3: {  	s0 =	stileid.u32;
	[bflag:$0x2] =	sbarrier.arrive $0xFFFF  }
0xd4: {  	p0 =	sne.s32 s0, $0x0;
	s0 =	rddreg [dreg:$0x2]  }
0xd5: {  	s0 =	sadd.s32 @!p0 $0x100000, s0  }
0xd6: {  	[sflag:s0] =	ssyncadd.tile.s32 @!p0 $0x1;
	_ =	shalt  }
.Lfunc_end2:
_tile_overlayer_lowered:
.L_overlay_start_2:
0xd7: {  	(tag) =	ssettag $0x2  }
0xd8: {  	s0 =	rddreg [dreg:$0x0];
	s2 =	stileid.u32  }
0xd9: {  	s1 =	rddreg [dreg:$0x1];
	p0 =	sne.s32 s2, $0x0  }
0xda: {  	s3 =	rddreg [dreg:$0x2];
	[bflag:$0x3] =	sbarrier.arrive $0xFFFF;
	s2 =	simm.s32 @!p0 $0x1C02  }
0xdb: {  	[timem:s3], [sflag:s2] =	dma.local @!p0 [hbm:s0], s1  }
0xdc: {  	s0 =	simm.s32 @!p0 $0x2  }
0xdd: {  	_ =	swait.ge @!p0 [sflag:s0], s1  }
0xde: {  	s1 =	ssub.s32 @!p0 $0x0, s1;
	[sflag:s0] =	ssyncset.done @!p0 $0x0  }
0xdf: {  	[sflag:s0] =	ssyncadd.s32 @!p0 s1  }
0xe0: {  	[bflag:$0x3] =	sbarrier.arrive $0xFFFF  }
0xe1: {  	_ =	shalt  }

// kernel: kernel.9.cloned.1.call-start
scs
__scs_entry_jumppad:
0x0: {  	(pc) =	sbr.rel $0x88, $3  }
0x1: {  	(tag) =	ssettag $0x0;
	lr =	simm.s32 $0x1  }
0x2: {  	[smem:$0x3F9B] =	sst lr;
	_ =	strace $0xD0000000  }
0x3: {  	_ = 	snop  }
0x4: {  	_ = 	snop  }
0x5: {  	_ = 	snop  }
0x6: {  	_ = 	snop  }
0x7: {  	_ = 	snop  }
__scs_overlays_trampoline_lowered:
0x8: {  	[smem:$0x3FAA] =	sst s0  }
0x9: {  	[smem:$0x3FAB] =	sst s1  }
0xa: {  	[smem:$0x3FAC] =	sst s2  }
0xb: {  	[smem:$0x3FAD] =	sst s3  }
0xc: {  	[smem:$0x3FAE] =	sst s4  }
0xd: {  	[smem:$0x3FAF] =	sst s5  }
0xe: {  	[smem:$0x3FB0] =	sst s6  }
0xf: {  	[smem:$0x3FB1] =	sst s7  }
0x10: {  	[smem:$0x3FB2] =	sst s8  }
0x11: {  	[smem:$0x3FB3] =	sst s9;
	s0 =	simm.s32 @!p0 $0x0  }
0x12: {  	s1 =	sld [smem:$0x3F99];
	s0 =	simm.s32 @p0 $0x1  }
0x13: {  	[smem:$0x3FB4] =	sst s0;
	s0 =	simm.s32 @!p1 $0x0  }
0x14: {  	s2 =	sld [smem:$0x3F98];
	s0 =	simm.s32 @p1 $0x1  }
0x15: {  	[smem:$0x3FB5] =	sst s0;
	s0 =	simm.s32 @!p2 $0x0  }
0x16: {  	s3 =	sld [smem:$0x3FDB];
	s0 =	simm.s32 @p2 $0x1  }
0x17: {  	s4 =	simm.s32 $0x1BF5;
	[smem:$0x3FB7] =	sst s0  }
0x18: {  	s0 =	sld [smem:$0x3F9A];
	_ =	swait.ge [sflag:s4], $0x0  }
0x19: {  	s7 =	sld [smem:$0x3F9B]  }
0x1a: {  	s8 =	sadd.s32 $0xFFFFE003, lr  }
0x1b: {  	s9 =	sadd.s32 $0xFFFFFEF7, lr;
	s5 =	simm.s32 $0xFFFFFFFF;
	p2 =	slt.u32 s8, $0xFFFFF086  }
0x1c: {  	p1 =	slt.u32 s9, $0xF7A;
	s5 =	simm.s32 @!p2 $0x0  }
0x1d: {  	s5 =	simm.s32 @p1 $0x1;
	p0 =	seq.s32 s7, s2  }
0x1e: {  	s7 =	smul.u32 @!p0 $0xF7A, s2;
	p2 =	seq.s32 @!p0 s5, $0x0  }
0x1f: {  	s9 =	smul.u32 $0xF7A, s1;
	s8 =	simm.s32 @!p0 $0x1BF5;
	p2 =	por !p2, p0  }
0x20: {  	[sflag:s8] =	ssyncset.s32 @!p0 $0xFFFFF086;
	s6 =	sadd.s32 @!p0 s3, s7;
	s7 =	simm.s32 @!p0 $0x108  }
0x21: {  	s3 =	sadd.s32 s3, s9;
	s6 =	sadd.s32 @!p0 $0x88, s6;
	s7 =	simm.s32 @p2 $0x1082  }
0x22: {  	[simem:s7], [sflag:s8] =	dma.local @!p0 [hbm:s6], $0xF7A  }
0x23: {  	s9 =	sor.u32 $0xD0000000, s2;
	s6 =	simm.s32 $0x108;
	_ =	swait.ge @!p0 [sflag:s8], $0x0  }
0x24: {  	s3 =	sadd.s32 $0x88, s3;
	s6 =	simm.s32 @!p1 $0x1082;
	[sflag:s4] =	ssyncset.s32 $0xFFFFF086  }
0x25: {  	[simem:s6], [sflag:s4] =	dma.local [hbm:s3], $0xF7A  }
0x26: {  	[smem:$0x3F9B] =	sst s1;
	(tag) =	ssettag s2;
	_ =	strace s9  }
0x27: {  	s1 =	sld [smem:$0x3FAB]  }
0x28: {  	s2 =	sld [smem:$0x3FAC]  }
0x29: {  	s4 =	sld [smem:$0x3FAE]  }
0x2a: {  	p0 =	seq.s32 s5, $0x0;
	s5 =	sld [smem:$0x3FAF]  }
0x2b: {  	s6 =	sld [smem:$0x3FB0]  }
0x2c: {  	s7 =	sld [smem:$0x3FB1]  }
0x2d: {  	s3 =	simm.s32 $0x108;
	s8 =	sld [smem:$0x3FB2]  }
0x2e: {  	s3 =	simm.s32 @!p0 $0x1082;
	s9 =	sld [smem:$0x3FB3]  }
0x2f: {  	lr =	sadd.s32 s0, s3;
	s0 =	sld [smem:$0x3FAA]  }
0x30: {  	s3 =	sld [smem:$0x3FAD]  }
0x31: {  	[smem:$0x3FB6] =	sst s10  }
0x32: {  	s10 =	sld [smem:$0x3FB4];
	_ =	sdelay $0x3  }
0x33: {  	p0 =	seq.s32 s10, $0x1;
	s10 =	sld [smem:$0x3FB6];
	_ =	sdelay $0x3  }
0x34: {  	[smem:$0x3FB6] =	sst s10  }
0x35: {  	s10 =	sld [smem:$0x3FB5];
	_ =	sdelay $0x3  }
0x36: {  	p1 =	seq.s32 s10, $0x1;
	s10 =	sld [smem:$0x3FB6];
	_ =	sdelay $0x3  }
0x37: {  	[smem:$0x3FB6] =	sst s10  }
0x38: {  	s10 =	sld [smem:$0x3FB7]  }
0x39: {  	_ = 	snop;
	(pc) =	sbr.ind lr, $3  }
0x3a: {  	_ = 	snop  }
0x3b: {  	_ = 	snop  }
0x3c: {  	p2 =	seq.s32 s10, $0x1;
	s10 =	sld [smem:$0x3FB6]  }
0x3d: {  	_ =	shalt  }
0x3e: {  	_ =	shalt  }
0x3f: {  	_ =	shalt  }
0x40: {  	_ =	shalt  }
0x41: {  	_ =	shalt  }
0x42: {  	_ =	shalt  }
0x43: {  	_ =	shalt  }
0x44: {  	_ =	shalt  }
0x45: {  	_ =	shalt  }
0x46: {  	_ =	shalt  }
0x47: {  	_ =	shalt  }
0x48: {  	_ =	shalt  }
0x49: {  	_ =	shalt  }
0x4a: {  	_ =	shalt  }
0x4b: {  	_ =	shalt  }
0x4c: {  	_ =	shalt  }
0x4d: {  	_ =	shalt  }
0x4e: {  	_ =	shalt  }
0x4f: {  	_ =	shalt  }
0x50: {  	_ =	shalt  }
0x51: {  	_ =	shalt  }
0x52: {  	_ =	shalt  }
0x53: {  	_ =	shalt  }
0x54: {  	_ =	shalt  }
0x55: {  	_ =	shalt  }
0x56: {  	_ =	shalt  }
0x57: {  	_ =	shalt  }
0x58: {  	_ =	shalt  }
0x59: {  	_ =	shalt  }
0x5a: {  	_ =	shalt  }
0x5b: {  	_ =	shalt  }
0x5c: {  	_ =	shalt  }
0x5d: {  	_ =	shalt  }
0x5e: {  	_ =	shalt  }
0x5f: {  	_ =	shalt  }
0x60: {  	_ =	shalt  }
0x61: {  	_ =	shalt  }
0x62: {  	_ =	shalt  }
0x63: {  	_ =	shalt  }
0x64: {  	_ =	shalt  }
0x65: {  	_ =	shalt  }
0x66: {  	_ =	shalt  }
0x67: {  	_ =	shalt  }
0x68: {  	_ =	shalt  }
0x69: {  	_ =	shalt  }
0x6a: {  	_ =	shalt  }
0x6b: {  	_ =	shalt  }
0x6c: {  	_ =	shalt  }
0x6d: {  	_ =	shalt  }
0x6e: {  	_ =	shalt  }
0x6f: {  	_ =	shalt  }
0x70: {  	_ =	shalt  }
0x71: {  	_ =	shalt  }
0x72: {  	_ =	shalt  }
0x73: {  	_ =	shalt  }
0x74: {  	_ =	shalt  }
0x75: {  	_ =	shalt  }
0x76: {  	_ =	shalt  }
0x77: {  	_ =	shalt  }
0x78: {  	_ =	shalt  }
0x79: {  	_ =	shalt  }
0x7a: {  	_ =	shalt  }
0x7b: {  	_ =	shalt  }
0x7c: {  	_ =	shalt  }
0x7d: {  	_ =	shalt  }
0x7e: {  	_ =	shalt  }
0x7f: {  	_ =	shalt  }
0x80: {  	_ =	shalt  }
0x81: {  	_ =	shalt  }
0x82: {  	_ =	shalt  }
0x83: {  	_ =	shalt  }
0x84: {  	_ =	shalt  }
0x85: {  	_ =	shalt  }
0x86: {  	_ =	shalt  }
0x87: {  	_ =	shalt  }
.Lfunc_end0:
.L_simem_size_0:
called_computation_lowered:
.L_overlay_start_0:
0x88: {  	s2 =	sld [smem:$0x3FD9]  }
0x89: {  	s3 =	sld [smem:$0x3FFE];
	_ =	sdelay $0x1  }
0x8a: {  	s1 =	srdreg.scid  }
0x8b: {  	s0 =	sand.u32 $0x1, s1  }
0x8c: {  	s17 =	sshll.u32 s0, $0xA;
	s2 =	sadd.s32 s3, s2  }
0x8d: {  	s2 =	sadd.s32 s2, s17  }
0x8e: {  	[smem:$0x3FC2] =	sst s2  }
0x8f: {  	_ = 	snop  }
0x90: {  	s2 =	sld [smem:$0x3FD0];
	(tm) =	ssettm $0x1  }
0x91: {  	s18 =	sld [smem:$0x3FFB];
	_ =	sdelay $0x3  }
0x92: {  	_ =	strace s18  }
0x93: {  	s3 =	sld [smem:$0x3FFC];
	_ =	sdelay $0x3  }
0x94: {  	_ =	strace s3  }
0x95: {  	s3 =	sld [smem:$0x3FFD];
	_ =	sdelay $0x3  }
0x96: {  	_ =	strace s3  }
0x97: {  	_ =	strace $0x8FFFFFFF  }
0x98: {  	s19 =	sld [smem:$0x3FDB];
	_ =	sdelay $0x1  }
0x99: {  	s4 =	simm.s32 $_scs_section_size  }
0x9a: {  	s5 =	simm.s32 $_size__tile_overlayer_lowered;
	s6 =	simm.s32 $_tile_overlayer_lowered  }
0x9b: {  	s22 =	simm.s32 $0x1BFF;
	s21 =	sshll.u32 s6, $0x1;
	s3 =	sadd.s32 s4, s19  }
0x9c: {  	s7 =	simm.s32 $0x0;
	s20 =	sshll.u32 s5, $0x1;
	s5 =	sadd.s32 s21, s3  }
0x9d: {  	[timem:s7], [sflag:s22] =	dma.local [hbm:s5], s20  }
0x9e: {  	_ =	swait.ge [sflag:s22], s20  }
0x9f: {  	s4 =	ssub.s32 $0x0, s20;
	[sflag:s22] =	ssyncset.done $0x0  }
0xa0: {  	[sflag:s22] =	ssyncadd.s32 s4;
	_ =	sdelay $0x1  }
0xa1: {  	s23 =	simm.s32 $0x1B8B  }
0xa2: {  	_ =	swait.ge [sflag:s23], $0x1  }
0xa3: {  	[sflag:s23] =	ssyncset.done $0x0  }
0xa4: {  	s25 =	simm.s32 $0x1B8E;
	s24 =	sld [smem:$0x3FFE];
	[sflag:s23] =	ssyncadd.s32 $0xFFFFFFFF  }
0xa5: {  	s26 =	simm.s32 $execute0_lowered;
	[smem:$0x3FD2] =	sst s25  }
0xa6: {  	s5 =	sshll.u32 s26, $0x1;
	_ =	strace $0x80000046;
	[dreg:$0x1] =	wrdreg $0xFFFFFFFF  }
0xa7: {  	s28 =	simm.s32 $_size_execute0_lowered;
	s3 =	sadd.s32 s3, s5;
	[dreg:$0x0] =	wrdreg $0x0  }
0xa8: {  	s5 =	sshll.u32 s28, $0x1;
	[dreg:$0x2] =	wrdreg s3  }
0xa9: {  	[dreg:$0x3] =	wrdreg s5  }
0xaa: {  	[dreg:$0x4] =	wrdreg $0xC0  }
0xab: {  	_ =	task [dreg:s7], $0x5FFFF  }
0xac: {  	[dreg:$0x1] =	wrdreg $0xFFFFFFFF  }
0xad: {  	[dreg:$0x0] =	wrdreg $0x60  }
0xae: {  	[dreg:$0x2] =	wrdreg s2  }
0xaf: {  	[dreg:$0x3] =	wrdreg s24  }
0xb0: {  	[dreg:$0x4] =	wrdreg $0x9  }
0xb1: {  	_ =	task.clear_ibuf [dreg:s7], $0x5FFFF;
	_ =	strace $0x90000046  }
0xb2: {  	s29 =	simm.s32 $0x9;
	_ =	strace $0x80000048  }
0xb3: {  	_ =	swait.ge [sflag:s29], $0x1  }
0xb4: {  	[sflag:s29] =	ssyncadd.s32 $0xFFFFFFFF  }
0xb5: {  	_ =	strace $0x90000048  }
0xb6: {  	_ =	sfence  }
0xb7: {  	s30 =	sld [smem:$0x0];
	_ =	sdelay $0x2  }
0xb8: {  	s31 =	sshll.u32 s1, $0xD;
	s1 =	sshrl.u32 s1, $0x2  }
0xb9: {  	s3 =	sand.u32 $0x4000, s31;
	s1 =	sadd.s32 s1, s30  }
0xba: {  	s0 =	sor.u32 s3, s0;
	s1 =	sshll.u32 s1, $0x11  }
0xbb: {  	s0 =	sor.u32 s1, s0  }
0xbc: {  	s0 =	sadd.s32 $0x8F2B, s0  }
0xbd: {  	[sflag:s0] =	ssyncadd.remote.s32 $0x1  }
0xbe: {  	_ =	sfence.sel $0xFFFF  }
0xbf: {  	[dreg:$0x0] =	wrdreg $0xFFFFFFFF;
	(pc) =	sbr.abs _section_cstart, $3  }
0xc0: {  	[dreg:$0x1] =	wrdreg $0xFFFFFFFF  }
0xc1: {  	_ =	task.clear_ibuf [dreg:s7], $0x2FFFF;
	_ =	strace $0x9FFFFFFF  }
0xc2: {  	(tm) =	ssettm $0x7FFFFFFF  }
0xc3: {  	_ =	shalt  }
tec
execute0_lowered:
.L_overlay_start_1:
0x0: {  	(tag) =	ssettag $0x1  }
0x1: {  	s0 =	srdreg.scid;
	s2 =	rddreg [dreg:$0x0]  }
0x2: {  	s6 =	stileid.u32;
	s1 =	rddreg [dreg:$0x1];
	s3 =	simm.s32 $0x0  }
0x3: {  	s14 =	simm.s32 $0x900;
	s16 =	simm.s32 $0x1100;
	s18 =	simm.s32 $0x1900  }
0x4: {  	s19 =	simm.s32 $0x2100;
	s21 =	simm.s32 $0x2900;
	s22 =	simm.s32 $0x3100  }
0x5: {  	s23 =	simm.s32 $0x3900;
	s24 =	simm.s32 $0x4100;
	[smem:$0x7FF] =	sst s3  }
0x6: {  	s25 =	simm.s32 $0x4900;
	_ =	strace $0x80000047;
	[dreg:$0x4] =	wrdreg s14  }
0x7: {  	s7 =	simm.s32 $0x100;
	s26 =	simm.s32 $0x5100;
	[dreg:$0x5] =	wrdreg s16  }
0x8: {  	s8 =	simm.s32 $0x5900;
	s9 =	simm.s32 $0x6100;
	[dreg:$0x6] =	wrdreg s18  }
0x9: {  	s10 =	simm.s32 $0x6900;
	s11 =	simm.s32 $0x7100;
	[dreg:$0x7] =	wrdreg s19  }
0xa: {  	s12 =	simm.s32 $0x7900;
	s28 =	simm.s32 $0xF100;
	[dreg:$0x8] =	wrdreg s21  }
0xb: {  	s29 =	simm.s32 $0xF900;
	s30 =	simm.s32 $0x1;
	[dreg:$0x9] =	wrdreg s22  }
0xc: {  	s31 =	simm.s32 $0x0;
	s0 =	sand.u32 $0x1, s0;
	[dreg:$0xa] =	wrdreg s23  }
0xd: {  	s4 =	sshll.u32 s6, $0xC;
	s13 =	sshll.u32 s6, $0x11;
	[dreg:$0xb] =	wrdreg s24  }
0xe: {  	s6 =	simm.s32 $0x2;
	s5 =	sshll.u32 s0, $0xB;
	[dreg:$0xc] =	wrdreg s25  }
0xf: {  	s15 =	ssub.s32 $0x2, s0;
	s0 =	sshll.u32 s0, $0x10;
	[dreg:$0xd] =	wrdreg s26  }
0x10: {  	s14 =	simm.s32 $0x8900;
	s16 =	simm.s32 $0x9900;
	s18 =	simm.s32 $0xA900  }
0x11: {  	s19 =	simm.s32 $0xB100;
	s21 =	simm.s32 $0xC100;
	s22 =	simm.s32 $0xC900  }
0x12: {  	s23 =	simm.s32 $0xD100;
	s24 =	simm.s32 $0xD900;
	s25 =	simm.s32 $0xE100  }
0x13: {  	s26 =	simm.s32 $0xE900;
	s4 =	sor.u32 s5, s4;
	s17 =	sshrl.u32 s15, $0x1  }
0x14: {  	s4 =	sshrl.u32 s4, $0x3;
	s5 =	ssub.s32 s15, s17;
	s15 =	simm.s32 $0x9100  }
0x15: {  	s4 =	sadd.s32 s4, s1;
	s1 =	sadd.s32 s13, s1;
	s20 =	smax.u32 s5, $0x1  }
0x16: {  	v2 =	vlaneseq.u32;
	s4 =	sadd.s32 $0x870C00, s4;
	[dreg:$0xe] =	wrdreg s20;
	s0 =	sadd.s32 s0, s1  }
0x17: {  	vm0 =	vmmov $0xffff;
	v1 =	vshrl.u32 v2, $0x3;
	s17 =	simm.s32 $0xA100;
	[dreg:$0x3] =	wrdreg s4;
	s0 =	sadd.s32 $0x872C00, s0  }
0x18: {  	v0 =	vand.u32 $0x7, v2;
	v2 =	vor.u32 $0x8, v2;
	v1 =	vmul.u32 $0x8, v1;
	s13 =	simm.s32 $0x8100;
	s20 =	simm.s32 $0xB900;
	[dreg:$0xf] =	wrdreg s0  }
.LBB2_1:
0x19: {  	s5 =	rddreg [dreg:$0xf];
	s0 =	simm.s32 $0x0  }
.LBB2_2:
0x1a: {  	s4 =	rddreg [dreg:$0x3]  }
0x1b: {  	s4 =	sadd.s32 s0, s4  }
0x1c: {  	[tilespmem:s3], [sflag:$0x2] =	stream.linear.gather [hbm4b:s4+s3], $0x100, $0x38;
	[tilespmem:$0x10100] =	vst v63  }
0x1d: {  	_ =	swait.ge [sflag:s6], $0x100  }
0x1e: {  	[sflag:s6] =	ssyncset.done $0x0  }
0x1f: {  	[sflag:s6] =	ssyncadd.s32 $0xFFFFFF00  }
0x20: {  	v3 =	vld [tilespmem:$0x0];
	_ =	sdelay $0x4  }
0x21: {  	v4 =	vshll.u32 v3, $0x1  }
0x22: {  	v3 =	vand.u32 $0x7, v3;
	v4 =	vand.u32 $0xFFFFFFF0, v4  }
0x23: {  	v3 =	vor.u32 v3, v4  }
0x24: {  	v4 =	vperm.xlane v3, v0;
	_ =	sdelay $0x1  }
0x25: {  	v3 =	vperm.xlane v3, v2;
	v4 =	vadd.s32 v1, v4;
	_ =	sdelay $0x1  }
0x26: {  	v3 =	vadd.s32 v1, v3;
	_ =	sdelay $0x2  }
0x27: {  	[tilespmem:s7], [sflag:$0x1] =	stream.indirect_vreg.gather [hbm4b:s2+s3], $0x80, v4, vm0, $0xb8;
	[tilespmem:$0x10100] =	vst v63  }
0x28: {  	s1 =	rddreg [dreg:$0x4]  }
0x29: {  	[tilespmem:s1], [sflag:$0x1] =	stream.indirect_vreg.gather [hbm4b:s2+s3], $0x80, v3, vm0, $0xb8;
	[tilespmem:$0x10100] =	vst v63  }
0x2a: {  	v3 =	vld [tilespmem:$0x10];
	_ =	sdelay $0x4  }
0x2b: {  	v49 =	vshll.u32 v3, $0x1  }
0x2c: {  	v3 =	vand.u32 $0x7, v3;
	v4 =	vand.u32 $0xFFFFFFF0, v49  }
0x2d: {  	v3 =	vor.u32 v3, v4  }
0x2e: {  	v4 =	vperm.xlane v3, v0;
	_ =	sdelay $0x1  }
0x2f: {  	v3 =	vperm.xlane v3, v2;
	v4 =	vadd.s32 v1, v4;
	_ =	sdelay $0x1  }
0x30: {  	v3 =	vadd.s32 v1, v3;
	_ =	sdelay $0x1  }
0x31: {  	s4 =	rddreg [dreg:$0x5]  }
0x32: {  	[tilespmem:s4], [sflag:$0x1] =	stream.indirect_vreg.gather [hbm4b:s2+s3], $0x80, v4, vm0, $0xb8;
	[tilespmem:$0x10100] =	vst v63  }
0x33: {  	s1 =	rddreg [dreg:$0x6]  }
0x34: {  	[tilespmem:s1], [sflag:$0x1] =	stream.indirect_vreg.gather [hbm4b:s2+s3], $0x80, v3, vm0, $0xb8;
	[tilespmem:$0x10100] =	vst v63  }
0x35: {  	v3 =	vld [tilespmem:$0x20];
	_ =	sdelay $0x4  }
0x36: {  	v50 =	vshll.u32 v3, $0x1  }
0x37: {  	v3 =	vand.u32 $0x7, v3;
	v4 =	vand.u32 $0xFFFFFFF0, v50  }
0x38: {  	v3 =	vor.u32 v3, v4  }
0x39: {  	v4 =	vperm.xlane v3, v0;
	_ =	sdelay $0x1  }
0x3a: {  	v3 =	vperm.xlane v3, v2;
	v4 =	vadd.s32 v1, v4;
	_ =	sdelay $0x1  }
0x3b: {  	v3 =	vadd.s32 v1, v3;
	_ =	sdelay $0x1  }
0x3c: {  	s1 =	rddreg [dreg:$0x7]  }
0x3d: {  	[tilespmem:s1], [sflag:$0x1] =	stream.indirect_vreg.gather [hbm4b:s2+s3], $0x80, v4, vm0, $0xb8;
	[tilespmem:$0x10100] =	vst v63  }
0x3e: {  	s4 =	rddreg [dreg:$0x8]  }
0x3f: {  	[tilespmem:s4], [sflag:$0x1] =	stream.indirect_vreg.gather [hbm4b:s2+s3], $0x80, v3, vm0, $0xb8;
	[tilespmem:$0x10100] =	vst v63  }
0x40: {  	v3 =	vld [tilespmem:$0x30];
	_ =	sdelay $0x4  }
0x41: {  	v51 =	vshll.u32 v3, $0x1  }
0x42: {  	v3 =	vand.u32 $0x7, v3;
	v4 =	vand.u32 $0xFFFFFFF0, v51  }
0x43: {  	v3 =	vor.u32 v3, v4  }
0x44: {  	v4 =	vperm.xlane v3, v0;
	_ =	sdelay $0x1  }
0x45: {  	v3 =	vperm.xlane v3, v2;
	v4 =	vadd.s32 v1, v4;
	_ =	sdelay $0x1  }
0x46: {  	v3 =	vadd.s32 v1, v3;
	_ =	sdelay $0x1  }
0x47: {  	s1 =	rddreg [dreg:$0x9]  }
0x48: {  	[tilespmem:s1], [sflag:$0x1] =	stream.indirect_vreg.gather [hbm4b:s2+s3], $0x80, v4, vm0, $0xb8;
	[tilespmem:$0x10100] =	vst v63  }
0x49: {  	s4 =	rddreg [dreg:$0xa]  }
0x4a: {  	[tilespmem:s4], [sflag:$0x1] =	stream.indirect_vreg.gather [hbm4b:s2+s3], $0x80, v3, vm0, $0xb8;
	[tilespmem:$0x10100] =	vst v63  }
0x4b: {  	v3 =	vld [tilespmem:$0x40];
	_ =	sdelay $0x4  }
0x4c: {  	v52 =	vshll.u32 v3, $0x1  }
0x4d: {  	v3 =	vand.u32 $0x7, v3;
	v4 =	vand.u32 $0xFFFFFFF0, v52  }
0x4e: {  	v3 =	vor.u32 v3, v4  }
0x4f: {  	v4 =	vperm.xlane v3, v0;
	_ =	sdelay $0x1  }
0x50: {  	v3 =	vperm.xlane v3, v2;
	v4 =	vadd.s32 v1, v4;
	_ =	sdelay $0x1  }
0x51: {  	v3 =	vadd.s32 v1, v3;
	_ =	sdelay $0x1  }
0x52: {  	s1 =	rddreg [dreg:$0xb]  }
0x53: {  	[tilespmem:s1], [sflag:$0x1] =	stream.indirect_vreg.gather [hbm4b:s2+s3], $0x80, v4, vm0, $0xb8;
	[tilespmem:$0x10100] =	vst v63  }
0x54: {  	s4 =	rddreg [dreg:$0xc]  }
0x55: {  	[tilespmem:s4], [sflag:$0x1] =	stream.indirect_vreg.gather [hbm4b:s2+s3], $0x80, v3, vm0, $0xb8;
	[tilespmem:$0x10100] =	vst v63  }
0x56: {  	v3 =	vld [tilespmem:$0x50];
	_ =	sdelay $0x4  }
0x57: {  	v53 =	vshll.u32 v3, $0x1  }
0x58: {  	v3 =	vand.u32 $0x7, v3;
	v4 =	vand.u32 $0xFFFFFFF0, v53  }
0x59: {  	v3 =	vor.u32 v3, v4  }
0x5a: {  	v4 =	vperm.xlane v3, v0;
	_ =	sdelay $0x1  }
0x5b: {  	v3 =	vperm.xlane v3, v2;
	v4 =	vadd.s32 v1, v4;
	_ =	sdelay $0x1  }
0x5c: {  	v3 =	vadd.s32 v1, v3;
	_ =	sdelay $0x1  }
0x5d: {  	s4 =	rddreg [dreg:$0xd]  }
0x5e: {  	[tilespmem:s4], [sflag:$0x1] =	stream.indirect_vreg.gather [hbm4b:s2+s3], $0x80, v4, vm0, $0xb8;
	[tilespmem:$0x10100] =	vst v63  }
0x5f: {  	_ = 	snop  }
0x60: {  	[tilespmem:s8], [sflag:$0x1] =	stream.indirect_vreg.gather [hbm4b:s2+s3], $0x80, v3, vm0, $0xb8;
	[tilespmem:$0x10100] =	vst v63  }
0x61: {  	v3 =	vld [tilespmem:$0x60];
	_ =	sdelay $0x4  }
0x62: {  	v54 =	vshll.u32 v3, $0x1  }
0x63: {  	v3 =	vand.u32 $0x7, v3;
	v4 =	vand.u32 $0xFFFFFFF0, v54  }
0x64: {  	v3 =	vor.u32 v3, v4  }
0x65: {  	v4 =	vperm.xlane v3, v0;
	_ =	sdelay $0x1  }
0x66: {  	v3 =	vperm.xlane v3, v2;
	v4 =	vadd.s32 v1, v4;
	_ =	sdelay $0x1  }
0x67: {  	v3 =	vadd.s32 v1, v3;
	_ =	sdelay $0x2  }
0x68: {  	[tilespmem:s9], [sflag:$0x1] =	stream.indirect_vreg.gather [hbm4b:s2+s3], $0x80, v4, vm0, $0xb8;
	[tilespmem:$0x10100] =	vst v63  }
0x69: {  	_ = 	snop  }
0x6a: {  	[tilespmem:s10], [sflag:$0x1] =	stream.indirect_vreg.gather [hbm4b:s2+s3], $0x80, v3, vm0, $0xb8;
	[tilespmem:$0x10100] =	vst v63  }
0x6b: {  	v3 =	vld [tilespmem:$0x70];
	_ =	sdelay $0x4  }
0x6c: {  	v55 =	vshll.u32 v3, $0x1  }
0x6d: {  	v3 =	vand.u32 $0x7, v3;
	v4 =	vand.u32 $0xFFFFFFF0, v55  }
0x6e: {  	v3 =	vor.u32 v3, v4  }
0x6f: {  	v4 =	vperm.xlane v3, v0;
	_ =	sdelay $0x1  }
0x70: {  	v3 =	vperm.xlane v3, v2;
	v4 =	vadd.s32 v1, v4;
	_ =	sdelay $0x1  }
0x71: {  	v3 =	vadd.s32 v1, v3;
	_ =	sdelay $0x2  }
0x72: {  	[tilespmem:s11], [sflag:$0x1] =	stream.indirect_vreg.gather [hbm4b:s2+s3], $0x80, v4, vm0, $0xb8;
	[tilespmem:$0x10100] =	vst v63  }
0x73: {  	_ = 	snop  }
0x74: {  	[tilespmem:s12], [sflag:$0x1] =	stream.indirect_vreg.gather [hbm4b:s2+s3], $0x80, v3, vm0, $0xb8;
	[tilespmem:$0x10100] =	vst v63  }
0x75: {  	v3 =	vld [tilespmem:$0x80];
	_ =	sdelay $0x4  }
0x76: {  	v56 =	vshll.u32 v3, $0x1  }
0x77: {  	v3 =	vand.u32 $0x7, v3;
	v4 =	vand.u32 $0xFFFFFFF0, v56  }
0x78: {  	v3 =	vor.u32 v3, v4  }
0x79: {  	v4 =	vperm.xlane v3, v0;
	_ =	sdelay $0x1  }
0x7a: {  	v3 =	vperm.xlane v3, v2;
	v4 =	vadd.s32 v1, v4;
	_ =	sdelay $0x1  }
0x7b: {  	v3 =	vadd.s32 v1, v3;
	_ =	sdelay $0x2  }
0x7c: {  	[tilespmem:s13], [sflag:$0x1] =	stream.indirect_vreg.gather [hbm4b:s2+s3], $0x80, v4, vm0, $0xb8;
	[tilespmem:$0x10100] =	vst v63  }
0x7d: {  	_ = 	snop  }
0x7e: {  	[tilespmem:s14], [sflag:$0x1] =	stream.indirect_vreg.gather [hbm4b:s2+s3], $0x80, v3, vm0, $0xb8;
	[tilespmem:$0x10100] =	vst v63  }
0x7f: {  	v3 =	vld [tilespmem:$0x90];
	_ =	sdelay $0x4  }
0x80: {  	v57 =	vshll.u32 v3, $0x1  }
0x81: {  	v3 =	vand.u32 $0x7, v3;
	v4 =	vand.u32 $0xFFFFFFF0, v57  }
0x82: {  	v3 =	vor.u32 v3, v4  }
0x83: {  	v4 =	vperm.xlane v3, v0;
	_ =	sdelay $0x1  }
0x84: {  	v3 =	vperm.xlane v3, v2;
	v4 =	vadd.s32 v1, v4;
	_ =	sdelay $0x1  }
0x85: {  	v3 =	vadd.s32 v1, v3;
	_ =	sdelay $0x2  }
0x86: {  	[tilespmem:s15], [sflag:$0x1] =	stream.indirect_vreg.gather [hbm4b:s2+s3], $0x80, v4, vm0, $0xb8;
	[tilespmem:$0x10100] =	vst v63  }
0x87: {  	_ = 	snop  }
0x88: {  	[tilespmem:s16], [sflag:$0x1] =	stream.indirect_vreg.gather [hbm4b:s2+s3], $0x80, v3, vm0, $0xb8;
	[tilespmem:$0x10100] =	vst v63  }
0x89: {  	v3 =	vld [tilespmem:$0xA0];
	_ =	sdelay $0x4  }
0x8a: {  	v58 =	vshll.u32 v3, $0x1  }
0x8b: {  	v3 =	vand.u32 $0x7, v3;
	v4 =	vand.u32 $0xFFFFFFF0, v58  }
0x8c: {  	v3 =	vor.u32 v3, v4  }
0x8d: {  	v4 =	vperm.xlane v3, v0;
	_ =	sdelay $0x1  }
0x8e: {  	v3 =	vperm.xlane v3, v2;
	v4 =	vadd.s32 v1, v4;
	_ =	sdelay $0x1  }
0x8f: {  	v3 =	vadd.s32 v1, v3;
	_ =	sdelay $0x2  }
0x90: {  	[tilespmem:s17], [sflag:$0x1] =	stream.indirect_vreg.gather [hbm4b:s2+s3], $0x80, v4, vm0, $0xb8;
	[tilespmem:$0x10100] =	vst v63  }
0x91: {  	_ = 	snop  }
0x92: {  	[tilespmem:s18], [sflag:$0x1] =	stream.indirect_vreg.gather [hbm4b:s2+s3], $0x80, v3, vm0, $0xb8;
	[tilespmem:$0x10100] =	vst v63  }
0x93: {  	v3 =	vld [tilespmem:$0xB0];
	_ =	sdelay $0x4  }
0x94: {  	v59 =	vshll.u32 v3, $0x1  }
0x95: {  	v3 =	vand.u32 $0x7, v3;
	v4 =	vand.u32 $0xFFFFFFF0, v59  }
0x96: {  	v3 =	vor.u32 v3, v4  }
0x97: {  	v4 =	vperm.xlane v3, v0;
	_ =	sdelay $0x1  }
0x98: {  	v3 =	vperm.xlane v3, v2;
	v4 =	vadd.s32 v1, v4;
	_ =	sdelay $0x1  }
0x99: {  	v3 =	vadd.s32 v1, v3;
	_ =	sdelay $0x2  }
0x9a: {  	[tilespmem:s19], [sflag:$0x1] =	stream.indirect_vreg.gather [hbm4b:s2+s3], $0x80, v4, vm0, $0xb8;
	[tilespmem:$0x10100] =	vst v63  }
0x9b: {  	_ = 	snop  }
0x9c: {  	[tilespmem:s20], [sflag:$0x1] =	stream.indirect_vreg.gather [hbm4b:s2+s3], $0x80, v3, vm0, $0xb8;
	[tilespmem:$0x10100] =	vst v63  }
0x9d: {  	v3 =	vld [tilespmem:$0xC0];
	_ =	sdelay $0x4  }
0x9e: {  	v60 =	vshll.u32 v3, $0x1  }
0x9f: {  	v3 =	vand.u32 $0x7, v3;
	v4 =	vand.u32 $0xFFFFFFF0, v60  }
0xa0: {  	v3 =	vor.u32 v3, v4  }
0xa1: {  	v4 =	vperm.xlane v3, v0;
	_ =	sdelay $0x1  }
0xa2: {  	v3 =	vperm.xlane v3, v2;
	v4 =	vadd.s32 v1, v4;
	_ =	sdelay $0x1  }
0xa3: {  	v3 =	vadd.s32 v1, v3;
	_ =	sdelay $0x2  }
0xa4: {  	[tilespmem:s21], [sflag:$0x1] =	stream.indirect_vreg.gather [hbm4b:s2+s3], $0x80, v4, vm0, $0xb8;
	[tilespmem:$0x10100] =	vst v63  }
0xa5: {  	_ = 	snop  }
0xa6: {  	[tilespmem:s22], [sflag:$0x1] =	stream.indirect_vreg.gather [hbm4b:s2+s3], $0x80, v3, vm0, $0xb8;
	[tilespmem:$0x10100] =	vst v63  }
0xa7: {  	v3 =	vld [tilespmem:$0xD0];
	_ =	sdelay $0x4  }
0xa8: {  	v61 =	vshll.u32 v3, $0x1  }
0xa9: {  	v3 =	vand.u32 $0x7, v3;
	v4 =	vand.u32 $0xFFFFFFF0, v61  }
0xaa: {  	v3 =	vor.u32 v3, v4  }
0xab: {  	v4 =	vperm.xlane v3, v0;
	_ =	sdelay $0x1  }
0xac: {  	v3 =	vperm.xlane v3, v2;
	v4 =	vadd.s32 v1, v4;
	_ =	sdelay $0x1  }
0xad: {  	v3 =	vadd.s32 v1, v3;
	_ =	sdelay $0x2  }
0xae: {  	[tilespmem:s23], [sflag:$0x1] =	stream.indirect_vreg.gather [hbm4b:s2+s3], $0x80, v4, vm0, $0xb8;
	[tilespmem:$0x10100] =	vst v63  }
0xaf: {  	_ = 	snop  }
0xb0: {  	[tilespmem:s24], [sflag:$0x1] =	stream.indirect_vreg.gather [hbm4b:s2+s3], $0x80, v3, vm0, $0xb8;
	[tilespmem:$0x10100] =	vst v63  }
0xb1: {  	v3 =	vld [tilespmem:$0xE0];
	_ =	sdelay $0x4  }
0xb2: {  	v62 =	vshll.u32 v3, $0x1  }
0xb3: {  	v3 =	vand.u32 $0x7, v3;
	v4 =	vand.u32 $0xFFFFFFF0, v62  }
0xb4: {  	v3 =	vor.u32 v3, v4  }
0xb5: {  	v4 =	vperm.xlane v3, v0;
	_ =	sdelay $0x1  }
0xb6: {  	v3 =	vperm.xlane v3, v2;
	v4 =	vadd.s32 v1, v4;
	_ =	sdelay $0x1  }
0xb7: {  	v3 =	vadd.s32 v1, v3;
	_ =	sdelay $0x2  }
0xb8: {  	[tilespmem:s25], [sflag:$0x1] =	stream.indirect_vreg.gather [hbm4b:s2+s3], $0x80, v4, vm0, $0xb8;
	[tilespmem:$0x10100] =	vst v63  }
0xb9: {  	_ = 	snop  }
0xba: {  	[tilespmem:s26], [sflag:$0x1] =	stream.indirect_vreg.gather [hbm4b:s2+s3], $0x80, v3, vm0, $0xb8;
	[tilespmem:$0x10100] =	vst v63  }
0xbb: {  	v3 =	vld [tilespmem:$0xF0];
	_ =	sdelay $0x4  }
0xbc: {  	v63 =	vshll.u32 v3, $0x1  }
0xbd: {  	v3 =	vand.u32 $0x7, v3;
	v4 =	vand.u32 $0xFFFFFFF0, v63  }
0xbe: {  	v3 =	vor.u32 v3, v4  }
0xbf: {  	v4 =	vperm.xlane v3, v0;
	_ =	sdelay $0x1  }
0xc0: {  	v3 =	vperm.xlane v3, v2;
	v4 =	vadd.s32 v1, v4;
	_ =	sdelay $0x1  }
0xc1: {  	v3 =	vadd.s32 v1, v3;
	_ =	sdelay $0x2  }
0xc2: {  	[tilespmem:s28], [sflag:$0x1] =	stream.indirect_vreg.gather [hbm4b:s2+s3], $0x80, v4, vm0, $0xb8;
	[tilespmem:$0x10100] =	vst v63  }
0xc3: {  	_ = 	snop  }
0xc4: {  	[tilespmem:s29], [sflag:$0x1] =	stream.indirect_vreg.gather [hbm4b:s2+s3], $0x80, v3, vm0, $0xb8;
	[tilespmem:$0x10100] =	vst v63  }
0xc5: {  	_ =	swait.ge [sflag:s30], $0x10000  }
0xc6: {  	p0 =	sne.s32 s0, $0xE0;
	[sflag:s30] =	ssyncset.done $0x0  }
.Ltmp0:
0xc7: {  	[sflag:s30] =	ssyncadd.s32 $0xFFFF0000;
	(pc) =	sbr.rel @p0 .LBB2_2-.Ltmp0, $4  }
0xc8: {  	[hbm4b:s5+s3] =	stream.linear.scatter [tilespmem:s7], [sflag:$0x2], $0x10000, $0x38;
	[tilespmem:$0x10100] =	vst v63  }
0xc9: {  	_ =	swait.ge [sflag:s6], $0x10000  }
0xca: {  	[sflag:s6] =	ssyncset.done $0x0  }
0xcb: {  	s0 =	sadd.s32 $0x20, s0;
	s5 =	sadd.s32 $0x2000, s5;
	[sflag:s6] =	ssyncadd.s32 $0xFFFF0000  }
0xcc: {  	s31 =	sadd.s32 $0x1, s31;
	s0 =	rddreg [dreg:$0xe]  }
0xcd: {  	p0 =	sne.s32 s31, s0  }
.Ltmp1:
0xce: {  	_ = 	snop;
	(pc) =	sbr.rel @p0 .LBB2_1-.Ltmp1, $1  }
0xcf: {  	_ =	sdelay $0x3  }
0xd0: {  	_ =	sfence.sel $0x180000  }
0xd1: {  	[bflag:$0x0] =	sbarrier.arrive $0xFFFF  }
0xd2: {  	_ =	strace $0x90000047  }
0xd3: {  	s0 =	stileid.u32;
	[bflag:$0x2] =	sbarrier.arrive $0xFFFF  }
0xd4: {  	p0 =	sne.s32 s0, $0x0;
	s0 =	rddreg [dreg:$0x2]  }
0xd5: {  	s0 =	sadd.s32 @!p0 $0x100000, s0  }
0xd6: {  	[sflag:s0] =	ssyncadd.tile.s32 @!p0 $0x1;
	_ =	shalt  }
.Lfunc_end2:
_tile_overlayer_lowered:
.L_overlay_start_2:
0xd7: {  	(tag) =	ssettag $0x2  }
0xd8: {  	s0 =	rddreg [dreg:$0x0];
	s2 =	stileid.u32  }
0xd9: {  	s1 =	rddreg [dreg:$0x1];
	p0 =	sne.s32 s2, $0x0  }
0xda: {  	s3 =	rddreg [dreg:$0x2];
	[bflag:$0x3] =	sbarrier.arrive $0xFFFF;
	s2 =	simm.s32 @!p0 $0x1C02  }
0xdb: {  	[timem:s3], [sflag:s2] =	dma.local @!p0 [hbm:s0], s1  }
0xdc: {  	s0 =	simm.s32 @!p0 $0x2  }
0xdd: {  	_ =	swait.ge @!p0 [sflag:s0], s1  }
0xde: {  	s1 =	ssub.s32 @!p0 $0x0, s1;
	[sflag:s0] =	ssyncset.done @!p0 $0x0  }
0xdf: {  	[sflag:s0] =	ssyncadd.s32 @!p0 s1  }
0xe0: {  	[bflag:$0x3] =	sbarrier.arrive $0xFFFF  }
0xe1: {  	_ =	shalt  }

</sc_bundles>
